<compile_context>
chip_gen: v7x
topology: tpu7x:2x2x1
jax: 0.10.2.dev20260603
libtpu: 0.0.44.dev20260713+nightly
codegen_flags: <defaults>
</compile_context>

<pallas_src>
import functools

import jax
import jax.numpy as jnp
from jax import lax
from jax.experimental import pallas as pl
from jax.experimental.pallas import tpu as pltpu, tpu_sc as plsc

NC = 2
NS = 16
NW = NC * NS

D = 128
DH = D // 2
CHUNK = 128
CA = 128
CW = 8

PERM = [g + 16 * o + j for g in (0, 32) for j in range(16) for o in (0, 1)]


def _sc_agg(n_rows, n_chunks):
    rows_per_tile = n_rows // NS
    mesh = plsc.VectorSubcoreMesh(core_axis_name="c", subcore_axis_name="s")
    S = 6
    LG = 3
    LI = 4

    @functools.partial(
        pl.kernel,
        out_type=jax.ShapeDtypeStruct((NC * n_rows, DH), jnp.float32),
        mesh=mesh,
        scratch_types=[
            [pltpu.VMEM((2, CA), jnp.int32)] * S,
            [pltpu.VMEM((CA, DH), jnp.bfloat16)] * S,
            [pltpu.VMEM((CA, DH), jnp.float32)] * S,
            pltpu.VMEM_SHARED((n_rows, DH), jnp.float32),
            [pltpu.SemaphoreType.DMA] * S,
            [pltpu.SemaphoreType.DMA] * S,
            [pltpu.SemaphoreType.DMA] * S,
        ],
        compiler_params=pltpu.CompilerParams(use_tc_tiling_on_sc=False,
                                             needs_layout_passes=False))
    def body(h_hbm, idx_hbm, zeros_hbm, agg_out,
             idxs, brows, frows, acc_sh, isem, gsem, ssem):
        cid = lax.axis_index("c")
        sid = lax.axis_index("s")
        idx_base = sid * n_chunks
        row_base = sid * rows_per_tile

        pltpu.sync_copy(zeros_hbm.at[pl.ds(0, rows_per_tile)],
                        acc_sh.at[pl.ds(row_base, rows_per_tile)])

        def fetch_idx(c, k):
            pltpu.async_copy(idx_hbm.at[cid, idx_base + c], idxs[k], isem[k])

        def wait_idx(k):
            pltpu.make_async_copy(idx_hbm.at[0, 0], idxs[k], isem[k]).wait()

        def gather(c, k):
            pltpu.async_copy(h_hbm.at[idxs[k].at[0]], brows[k], gsem[k])

        def unpack(k):
            b, f = brows[k], frows[k]

            @pl.loop(0, CA)
            def _(r):
                for half in range(DH // 32):
                    i0 = plsc.bitcast(b[r, pl.ds(32 * half, 32)], jnp.int32)
                    lo = plsc.bitcast(lax.shift_left(i0, 16), jnp.float32)
                    hi = plsc.bitcast(
                        lax.bitwise_and(i0, jnp.int32(-65536)), jnp.float32)
                    f[r, pl.ds(32 * half, 16)] = lo
                    f[r, pl.ds(32 * half + 16, 16)] = hi

        def scatter(k):
            pltpu.async_copy(frows[k], acc_sh.at[idxs[k].at[1]], ssem[k],
                             add=True)

        for c in range(LI):
            fetch_idx(c, c)
        for c in range(LG):
            wait_idx(c)
            gather(c, c)
        plsc.subcore_barrier()

        @pl.loop(0, S * ((n_chunks + S - 1) // S), step=S)
        def _(g):
            for k in range(S):
                c = g + k
                ki = (k + LI) % S

                @pl.when(c + LI < n_chunks)
                def _():
                    @pl.when(c + LI - S >= 0)
                    def _():
                        pltpu.make_async_copy(frows[ki],
                                              acc_sh.at[idxs[ki].at[1]],
                                              ssem[ki]).wait()
                    fetch_idx(c + LI, ki)

                kg = (k + LG) % S

                @pl.when(c + LG < n_chunks)
                def _():
                    wait_idx(kg)
                    gather(c + LG, kg)

                @pl.when(c < n_chunks)
                def _():
                    pltpu.make_async_copy(h_hbm.at[idxs[k].at[0]], brows[k],
                                          gsem[k]).wait()
                    unpack(k)
                    scatter(k)

        for k in range(S):
            pltpu.make_async_copy(frows[k], acc_sh.at[idxs[k].at[1]],
                                  ssem[k]).wait()

        plsc.subcore_barrier()

        pltpu.sync_copy(
            acc_sh.at[pl.ds(row_base, rows_per_tile)],
            agg_out.at[pl.ds(cid * n_rows + row_base, rows_per_tile)])

    return body


def _sc_counts(n_rows, n_chunks):
    rows_per_tile = n_rows // NS
    mesh = plsc.VectorSubcoreMesh(core_axis_name="c", subcore_axis_name="s")

    @functools.partial(
        pl.kernel,
        out_type=jax.ShapeDtypeStruct((NC, n_rows, CW), jnp.float32),
        mesh=mesh,
        scratch_types=[
            pltpu.VMEM((n_chunks, CHUNK), jnp.int32),
            pltpu.VMEM((CHUNK, CW), jnp.float32),
            pltpu.VMEM_SHARED((n_rows, CW), jnp.float32),
        ],
        compiler_params=pltpu.CompilerParams(use_tc_tiling_on_sc=False))
    def body(dst_hbm, zc_hbm, ones_hbm, cnt_out, dst_v, ones_v, cnt_sh):
        cid = lax.axis_index("c")
        sid = lax.axis_index("s")
        wid = cid * NS + sid
        idx_base = wid * n_chunks
        row_base = sid * rows_per_tile

        pltpu.sync_copy(dst_hbm.at[pl.ds(idx_base, n_chunks)], dst_v)
        pltpu.sync_copy(ones_hbm, ones_v)
        pltpu.sync_copy(zc_hbm, cnt_sh.at[pl.ds(row_base, rows_per_tile)])
        plsc.subcore_barrier()

        @pl.loop(0, n_chunks)
        def _(j):
            pltpu.sync_copy(ones_v, cnt_sh.at[dst_v.at[j]], add=True)

        plsc.subcore_barrier()
        pltpu.sync_copy(cnt_sh.at[pl.ds(row_base, rows_per_tile)],
                        cnt_out.at[cid, pl.ds(row_base, rows_per_tile)])

    return body


def _tc_layer(n_rows, block):
    nb = n_rows // block

    def body(alo, ahi, xlo, xhi, cnt_ref, wl_ref, wr_ref, b_ref, o_ref):
        agg = jnp.concatenate([alo[...], ahi[...]], axis=1)
        x = jnp.concatenate([xlo[...], xhi[...]], axis=1)
        cnt = cnt_ref[0, :, 0:1] + cnt_ref[1, :, 0:1]
        mean = agg / jnp.maximum(cnt, 1.0)
        o_ref[...] = jnp.maximum(
            jnp.dot(mean, wl_ref[...], preferred_element_type=jnp.float32)
            + jnp.dot(x, wr_ref[...], preferred_element_type=jnp.float32)
            + b_ref[0:1, :], 0.0)

    half = pl.BlockSpec((block, DH), lambda i, j: (i, 0))
    other = pl.BlockSpec((block, DH), lambda i, j: (nb + i, 0))
    return pl.pallas_call(
        body,
        grid=(nb, 2),
        in_specs=[
            half, other,
            half, other,
            pl.BlockSpec((NC, block, CW), lambda i, j: (0, i, 0)),
            pl.BlockSpec((D, DH), lambda i, j: (j, 0)),
            pl.BlockSpec((D, DH), lambda i, j: (j, 0)),
            pl.BlockSpec((8, DH), lambda i, j: (j, 0)),
        ],
        out_specs=pl.BlockSpec((block, DH), lambda i, j: (j * nb + i, 0)),
        out_shape=jax.ShapeDtypeStruct((NC * n_rows, DH), jnp.float32),
    )


def kernel(x, edge_index, W_l0, b_l0, W_r0, W_l1, b_l1, W_r1):
    n, d = x.shape
    e = edge_index.shape[1]

    nc_cnt = -(-e // (NW * CHUNK))
    nc_cnt = -(-nc_cnt // 8) * 8
    e_pad = NW * nc_cnt * CHUNK
    nc_agg = e_pad // (NS * CA)
    assert e_pad == NS * nc_agg * CA
    rows_per_tile = -(-n // NW)
    rows_per_tile = -(-rows_per_tile // CHUNK) * CHUNK
    n_rows = rows_per_tile * NW

    src = edge_index[0].astype(jnp.int32)
    dst = edge_index[1].astype(jnp.int32)
    src = jnp.pad(src, (0, e_pad - e))
    dst = jnp.pad(dst, (0, e_pad - e), constant_values=n_rows - 1)
    srcc = src.reshape(NS * nc_agg, 1, CA)
    dstc = dst.reshape(NS * nc_agg, 1, CA)
    idxp = jnp.stack([
        jnp.concatenate([srcc, dstc], axis=1),
        jnp.concatenate([srcc + n_rows, dstc], axis=1),
    ])
    dst2d = dst.reshape(NW * nc_cnt, CHUNK)

    zeros = jnp.zeros((n_rows // NS, DH), jnp.float32)
    zeros_cnt = jnp.zeros((n_rows // NS, CW), jnp.float32)
    ones = jnp.ones((CHUNK, CW), jnp.float32)

    x_pad = jnp.pad(x, ((0, n_rows - n), (0, 0)))
    x_cat = jnp.concatenate([x_pad[:, :DH], x_pad[:, DH:]], axis=0)

    def colsplit(w):
        return jnp.concatenate([w[:, :DH], w[:, DH:]], axis=0)

    wl0, wr0 = colsplit(W_l0), colsplit(W_r0)
    wl1, wr1 = colsplit(W_l1), colsplit(W_r1)
    def biassplit(b):
        return jnp.pad(b.reshape(2, 1, DH),
                       ((0, 0), (0, 7), (0, 0))).reshape(16, DH)

    bc0 = biassplit(b_l0)
    bc1 = biassplit(b_l1)

    sc_agg = _sc_agg(n_rows, nc_agg)
    sc_counts = _sc_counts(n_rows, nc_cnt)
    tc = _tc_layer(n_rows, 512)

    perm = jnp.array(PERM, jnp.int32)
    cnt = sc_counts(dst2d, zeros_cnt, ones)
    agg0 = sc_agg(x_cat[:, perm].astype(jnp.bfloat16), idxp, zeros)
    h1 = tc(agg0, agg0, x_cat, x_cat, cnt, wl0, wr0, bc0)
    agg1 = sc_agg(h1[:, perm].astype(jnp.bfloat16), idxp, zeros)
    h2 = tc(agg1, agg1, h1, h1, cnt, wl1, wr1, bc1)
    return jnp.concatenate([h2[:n], h2[n_rows:n_rows + n]], axis=1)

# --- scband reference (transcript-rebuilt; emitter-appended) ---
"""Pipeline reference for scband-graph-sageencoder-40080634807134 (READ-ONLY COPY).

The authoritative reference and input builder live on the scoring server;
editing this copy changes nothing except your own understanding.
"""

import jax, jax.numpy as jnp
import numpy as np

N_NODES = 10000
N_EDGES = 320000
IN_DIM = 128
HIDDEN = 128

def setup_inputs(seed: int = 0) -> dict:
    key = jax.random.key(seed)
    ks = jax.random.split(key, 9)
    x = jax.random.normal(ks[0], (N_NODES, IN_DIM), dtype=jnp.float32)
    edge_index = jax.random.randint(ks[1], (2, N_EDGES), 0, N_NODES, dtype=jnp.int64)
    s = 0.05
    W_l0 = jax.random.normal(ks[2], (IN_DIM, HIDDEN), dtype=jnp.float32) * s
    b_l0 = jnp.zeros((HIDDEN,), dtype=jnp.float32)
    W_r0 = jax.random.normal(ks[3], (IN_DIM, HIDDEN), dtype=jnp.float32) * s
    W_l1 = jax.random.normal(ks[4], (HIDDEN, HIDDEN), dtype=jnp.float32) * s
    b_l1 = jnp.zeros((HIDDEN,), dtype=jnp.float32)
    W_r1 = jax.random.normal(ks[5], (HIDDEN, HIDDEN), dtype=jnp.float32) * s
    return {"x": x, "edge_index": edge_index, "W_l0": W_l0, "b_l0": b_l0, "W_r0": W_r0, "W_l1": W_l1, "b_l1": b_l1, "W_r1": W_r1}

def _sage_conv(h, src, dst, W_l, b_l, W_r, n_nodes):
    # PyG SAGEConv(aggr='mean'): out = lin_l(mean_{j in N(i)} x_j) + lin_r(x_i)
    msg = h[src]  # gather source node features per edge
    agg = jax.ops.segment_sum(msg, dst, num_segments=n_nodes)
    cnt = jax.ops.segment_sum(jnp.ones((src.shape[0], 1), dtype=h.dtype), dst, num_segments=n_nodes)
    mean = agg / jnp.maximum(cnt, 1.0)
    return mean @ W_l + b_l + h @ W_r

def reference(x, edge_index, W_l0, b_l0, W_r0, W_l1, b_l1, W_r1):
    src = edge_index[0]
    dst = edge_index[1]
    n = x.shape[0]
    h = _sage_conv(x, src, dst, W_l0, b_l0, W_r0, n)
    h = jax.nn.relu(h)
    # dropout p=0.0 / eval mode -> identity
    h = _sage_conv(h, src, dst, W_l1, b_l1, W_r1, n)
    h = jax.nn.relu(h)
    return h

if __name__ == "__main__":
    import jax
    _d = setup_inputs()
    print(jax.jit(kernel)(*tuple(_d.values())))

</pallas_src>

<mosaic_0001>
#map = affine_map<(d0, d1) -> (0, 0)>
#map1 = affine_map<(d0, d1) -> (0, 0, 0, 0)>
module attributes {stable_mosaic.version = 14 : i64} {
  func.func @body(%arg0: i32, %arg1: i32, %arg2: memref<24576x64xbf16, #tpu.memory_space<hbm>>, %arg3: memref<2x2560x2x128xi32, #tpu.memory_space<hbm>>, %arg4: memref<768x64xf32, #tpu.memory_space<hbm>>, %arg5: memref<24576x64xf32, #tpu.memory_space<hbm>>, %arg6: memref<2x128xi32, #tpu.memory_space<vmem>>, %arg7: memref<2x128xi32, #tpu.memory_space<vmem>>, %arg8: memref<2x128xi32, #tpu.memory_space<vmem>>, %arg9: memref<2x128xi32, #tpu.memory_space<vmem>>, %arg10: memref<2x128xi32, #tpu.memory_space<vmem>>, %arg11: memref<2x128xi32, #tpu.memory_space<vmem>>, %arg12: memref<128x64xbf16, #tpu.memory_space<vmem>>, %arg13: memref<128x64xbf16, #tpu.memory_space<vmem>>, %arg14: memref<128x64xbf16, #tpu.memory_space<vmem>>, %arg15: memref<128x64xbf16, #tpu.memory_space<vmem>>, %arg16: memref<128x64xbf16, #tpu.memory_space<vmem>>, %arg17: memref<128x64xbf16, #tpu.memory_space<vmem>>, %arg18: memref<128x64xf32, #tpu.memory_space<vmem>>, %arg19: memref<128x64xf32, #tpu.memory_space<vmem>>, %arg20: memref<128x64xf32, #tpu.memory_space<vmem>>, %arg21: memref<128x64xf32, #tpu.memory_space<vmem>>, %arg22: memref<128x64xf32, #tpu.memory_space<vmem>>, %arg23: memref<128x64xf32, #tpu.memory_space<vmem>>, %arg24: memref<12288x64xf32, #tpu.memory_space<vmem_shared>>, %arg25: memref<!tpu.dma_semaphore, #tpu.memory_space<semaphore_mem>>, %arg26: memref<!tpu.dma_semaphore, #tpu.memory_space<semaphore_mem>>, %arg27: memref<!tpu.dma_semaphore, #tpu.memory_space<semaphore_mem>>, %arg28: memref<!tpu.dma_semaphore, #tpu.memory_space<semaphore_mem>>, %arg29: memref<!tpu.dma_semaphore, #tpu.memory_space<semaphore_mem>>, %arg30: memref<!tpu.dma_semaphore, #tpu.memory_space<semaphore_mem>>, %arg31: memref<!tpu.dma_semaphore, #tpu.memory_space<semaphore_mem>>, %arg32: memref<!tpu.dma_semaphore, #tpu.memory_space<semaphore_mem>>, %arg33: memref<!tpu.dma_semaphore, #tpu.memory_space<semaphore_mem>>, %arg34: memref<!tpu.dma_semaphore, #tpu.memory_space<semaphore_mem>>, %arg35: memref<!tpu.dma_semaphore, #tpu.memory_space<semaphore_mem>>, %arg36: memref<!tpu.dma_semaphore, #tpu.memory_space<semaphore_mem>>, %arg37: memref<!tpu.dma_semaphore, #tpu.memory_space<semaphore_mem>>, %arg38: memref<!tpu.dma_semaphore, #tpu.memory_space<semaphore_mem>>, %arg39: memref<!tpu.dma_semaphore, #tpu.memory_space<semaphore_mem>>, %arg40: memref<!tpu.dma_semaphore, #tpu.memory_space<semaphore_mem>>, %arg41: memref<!tpu.dma_semaphore, #tpu.memory_space<semaphore_mem>>, %arg42: memref<!tpu.dma_semaphore, #tpu.memory_space<semaphore_mem>>) attributes {dimension_semantics = [#tpu.dimension_semantics<core_parallel>, #tpu.dimension_semantics<subcore_parallel>], iteration_bounds = array<i64: 2, 16>, scalar_prefetch = 0 : i64, scratch_operands = 37 : i64, tpu.core_type = #tpu.core_type<sc_vector_subcore>, window_params = [{transform_indices = #map}, {transform_indices = #map1}, {transform_indices = #map}, {transform_indices = #map}]} {
    %mul3A = arith.constant 160 : i32
    %mul3A_0 = arith.muli %arg1, %mul3A : i32
    %mul3A_1 = arith.constant 768 : i32
    %mul3A_2 = arith.muli %arg1, %mul3A_1 : i32
    "tpu.region"() ({
      %run_scoped3A = tpu.sem_alloc : memref<!tpu.dma_semaphore, #tpu.memory_space<semaphore_mem>>
      %dma_start3A_141 = arith.constant 0 : i32
      %dma_start3A_142 = tpu.memref_slice %arg24[%mul3A_2, %dma_start3A_141] : memref<12288x64xf32, #tpu.memory_space<vmem_shared>> -> memref<768x64xf32, #tpu.memory_space<vmem_shared>>
      %dma_start3A_143 = arith.constant 0 : i32
      %dma_start3A_144 = arith.constant 0 : i32
      %dma_start3A_145 = tpu.memref_slice %arg4[%dma_start3A_143, %dma_start3A_144] : memref<768x64xf32, #tpu.memory_space<hbm>> -> memref<768x64xf32, #tpu.memory_space<hbm>>
      tpu.enqueue_dma source(%dma_start3A_145 : memref<768x64xf32, #tpu.memory_space<hbm>>) target(%dma_start3A_142 : memref<768x64xf32, #tpu.memory_space<vmem_shared>>) target_semaphore(%run_scoped3A : memref<!tpu.dma_semaphore, #tpu.memory_space<semaphore_mem>>)
      %dma_wait3A_146 = arith.constant 0 : i32
      %dma_wait3A_147 = tpu.memref_slice %arg24[%mul3A_2, %dma_wait3A_146] : memref<12288x64xf32, #tpu.memory_space<vmem_shared>> -> memref<768x64xf32, #tpu.memory_space<vmem_shared>>
      %dma_wait3A_148 = arith.constant 0 : i32
      %dma_wait3A_149 = arith.constant 0 : i32
      %dma_wait3A_150 = tpu.memref_slice %arg4[%dma_wait3A_148, %dma_wait3A_149] : memref<768x64xf32, #tpu.memory_space<hbm>> -> memref<768x64xf32, #tpu.memory_space<hbm>>
      tpu.wait_dma2 semaphore(%run_scoped3A : memref<!tpu.dma_semaphore, #tpu.memory_space<semaphore_mem>>) src(%dma_wait3A_150 : memref<768x64xf32, #tpu.memory_space<hbm>>) dst(%dma_wait3A_147 : memref<768x64xf32, #tpu.memory_space<vmem_shared>>)
      tpu.yield
    }) : () -> ()
    %add3A = arith.constant 0 : i32
    %add3A_3 = arith.addi %mul3A_0, %add3A : i32
    %dma_start3A = arith.constant 0 : i32
    %dma_start3A_4 = arith.constant 0 : i32
    %dma_start3A_5 = tpu.memref_slice %arg3[%arg0, %add3A_3, %dma_start3A, %dma_start3A_4] : memref<2x2560x2x128xi32, #tpu.memory_space<hbm>> -> memref<1x1x2x128xi32, #tpu.memory_space<hbm>>
    %dma_start3A_6 = tpu.memref_squeeze %dma_start3A_5 : memref<1x1x2x128xi32, #tpu.memory_space<hbm>> -> memref<2x128xi32, #tpu.memory_space<hbm>>
    %dma_start3A_7 = arith.constant 0 : i32
    %dma_start3A_8 = arith.constant 0 : i32
    %dma_start3A_9 = tpu.memref_slice %arg3[%arg0, %add3A_3, %dma_start3A_7, %dma_start3A_8] : memref<2x2560x2x128xi32, #tpu.memory_space<hbm>> -> memref<1x1x2x128xi32, #tpu.memory_space<hbm>>
    %dma_start3A_10 = tpu.memref_squeeze %dma_start3A_9 : memref<1x1x2x128xi32, #tpu.memory_space<hbm>> -> memref<2x128xi32, #tpu.memory_space<hbm>>
    tpu.enqueue_dma source(%dma_start3A_10 : memref<2x128xi32, #tpu.memory_space<hbm>>) target(%arg6 : memref<2x128xi32, #tpu.memory_space<vmem>>) target_semaphore(%arg25 : memref<!tpu.dma_semaphore, #tpu.memory_space<semaphore_mem>>)
    %add3A_11 = arith.constant 1 : i32
    %add3A_12 = arith.addi %mul3A_0, %add3A_11 : i32
    %dma_start3A_13 = arith.constant 0 : i32
    %dma_start3A_14 = arith.constant 0 : i32
    %dma_start3A_15 = tpu.memref_slice %arg3[%arg0, %add3A_12, %dma_start3A_13, %dma_start3A_14] : memref<2x2560x2x128xi32, #tpu.memory_space<hbm>> -> memref<1x1x2x128xi32, #tpu.memory_space<hbm>>
    %dma_start3A_16 = tpu.memref_squeeze %dma_start3A_15 : memref<1x1x2x128xi32, #tpu.memory_space<hbm>> -> memref<2x128xi32, #tpu.memory_space<hbm>>
    %dma_start3A_17 = arith.constant 0 : i32
    %dma_start3A_18 = arith.constant 0 : i32
    %dma_start3A_19 = tpu.memref_slice %arg3[%arg0, %add3A_12, %dma_start3A_17, %dma_start3A_18] : memref<2x2560x2x128xi32, #tpu.memory_space<hbm>> -> memref<1x1x2x128xi32, #tpu.memory_space<hbm>>
    %dma_start3A_20 = tpu.memref_squeeze %dma_start3A_19 : memref<1x1x2x128xi32, #tpu.memory_space<hbm>> -> memref<2x128xi32, #tpu.memory_space<hbm>>
    tpu.enqueue_dma source(%dma_start3A_20 : memref<2x128xi32, #tpu.memory_space<hbm>>) target(%arg7 : memref<2x128xi32, #tpu.memory_space<vmem>>) target_semaphore(%arg26 : memref<!tpu.dma_semaphore, #tpu.memory_space<semaphore_mem>>)
    %add3A_21 = arith.constant 2 : i32
    %add3A_22 = arith.addi %mul3A_0, %add3A_21 : i32
    %dma_start3A_23 = arith.constant 0 : i32
    %dma_start3A_24 = arith.constant 0 : i32
    %dma_start3A_25 = tpu.memref_slice %arg3[%arg0, %add3A_22, %dma_start3A_23, %dma_start3A_24] : memref<2x2560x2x128xi32, #tpu.memory_space<hbm>> -> memref<1x1x2x128xi32, #tpu.memory_space<hbm>>
    %dma_start3A_26 = tpu.memref_squeeze %dma_start3A_25 : memref<1x1x2x128xi32, #tpu.memory_space<hbm>> -> memref<2x128xi32, #tpu.memory_space<hbm>>
    %dma_start3A_27 = arith.constant 0 : i32
    %dma_start3A_28 = arith.constant 0 : i32
    %dma_start3A_29 = tpu.memref_slice %arg3[%arg0, %add3A_22, %dma_start3A_27, %dma_start3A_28] : memref<2x2560x2x128xi32, #tpu.memory_space<hbm>> -> memref<1x1x2x128xi32, #tpu.memory_space<hbm>>
    %dma_start3A_30 = tpu.memref_squeeze %dma_start3A_29 : memref<1x1x2x128xi32, #tpu.memory_space<hbm>> -> memref<2x128xi32, #tpu.memory_space<hbm>>
    tpu.enqueue_dma source(%dma_start3A_30 : memref<2x128xi32, #tpu.memory_space<hbm>>) target(%arg8 : memref<2x128xi32, #tpu.memory_space<vmem>>) target_semaphore(%arg27 : memref<!tpu.dma_semaphore, #tpu.memory_space<semaphore_mem>>)
    %add3A_31 = arith.constant 3 : i32
    %add3A_32 = arith.addi %mul3A_0, %add3A_31 : i32
    %dma_start3A_33 = arith.constant 0 : i32
    %dma_start3A_34 = arith.constant 0 : i32
    %dma_start3A_35 = tpu.memref_slice %arg3[%arg0, %add3A_32, %dma_start3A_33, %dma_start3A_34] : memref<2x2560x2x128xi32, #tpu.memory_space<hbm>> -> memref<1x1x2x128xi32, #tpu.memory_space<hbm>>
    %dma_start3A_36 = tpu.memref_squeeze %dma_start3A_35 : memref<1x1x2x128xi32, #tpu.memory_space<hbm>> -> memref<2x128xi32, #tpu.memory_space<hbm>>
    %dma_start3A_37 = arith.constant 0 : i32
    %dma_start3A_38 = arith.constant 0 : i32
    %dma_start3A_39 = tpu.memref_slice %arg3[%arg0, %add3A_32, %dma_start3A_37, %dma_start3A_38] : memref<2x2560x2x128xi32, #tpu.memory_space<hbm>> -> memref<1x1x2x128xi32, #tpu.memory_space<hbm>>
    %dma_start3A_40 = tpu.memref_squeeze %dma_start3A_39 : memref<1x1x2x128xi32, #tpu.memory_space<hbm>> -> memref<2x128xi32, #tpu.memory_space<hbm>>
    tpu.enqueue_dma source(%dma_start3A_40 : memref<2x128xi32, #tpu.memory_space<hbm>>) target(%arg9 : memref<2x128xi32, #tpu.memory_space<vmem>>) target_semaphore(%arg28 : memref<!tpu.dma_semaphore, #tpu.memory_space<semaphore_mem>>)
    %dma_wait3A = arith.constant 0 : i32
    %dma_wait3A_41 = arith.constant 0 : i32
    %dma_wait3A_42 = arith.constant 0 : i32
    %dma_wait3A_43 = arith.constant 0 : i32
    %dma_wait3A_44 = tpu.memref_slice %arg3[%dma_wait3A, %dma_wait3A_41, %dma_wait3A_42, %dma_wait3A_43] : memref<2x2560x2x128xi32, #tpu.memory_space<hbm>> -> memref<1x1x2x128xi32, #tpu.memory_space<hbm>>
    %dma_wait3A_45 = tpu.memref_squeeze %dma_wait3A_44 : memref<1x1x2x128xi32, #tpu.memory_space<hbm>> -> memref<2x128xi32, #tpu.memory_space<hbm>>
    %dma_wait3A_46 = arith.constant 0 : i32
    %dma_wait3A_47 = arith.constant 0 : i32
    %dma_wait3A_48 = tpu.memref_slice %arg3[%dma_wait3A, %dma_wait3A_41, %dma_wait3A_46, %dma_wait3A_47] : memref<2x2560x2x128xi32, #tpu.memory_space<hbm>> -> memref<1x1x2x128xi32, #tpu.memory_space<hbm>>
    %dma_wait3A_49 = tpu.memref_squeeze %dma_wait3A_48 : memref<1x1x2x128xi32, #tpu.memory_space<hbm>> -> memref<2x128xi32, #tpu.memory_space<hbm>>
    tpu.wait_dma2 semaphore(%arg25 : memref<!tpu.dma_semaphore, #tpu.memory_space<semaphore_mem>>) src(%dma_wait3A_49 : memref<2x128xi32, #tpu.memory_space<hbm>>) dst(%arg6 : memref<2x128xi32, #tpu.memory_space<vmem>>)
    %dma_start3A_50 = arith.constant 0 : i32
    %dma_start3A_51 = arith.constant 0 : i32
    %dma_start3A_52 = tpu.memref_slice %arg6[%dma_start3A_50, %dma_start3A_51] : memref<2x128xi32, #tpu.memory_space<vmem>> -> memref<1x128xi32, #tpu.memory_space<vmem>>
    %dma_start3A_53 = tpu.memref_squeeze %dma_start3A_52 : memref<1x128xi32, #tpu.memory_space<vmem>> -> memref<128xi32, #tpu.memory_space<vmem>>
    %dma_start3A_54 = arith.constant 0 : i32
    %dma_start3A_55 = arith.constant 0 : i32
    %dma_start3A_56 = tpu.memref_slice %arg2[%dma_start3A_54, %dma_start3A_55] : memref<24576x64xbf16, #tpu.memory_space<hbm>> -> memref<24576x64xbf16, #tpu.memory_space<hbm>>
    tpu.enqueue_indirect_dma source(%dma_start3A_56 : memref<24576x64xbf16, #tpu.memory_space<hbm>>) target(%arg12 : memref<128x64xbf16, #tpu.memory_space<vmem>>) offsets(%dma_start3A_53 : memref<128xi32, #tpu.memory_space<vmem>>) semaphore(%arg31 : memref<!tpu.dma_semaphore, #tpu.memory_space<semaphore_mem>>)
    %dma_wait3A_57 = arith.constant 0 : i32
    %dma_wait3A_58 = arith.constant 0 : i32
    %dma_wait3A_59 = arith.constant 0 : i32
    %dma_wait3A_60 = arith.constant 0 : i32
    %dma_wait3A_61 = tpu.memref_slice %arg3[%dma_wait3A_57, %dma_wait3A_58, %dma_wait3A_59, %dma_wait3A_60] : memref<2x2560x2x128xi32, #tpu.memory_space<hbm>> -> memref<1x1x2x128xi32, #tpu.memory_space<hbm>>
    %dma_wait3A_62 = tpu.memref_squeeze %dma_wait3A_61 : memref<1x1x2x128xi32, #tpu.memory_space<hbm>> -> memref<2x128xi32, #tpu.memory_space<hbm>>
    %dma_wait3A_63 = arith.constant 0 : i32
    %dma_wait3A_64 = arith.constant 0 : i32
    %dma_wait3A_65 = tpu.memref_slice %arg3[%dma_wait3A_57, %dma_wait3A_58, %dma_wait3A_63, %dma_wait3A_64] : memref<2x2560x2x128xi32, #tpu.memory_space<hbm>> -> memref<1x1x2x128xi32, #tpu.memory_space<hbm>>
    %dma_wait3A_66 = tpu.memref_squeeze %dma_wait3A_65 : memref<1x1x2x128xi32, #tpu.memory_space<hbm>> -> memref<2x128xi32, #tpu.memory_space<hbm>>
    tpu.wait_dma2 semaphore(%arg26 : memref<!tpu.dma_semaphore, #tpu.memory_space<semaphore_mem>>) src(%dma_wait3A_66 : memref<2x128xi32, #tpu.memory_space<hbm>>) dst(%arg7 : memref<2x128xi32, #tpu.memory_space<vmem>>)
    %dma_start3A_67 = arith.constant 0 : i32
    %dma_start3A_68 = arith.constant 0 : i32
    %dma_start3A_69 = tpu.memref_slice %arg7[%dma_start3A_67, %dma_start3A_68] : memref<2x128xi32, #tpu.memory_space<vmem>> -> memref<1x128xi32, #tpu.memory_space<vmem>>
    %dma_start3A_70 = tpu.memref_squeeze %dma_start3A_69 : memref<1x128xi32, #tpu.memory_space<vmem>> -> memref<128xi32, #tpu.memory_space<vmem>>
    %dma_start3A_71 = arith.constant 0 : i32
    %dma_start3A_72 = arith.constant 0 : i32
    %dma_start3A_73 = tpu.memref_slice %arg2[%dma_start3A_71, %dma_start3A_72] : memref<24576x64xbf16, #tpu.memory_space<hbm>> -> memref<24576x64xbf16, #tpu.memory_space<hbm>>
    tpu.enqueue_indirect_dma source(%dma_start3A_73 : memref<24576x64xbf16, #tpu.memory_space<hbm>>) target(%arg13 : memref<128x64xbf16, #tpu.memory_space<vmem>>) offsets(%dma_start3A_70 : memref<128xi32, #tpu.memory_space<vmem>>) semaphore(%arg32 : memref<!tpu.dma_semaphore, #tpu.memory_space<semaphore_mem>>)
    %dma_wait3A_74 = arith.constant 0 : i32
    %dma_wait3A_75 = arith.constant 0 : i32
    %dma_wait3A_76 = arith.constant 0 : i32
    %dma_wait3A_77 = arith.constant 0 : i32
    %dma_wait3A_78 = tpu.memref_slice %arg3[%dma_wait3A_74, %dma_wait3A_75, %dma_wait3A_76, %dma_wait3A_77] : memref<2x2560x2x128xi32, #tpu.memory_space<hbm>> -> memref<1x1x2x128xi32, #tpu.memory_space<hbm>>
    %dma_wait3A_79 = tpu.memref_squeeze %dma_wait3A_78 : memref<1x1x2x128xi32, #tpu.memory_space<hbm>> -> memref<2x128xi32, #tpu.memory_space<hbm>>
    %dma_wait3A_80 = arith.constant 0 : i32
    %dma_wait3A_81 = arith.constant 0 : i32
    %dma_wait3A_82 = tpu.memref_slice %arg3[%dma_wait3A_74, %dma_wait3A_75, %dma_wait3A_80, %dma_wait3A_81] : memref<2x2560x2x128xi32, #tpu.memory_space<hbm>> -> memref<1x1x2x128xi32, #tpu.memory_space<hbm>>
    %dma_wait3A_83 = tpu.memref_squeeze %dma_wait3A_82 : memref<1x1x2x128xi32, #tpu.memory_space<hbm>> -> memref<2x128xi32, #tpu.memory_space<hbm>>
    tpu.wait_dma2 semaphore(%arg27 : memref<!tpu.dma_semaphore, #tpu.memory_space<semaphore_mem>>) src(%dma_wait3A_83 : memref<2x128xi32, #tpu.memory_space<hbm>>) dst(%arg8 : memref<2x128xi32, #tpu.memory_space<vmem>>)
    %dma_start3A_84 = arith.constant 0 : i32
    %dma_start3A_85 = arith.constant 0 : i32
    %dma_start3A_86 = tpu.memref_slice %arg8[%dma_start3A_84, %dma_start3A_85] : memref<2x128xi32, #tpu.memory_space<vmem>> -> memref<1x128xi32, #tpu.memory_space<vmem>>
    %dma_start3A_87 = tpu.memref_squeeze %dma_start3A_86 : memref<1x128xi32, #tpu.memory_space<vmem>> -> memref<128xi32, #tpu.memory_space<vmem>>
    %dma_start3A_88 = arith.constant 0 : i32
    %dma_start3A_89 = arith.constant 0 : i32
    %dma_start3A_90 = tpu.memref_slice %arg2[%dma_start3A_88, %dma_start3A_89] : memref<24576x64xbf16, #tpu.memory_space<hbm>> -> memref<24576x64xbf16, #tpu.memory_space<hbm>>
    tpu.enqueue_indirect_dma source(%dma_start3A_90 : memref<24576x64xbf16, #tpu.memory_space<hbm>>) target(%arg14 : memref<128x64xbf16, #tpu.memory_space<vmem>>) offsets(%dma_start3A_87 : memref<128xi32, #tpu.memory_space<vmem>>) semaphore(%arg33 : memref<!tpu.dma_semaphore, #tpu.memory_space<semaphore_mem>>)
    %barrier3A = arith.constant 0 : index
    tpu.barrier barrier_id(%barrier3A)
    %scan3A = arith.constant 0 : i32
    %scan3A_91 = arith.constant 27 : i32
    %scan3A_92 = arith.addi %scan3A, %scan3A_91 : i32
    %scan3A_93 = arith.constant 1 : i32
    scf.for %scan3A_141 = %scan3A to %scan3A_92 step %scan3A_93  : i32 {
      %mul3A_142 = arith.constant 6 : i32
      %mul3A_143 = arith.muli %scan3A_141, %mul3A_142 : i32
      %add3A_144 = arith.constant 0 : i32
      %add3A_145 = arith.addi %add3A_144, %mul3A_143 : i32
      %add3A_146 = arith.constant 0 : i32
      %add3A_147 = arith.addi %add3A_145, %add3A_146 : i32
      %add3A_148 = arith.constant 4 : i32
      %add3A_149 = arith.addi %add3A_147, %add3A_148 : i32
      %lt3A = arith.constant 160 : i32
      %lt3A_150 = arith.cmpi slt, %add3A_149, %lt3A : i32
      %convert_element_type3A = arith.extui %lt3A_150 : i1 to i32
      %cond3A = arith.constant 0 : i32
      %cond3A_151 = arith.cmpi ne, %convert_element_type3A, %cond3A : i32
      scf.if %cond3A_151 {
        %add3A_269 = arith.constant 4 : i32
        %add3A_270 = arith.addi %add3A_147, %add3A_269 : i32
        %sub3A = arith.constant 6 : i32
        %sub3A_271 = arith.subi %add3A_270, %sub3A : i32
        %ge3A = arith.constant 0 : i32
        %ge3A_272 = arith.cmpi sge, %sub3A_271, %ge3A : i32
        %convert_element_type3A_273 = arith.extui %ge3A_272 : i1 to i32
        %cond3A_274 = arith.constant 0 : i32
        %cond3A_275 = arith.cmpi ne, %convert_element_type3A_273, %cond3A_274 : i32
        scf.if %cond3A_275 {
          %dma_wait3A_287 = arith.constant 1 : i32
          %dma_wait3A_288 = arith.constant 0 : i32
          %dma_wait3A_289 = tpu.memref_slice %arg10[%dma_wait3A_287, %dma_wait3A_288] : memref<2x128xi32, #tpu.memory_space<vmem>> -> memref<1x128xi32, #tpu.memory_space<vmem>>
          %dma_wait3A_290 = tpu.memref_squeeze %dma_wait3A_289 : memref<1x128xi32, #tpu.memory_space<vmem>> -> memref<128xi32, #tpu.memory_space<vmem>>
          %dma_wait3A_291 = arith.constant 0 : i32
          %dma_wait3A_292 = arith.constant 0 : i32
          %dma_wait3A_293 = tpu.memref_slice %arg24[%dma_wait3A_291, %dma_wait3A_292] : memref<12288x64xf32, #tpu.memory_space<vmem_shared>> -> memref<12288x64xf32, #tpu.memory_space<vmem_shared>>
          tpu.wait_indirect_dma semaphore(%arg41 : memref<!tpu.dma_semaphore, #tpu.memory_space<semaphore_mem>>) src(%arg22 : memref<128x64xf32, #tpu.memory_space<vmem>>) dst(%dma_wait3A_293 : memref<12288x64xf32, #tpu.memory_space<vmem_shared>>)
        } else {
        }
        %add3A_276 = arith.constant 4 : i32
        %add3A_277 = arith.addi %add3A_147, %add3A_276 : i32
        %add3A_278 = arith.addi %mul3A_0, %add3A_277 : i32
        %dma_start3A_279 = arith.constant 0 : i32
        %dma_start3A_280 = arith.constant 0 : i32
        %dma_start3A_281 = tpu.memref_slice %arg3[%arg0, %add3A_278, %dma_start3A_279, %dma_start3A_280] : memref<2x2560x2x128xi32, #tpu.memory_space<hbm>> -> memref<1x1x2x128xi32, #tpu.memory_space<hbm>>
        %dma_start3A_282 = tpu.memref_squeeze %dma_start3A_281 : memref<1x1x2x128xi32, #tpu.memory_space<hbm>> -> memref<2x128xi32, #tpu.memory_space<hbm>>
        %dma_start3A_283 = arith.constant 0 : i32
        %dma_start3A_284 = arith.constant 0 : i32
        %dma_start3A_285 = tpu.memref_slice %arg3[%arg0, %add3A_278, %dma_start3A_283, %dma_start3A_284] : memref<2x2560x2x128xi32, #tpu.memory_space<hbm>> -> memref<1x1x2x128xi32, #tpu.memory_space<hbm>>
        %dma_start3A_286 = tpu.memref_squeeze %dma_start3A_285 : memref<1x1x2x128xi32, #tpu.memory_space<hbm>> -> memref<2x128xi32, #tpu.memory_space<hbm>>
        tpu.enqueue_dma source(%dma_start3A_286 : memref<2x128xi32, #tpu.memory_space<hbm>>) target(%arg10 : memref<2x128xi32, #tpu.memory_space<vmem>>) target_semaphore(%arg29 : memref<!tpu.dma_semaphore, #tpu.memory_space<semaphore_mem>>)
      } else {
      }
      %add3A_152 = arith.constant 3 : i32
      %add3A_153 = arith.addi %add3A_147, %add3A_152 : i32
      %lt3A_154 = arith.constant 160 : i32
      %lt3A_155 = arith.cmpi slt, %add3A_153, %lt3A_154 : i32
      %convert_element_type3A_156 = arith.extui %lt3A_155 : i1 to i32
      %cond3A_157 = arith.constant 0 : i32
      %cond3A_158 = arith.cmpi ne, %convert_element_type3A_156, %cond3A_157 : i32
      scf.if %cond3A_158 {
        %dma_wait3A_269 = arith.constant 0 : i32
        %dma_wait3A_270 = arith.constant 0 : i32
        %dma_wait3A_271 = arith.constant 0 : i32
        %dma_wait3A_272 = arith.constant 0 : i32
        %dma_wait3A_273 = tpu.memref_slice %arg3[%dma_wait3A_269, %dma_wait3A_270, %dma_wait3A_271, %dma_wait3A_272] : memref<2x2560x2x128xi32, #tpu.memory_space<hbm>> -> memref<1x1x2x128xi32, #tpu.memory_space<hbm>>
        %dma_wait3A_274 = tpu.memref_squeeze %dma_wait3A_273 : memref<1x1x2x128xi32, #tpu.memory_space<hbm>> -> memref<2x128xi32, #tpu.memory_space<hbm>>
        %dma_wait3A_275 = arith.constant 0 : i32
        %dma_wait3A_276 = arith.constant 0 : i32
        %dma_wait3A_277 = tpu.memref_slice %arg3[%dma_wait3A_269, %dma_wait3A_270, %dma_wait3A_275, %dma_wait3A_276] : memref<2x2560x2x128xi32, #tpu.memory_space<hbm>> -> memref<1x1x2x128xi32, #tpu.memory_space<hbm>>
        %dma_wait3A_278 = tpu.memref_squeeze %dma_wait3A_277 : memref<1x1x2x128xi32, #tpu.memory_space<hbm>> -> memref<2x128xi32, #tpu.memory_space<hbm>>
        tpu.wait_dma2 semaphore(%arg28 : memref<!tpu.dma_semaphore, #tpu.memory_space<semaphore_mem>>) src(%dma_wait3A_278 : memref<2x128xi32, #tpu.memory_space<hbm>>) dst(%arg9 : memref<2x128xi32, #tpu.memory_space<vmem>>)
        %add3A_279 = arith.constant 3 : i32
        %add3A_280 = arith.addi %add3A_147, %add3A_279 : i32
        %dma_start3A_281 = arith.constant 0 : i32
        %dma_start3A_282 = arith.constant 0 : i32
        %dma_start3A_283 = tpu.memref_slice %arg9[%dma_start3A_281, %dma_start3A_282] : memref<2x128xi32, #tpu.memory_space<vmem>> -> memref<1x128xi32, #tpu.memory_space<vmem>>
        %dma_start3A_284 = tpu.memref_squeeze %dma_start3A_283 : memref<1x128xi32, #tpu.memory_space<vmem>> -> memref<128xi32, #tpu.memory_space<vmem>>
        %dma_start3A_285 = arith.constant 0 : i32
        %dma_start3A_286 = arith.constant 0 : i32
        %dma_start3A_287 = tpu.memref_slice %arg2[%dma_start3A_285, %dma_start3A_286] : memref<24576x64xbf16, #tpu.memory_space<hbm>> -> memref<24576x64xbf16, #tpu.memory_space<hbm>>
        tpu.enqueue_indirect_dma source(%dma_start3A_287 : memref<24576x64xbf16, #tpu.memory_space<hbm>>) target(%arg15 : memref<128x64xbf16, #tpu.memory_space<vmem>>) offsets(%dma_start3A_284 : memref<128xi32, #tpu.memory_space<vmem>>) semaphore(%arg34 : memref<!tpu.dma_semaphore, #tpu.memory_space<semaphore_mem>>)
      } else {
      }
      %lt3A_159 = arith.constant 160 : i32
      %lt3A_160 = arith.cmpi slt, %add3A_147, %lt3A_159 : i32
      %convert_element_type3A_161 = arith.extui %lt3A_160 : i1 to i32
      %cond3A_162 = arith.constant 0 : i32
      %cond3A_163 = arith.cmpi ne, %convert_element_type3A_161, %cond3A_162 : i32
      scf.if %cond3A_163 {
        %dma_wait3A_269 = arith.constant 0 : i32
        %dma_wait3A_270 = arith.constant 0 : i32
        %dma_wait3A_271 = tpu.memref_slice %arg6[%dma_wait3A_269, %dma_wait3A_270] : memref<2x128xi32, #tpu.memory_space<vmem>> -> memref<1x128xi32, #tpu.memory_space<vmem>>
        %dma_wait3A_272 = tpu.memref_squeeze %dma_wait3A_271 : memref<1x128xi32, #tpu.memory_space<vmem>> -> memref<128xi32, #tpu.memory_space<vmem>>
        %dma_wait3A_273 = arith.constant 0 : i32
        %dma_wait3A_274 = arith.constant 0 : i32
        %dma_wait3A_275 = tpu.memref_slice %arg2[%dma_wait3A_273, %dma_wait3A_274] : memref<24576x64xbf16, #tpu.memory_space<hbm>> -> memref<24576x64xbf16, #tpu.memory_space<hbm>>
        tpu.wait_indirect_dma semaphore(%arg31 : memref<!tpu.dma_semaphore, #tpu.memory_space<semaphore_mem>>) src(%dma_wait3A_275 : memref<24576x64xbf16, #tpu.memory_space<hbm>>) dst(%arg12 : memref<128x64xbf16, #tpu.memory_space<vmem>>)
        %scan3A_276 = arith.constant 0 : i32
        %scan3A_277 = arith.constant 128 : i32
        %scan3A_278 = arith.addi %scan3A_276, %scan3A_277 : i32
        %scan3A_279 = arith.constant 1 : i32
        scf.for %scan3A_288 = %scan3A_276 to %scan3A_278 step %scan3A_279  : i32 {
          %mul3A_289 = arith.constant 1 : i32
          %mul3A_290 = arith.muli %scan3A_288, %mul3A_289 : i32
          %add3A_291 = arith.constant 0 : i32
          %add3A_292 = arith.addi %add3A_291, %mul3A_290 : i32
          %get3A = arith.index_cast %add3A_292 : i32 to index
          %get3A_293 = arith.constant 0 : index
          %get3A_294 = tpu.vector_load %arg12[%get3A, %get3A_293] {strides = array<i32>} : memref<128x64xbf16, #tpu.memory_space<vmem>>, vector<32xbf16>,
          %bitcast3A = vector.bitcast %get3A_294 : vector<32xbf16> to vector<16xi32>
          %shift_left3A = arith.constant 16 : i32
          %shift_left3A_295 = vector.broadcast %shift_left3A : i32 to vector<16xi32>
          %shift_left3A_296 = arith.shli %bitcast3A, %shift_left3A_295 : vector<16xi32>
          %bitcast3A_297 = vector.bitcast %shift_left3A_296 : vector<16xi32> to vector<16xf32>
          %and3A = arith.constant -65536 : i32
          %and3A_298 = vector.broadcast %and3A : i32 to vector<16xi32>
          %and3A_299 = arith.andi %bitcast3A, %and3A_298 : vector<16xi32>
          %bitcast3A_300 = vector.bitcast %and3A_299 : vector<16xi32> to vector<16xf32>
          %swap3A = arith.index_cast %add3A_292 : i32 to index
          %swap3A_301 = arith.constant 0 : index
          %swap3A_302 = tpu.vector_load %arg18[%swap3A, %swap3A_301] {strides = array<i32>} : memref<128x64xf32, #tpu.memory_space<vmem>>, vector<16xf32>,
          tpu.vector_store %arg18[%swap3A, %swap3A_301], %bitcast3A_297 {strides = array<i32>} : memref<128x64xf32, #tpu.memory_space<vmem>>, vector<16xf32>,
          %swap3A_303 = arith.index_cast %add3A_292 : i32 to index
          %swap3A_304 = arith.constant 16 : index
          %swap3A_305 = tpu.vector_load %arg18[%swap3A_303, %swap3A_304] {strides = array<i32>} : memref<128x64xf32, #tpu.memory_space<vmem>>, vector<16xf32>,
          tpu.vector_store %arg18[%swap3A_303, %swap3A_304], %bitcast3A_300 {strides = array<i32>} : memref<128x64xf32, #tpu.memory_space<vmem>>, vector<16xf32>,
          %get3A_306 = arith.index_cast %add3A_292 : i32 to index
          %get3A_307 = arith.constant 32 : index
          %get3A_308 = tpu.vector_load %arg12[%get3A_306, %get3A_307] {strides = array<i32>} : memref<128x64xbf16, #tpu.memory_space<vmem>>, vector<32xbf16>,
          %bitcast3A_309 = vector.bitcast %get3A_308 : vector<32xbf16> to vector<16xi32>
          %shift_left3A_310 = arith.constant 16 : i32
          %shift_left3A_311 = vector.broadcast %shift_left3A_310 : i32 to vector<16xi32>
          %shift_left3A_312 = arith.shli %bitcast3A_309, %shift_left3A_311 : vector<16xi32>
          %bitcast3A_313 = vector.bitcast %shift_left3A_312 : vector<16xi32> to vector<16xf32>
          %and3A_314 = arith.constant -65536 : i32
          %and3A_315 = vector.broadcast %and3A_314 : i32 to vector<16xi32>
          %and3A_316 = arith.andi %bitcast3A_309, %and3A_315 : vector<16xi32>
          %bitcast3A_317 = vector.bitcast %and3A_316 : vector<16xi32> to vector<16xf32>
          %swap3A_318 = arith.index_cast %add3A_292 : i32 to index
          %swap3A_319 = arith.constant 32 : index
          %swap3A_320 = tpu.vector_load %arg18[%swap3A_318, %swap3A_319] {strides = array<i32>} : memref<128x64xf32, #tpu.memory_space<vmem>>, vector<16xf32>,
          tpu.vector_store %arg18[%swap3A_318, %swap3A_319], %bitcast3A_313 {strides = array<i32>} : memref<128x64xf32, #tpu.memory_space<vmem>>, vector<16xf32>,
          %swap3A_321 = arith.index_cast %add3A_292 : i32 to index
          %swap3A_322 = arith.constant 48 : index
          %swap3A_323 = tpu.vector_load %arg18[%swap3A_321, %swap3A_322] {strides = array<i32>} : memref<128x64xf32, #tpu.memory_space<vmem>>, vector<16xf32>,
          tpu.vector_store %arg18[%swap3A_321, %swap3A_322], %bitcast3A_317 {strides = array<i32>} : memref<128x64xf32, #tpu.memory_space<vmem>>, vector<16xf32>,
        }
        %scan3A_280 = arith.constant 128 : i32
        %dma_start3A_281 = arith.constant 1 : i32
        %dma_start3A_282 = arith.constant 0 : i32
        %dma_start3A_283 = tpu.memref_slice %arg6[%dma_start3A_281, %dma_start3A_282] : memref<2x128xi32, #tpu.memory_space<vmem>> -> memref<1x128xi32, #tpu.memory_space<vmem>>
        %dma_start3A_284 = tpu.memref_squeeze %dma_start3A_283 : memref<1x128xi32, #tpu.memory_space<vmem>> -> memref<128xi32, #tpu.memory_space<vmem>>
        %dma_start3A_285 = arith.constant 0 : i32
        %dma_start3A_286 = arith.constant 0 : i32
        %dma_start3A_287 = tpu.memref_slice %arg24[%dma_start3A_285, %dma_start3A_286] : memref<12288x64xf32, #tpu.memory_space<vmem_shared>> -> memref<12288x64xf32, #tpu.memory_space<vmem_shared>>
        tpu.enqueue_indirect_dma source(%arg18 : memref<128x64xf32, #tpu.memory_space<vmem>>) target(%dma_start3A_287 : memref<12288x64xf32, #tpu.memory_space<vmem_shared>>) offsets(%dma_start3A_284 : memref<128xi32, #tpu.memory_space<vmem>>) semaphore(%arg37 : memref<!tpu.dma_semaphore, #tpu.memory_space<semaphore_mem>>) {add = true}
      } else {
      }
      %add3A_164 = arith.constant 1 : i32
      %add3A_165 = arith.addi %add3A_145, %add3A_164 : i32
      %add3A_166 = arith.constant 4 : i32
      %add3A_167 = arith.addi %add3A_165, %add3A_166 : i32
      %lt3A_168 = arith.constant 160 : i32
      %lt3A_169 = arith.cmpi slt, %add3A_167, %lt3A_168 : i32
      %convert_element_type3A_170 = arith.extui %lt3A_169 : i1 to i32
      %cond3A_171 = arith.constant 0 : i32
      %cond3A_172 = arith.cmpi ne, %convert_element_type3A_170, %cond3A_171 : i32
      scf.if %cond3A_172 {
        %add3A_269 = arith.constant 4 : i32
        %add3A_270 = arith.addi %add3A_165, %add3A_269 : i32
        %sub3A = arith.constant 6 : i32
        %sub3A_271 = arith.subi %add3A_270, %sub3A : i32
        %ge3A = arith.constant 0 : i32
        %ge3A_272 = arith.cmpi sge, %sub3A_271, %ge3A : i32
        %convert_element_type3A_273 = arith.extui %ge3A_272 : i1 to i32
        %cond3A_274 = arith.constant 0 : i32
        %cond3A_275 = arith.cmpi ne, %convert_element_type3A_273, %cond3A_274 : i32
        scf.if %cond3A_275 {
          %dma_wait3A_287 = arith.constant 1 : i32
          %dma_wait3A_288 = arith.constant 0 : i32
          %dma_wait3A_289 = tpu.memref_slice %arg11[%dma_wait3A_287, %dma_wait3A_288] : memref<2x128xi32, #tpu.memory_space<vmem>> -> memref<1x128xi32, #tpu.memory_space<vmem>>
          %dma_wait3A_290 = tpu.memref_squeeze %dma_wait3A_289 : memref<1x128xi32, #tpu.memory_space<vmem>> -> memref<128xi32, #tpu.memory_space<vmem>>
          %dma_wait3A_291 = arith.constant 0 : i32
          %dma_wait3A_292 = arith.constant 0 : i32
          %dma_wait3A_293 = tpu.memref_slice %arg24[%dma_wait3A_291, %dma_wait3A_292] : memref<12288x64xf32, #tpu.memory_space<vmem_shared>> -> memref<12288x64xf32, #tpu.memory_space<vmem_shared>>
          tpu.wait_indirect_dma semaphore(%arg42 : memref<!tpu.dma_semaphore, #tpu.memory_space<semaphore_mem>>) src(%arg23 : memref<128x64xf32, #tpu.memory_space<vmem>>) dst(%dma_wait3A_293 : memref<12288x64xf32, #tpu.memory_space<vmem_shared>>)
        } else {
        }
        %add3A_276 = arith.constant 4 : i32
        %add3A_277 = arith.addi %add3A_165, %add3A_276 : i32
        %add3A_278 = arith.addi %mul3A_0, %add3A_277 : i32
        %dma_start3A_279 = arith.constant 0 : i32
        %dma_start3A_280 = arith.constant 0 : i32
        %dma_start3A_281 = tpu.memref_slice %arg3[%arg0, %add3A_278, %dma_start3A_279, %dma_start3A_280] : memref<2x2560x2x128xi32, #tpu.memory_space<hbm>> -> memref<1x1x2x128xi32, #tpu.memory_space<hbm>>
        %dma_start3A_282 = tpu.memref_squeeze %dma_start3A_281 : memref<1x1x2x128xi32, #tpu.memory_space<hbm>> -> memref<2x128xi32, #tpu.memory_space<hbm>>
        %dma_start3A_283 = arith.constant 0 : i32
        %dma_start3A_284 = arith.constant 0 : i32
        %dma_start3A_285 = tpu.memref_slice %arg3[%arg0, %add3A_278, %dma_start3A_283, %dma_start3A_284] : memref<2x2560x2x128xi32, #tpu.memory_space<hbm>> -> memref<1x1x2x128xi32, #tpu.memory_space<hbm>>
        %dma_start3A_286 = tpu.memref_squeeze %dma_start3A_285 : memref<1x1x2x128xi32, #tpu.memory_space<hbm>> -> memref<2x128xi32, #tpu.memory_space<hbm>>
        tpu.enqueue_dma source(%dma_start3A_286 : memref<2x128xi32, #tpu.memory_space<hbm>>) target(%arg11 : memref<2x128xi32, #tpu.memory_space<vmem>>) target_semaphore(%arg30 : memref<!tpu.dma_semaphore, #tpu.memory_space<semaphore_mem>>)
      } else {
      }
      %add3A_173 = arith.constant 3 : i32
      %add3A_174 = arith.addi %add3A_165, %add3A_173 : i32
      %lt3A_175 = arith.constant 160 : i32
      %lt3A_176 = arith.cmpi slt, %add3A_174, %lt3A_175 : i32
      %convert_element_type3A_177 = arith.extui %lt3A_176 : i1 to i32
      %cond3A_178 = arith.constant 0 : i32
      %cond3A_179 = arith.cmpi ne, %convert_element_type3A_177, %cond3A_178 : i32
      scf.if %cond3A_179 {
        %dma_wait3A_269 = arith.constant 0 : i32
        %dma_wait3A_270 = arith.constant 0 : i32
        %dma_wait3A_271 = arith.constant 0 : i32
        %dma_wait3A_272 = arith.constant 0 : i32
        %dma_wait3A_273 = tpu.memref_slice %arg3[%dma_wait3A_269, %dma_wait3A_270, %dma_wait3A_271, %dma_wait3A_272] : memref<2x2560x2x128xi32, #tpu.memory_space<hbm>> -> memref<1x1x2x128xi32, #tpu.memory_space<hbm>>
        %dma_wait3A_274 = tpu.memref_squeeze %dma_wait3A_273 : memref<1x1x2x128xi32, #tpu.memory_space<hbm>> -> memref<2x128xi32, #tpu.memory_space<hbm>>
        %dma_wait3A_275 = arith.constant 0 : i32
        %dma_wait3A_276 = arith.constant 0 : i32
        %dma_wait3A_277 = tpu.memref_slice %arg3[%dma_wait3A_269, %dma_wait3A_270, %dma_wait3A_275, %dma_wait3A_276] : memref<2x2560x2x128xi32, #tpu.memory_space<hbm>> -> memref<1x1x2x128xi32, #tpu.memory_space<hbm>>
        %dma_wait3A_278 = tpu.memref_squeeze %dma_wait3A_277 : memref<1x1x2x128xi32, #tpu.memory_space<hbm>> -> memref<2x128xi32, #tpu.memory_space<hbm>>
        tpu.wait_dma2 semaphore(%arg29 : memref<!tpu.dma_semaphore, #tpu.memory_space<semaphore_mem>>) src(%dma_wait3A_278 : memref<2x128xi32, #tpu.memory_space<hbm>>) dst(%arg10 : memref<2x128xi32, #tpu.memory_space<vmem>>)
        %add3A_279 = arith.constant 3 : i32
        %add3A_280 = arith.addi %add3A_165, %add3A_279 : i32
        %dma_start3A_281 = arith.constant 0 : i32
        %dma_start3A_282 = arith.constant 0 : i32
        %dma_start3A_283 = tpu.memref_slice %arg10[%dma_start3A_281, %dma_start3A_282] : memref<2x128xi32, #tpu.memory_space<vmem>> -> memref<1x128xi32, #tpu.memory_space<vmem>>
        %dma_start3A_284 = tpu.memref_squeeze %dma_start3A_283 : memref<1x128xi32, #tpu.memory_space<vmem>> -> memref<128xi32, #tpu.memory_space<vmem>>
        %dma_start3A_285 = arith.constant 0 : i32
        %dma_start3A_286 = arith.constant 0 : i32
        %dma_start3A_287 = tpu.memref_slice %arg2[%dma_start3A_285, %dma_start3A_286] : memref<24576x64xbf16, #tpu.memory_space<hbm>> -> memref<24576x64xbf16, #tpu.memory_space<hbm>>
        tpu.enqueue_indirect_dma source(%dma_start3A_287 : memref<24576x64xbf16, #tpu.memory_space<hbm>>) target(%arg16 : memref<128x64xbf16, #tpu.memory_space<vmem>>) offsets(%dma_start3A_284 : memref<128xi32, #tpu.memory_space<vmem>>) semaphore(%arg35 : memref<!tpu.dma_semaphore, #tpu.memory_space<semaphore_mem>>)
      } else {
      }
      %lt3A_180 = arith.constant 160 : i32
      %lt3A_181 = arith.cmpi slt, %add3A_165, %lt3A_180 : i32
      %convert_element_type3A_182 = arith.extui %lt3A_181 : i1 to i32
      %cond3A_183 = arith.constant 0 : i32
      %cond3A_184 = arith.cmpi ne, %convert_element_type3A_182, %cond3A_183 : i32
      scf.if %cond3A_184 {
        %dma_wait3A_269 = arith.constant 0 : i32
        %dma_wait3A_270 = arith.constant 0 : i32
        %dma_wait3A_271 = tpu.memref_slice %arg7[%dma_wait3A_269, %dma_wait3A_270] : memref<2x128xi32, #tpu.memory_space<vmem>> -> memref<1x128xi32, #tpu.memory_space<vmem>>
        %dma_wait3A_272 = tpu.memref_squeeze %dma_wait3A_271 : memref<1x128xi32, #tpu.memory_space<vmem>> -> memref<128xi32, #tpu.memory_space<vmem>>
        %dma_wait3A_273 = arith.constant 0 : i32
        %dma_wait3A_274 = arith.constant 0 : i32
        %dma_wait3A_275 = tpu.memref_slice %arg2[%dma_wait3A_273, %dma_wait3A_274] : memref<24576x64xbf16, #tpu.memory_space<hbm>> -> memref<24576x64xbf16, #tpu.memory_space<hbm>>
        tpu.wait_indirect_dma semaphore(%arg32 : memref<!tpu.dma_semaphore, #tpu.memory_space<semaphore_mem>>) src(%dma_wait3A_275 : memref<24576x64xbf16, #tpu.memory_space<hbm>>) dst(%arg13 : memref<128x64xbf16, #tpu.memory_space<vmem>>)
        %scan3A_276 = arith.constant 0 : i32
        %scan3A_277 = arith.constant 128 : i32
        %scan3A_278 = arith.addi %scan3A_276, %scan3A_277 : i32
        %scan3A_279 = arith.constant 1 : i32
        scf.for %scan3A_288 = %scan3A_276 to %scan3A_278 step %scan3A_279  : i32 {
          %mul3A_289 = arith.constant 1 : i32
          %mul3A_290 = arith.muli %scan3A_288, %mul3A_289 : i32
          %add3A_291 = arith.constant 0 : i32
          %add3A_292 = arith.addi %add3A_291, %mul3A_290 : i32
          %get3A = arith.index_cast %add3A_292 : i32 to index
          %get3A_293 = arith.constant 0 : index
          %get3A_294 = tpu.vector_load %arg13[%get3A, %get3A_293] {strides = array<i32>} : memref<128x64xbf16, #tpu.memory_space<vmem>>, vector<32xbf16>,
          %bitcast3A = vector.bitcast %get3A_294 : vector<32xbf16> to vector<16xi32>
          %shift_left3A = arith.constant 16 : i32
          %shift_left3A_295 = vector.broadcast %shift_left3A : i32 to vector<16xi32>
          %shift_left3A_296 = arith.shli %bitcast3A, %shift_left3A_295 : vector<16xi32>
          %bitcast3A_297 = vector.bitcast %shift_left3A_296 : vector<16xi32> to vector<16xf32>
          %and3A = arith.constant -65536 : i32
          %and3A_298 = vector.broadcast %and3A : i32 to vector<16xi32>
          %and3A_299 = arith.andi %bitcast3A, %and3A_298 : vector<16xi32>
          %bitcast3A_300 = vector.bitcast %and3A_299 : vector<16xi32> to vector<16xf32>
          %swap3A = arith.index_cast %add3A_292 : i32 to index
          %swap3A_301 = arith.constant 0 : index
          %swap3A_302 = tpu.vector_load %arg19[%swap3A, %swap3A_301] {strides = array<i32>} : memref<128x64xf32, #tpu.memory_space<vmem>>, vector<16xf32>,
          tpu.vector_store %arg19[%swap3A, %swap3A_301], %bitcast3A_297 {strides = array<i32>} : memref<128x64xf32, #tpu.memory_space<vmem>>, vector<16xf32>,
          %swap3A_303 = arith.index_cast %add3A_292 : i32 to index
          %swap3A_304 = arith.constant 16 : index
          %swap3A_305 = tpu.vector_load %arg19[%swap3A_303, %swap3A_304] {strides = array<i32>} : memref<128x64xf32, #tpu.memory_space<vmem>>, vector<16xf32>,
          tpu.vector_store %arg19[%swap3A_303, %swap3A_304], %bitcast3A_300 {strides = array<i32>} : memref<128x64xf32, #tpu.memory_space<vmem>>, vector<16xf32>,
          %get3A_306 = arith.index_cast %add3A_292 : i32 to index
          %get3A_307 = arith.constant 32 : index
          %get3A_308 = tpu.vector_load %arg13[%get3A_306, %get3A_307] {strides = array<i32>} : memref<128x64xbf16, #tpu.memory_space<vmem>>, vector<32xbf16>,
          %bitcast3A_309 = vector.bitcast %get3A_308 : vector<32xbf16> to vector<16xi32>
          %shift_left3A_310 = arith.constant 16 : i32
          %shift_left3A_311 = vector.broadcast %shift_left3A_310 : i32 to vector<16xi32>
          %shift_left3A_312 = arith.shli %bitcast3A_309, %shift_left3A_311 : vector<16xi32>
          %bitcast3A_313 = vector.bitcast %shift_left3A_312 : vector<16xi32> to vector<16xf32>
          %and3A_314 = arith.constant -65536 : i32
          %and3A_315 = vector.broadcast %and3A_314 : i32 to vector<16xi32>
          %and3A_316 = arith.andi %bitcast3A_309, %and3A_315 : vector<16xi32>
          %bitcast3A_317 = vector.bitcast %and3A_316 : vector<16xi32> to vector<16xf32>
          %swap3A_318 = arith.index_cast %add3A_292 : i32 to index
          %swap3A_319 = arith.constant 32 : index
          %swap3A_320 = tpu.vector_load %arg19[%swap3A_318, %swap3A_319] {strides = array<i32>} : memref<128x64xf32, #tpu.memory_space<vmem>>, vector<16xf32>,
          tpu.vector_store %arg19[%swap3A_318, %swap3A_319], %bitcast3A_313 {strides = array<i32>} : memref<128x64xf32, #tpu.memory_space<vmem>>, vector<16xf32>,
          %swap3A_321 = arith.index_cast %add3A_292 : i32 to index
          %swap3A_322 = arith.constant 48 : index
          %swap3A_323 = tpu.vector_load %arg19[%swap3A_321, %swap3A_322] {strides = array<i32>} : memref<128x64xf32, #tpu.memory_space<vmem>>, vector<16xf32>,
          tpu.vector_store %arg19[%swap3A_321, %swap3A_322], %bitcast3A_317 {strides = array<i32>} : memref<128x64xf32, #tpu.memory_space<vmem>>, vector<16xf32>,
        }
        %scan3A_280 = arith.constant 128 : i32
        %dma_start3A_281 = arith.constant 1 : i32
        %dma_start3A_282 = arith.constant 0 : i32
        %dma_start3A_283 = tpu.memref_slice %arg7[%dma_start3A_281, %dma_start3A_282] : memref<2x128xi32, #tpu.memory_space<vmem>> -> memref<1x128xi32, #tpu.memory_space<vmem>>
        %dma_start3A_284 = tpu.memref_squeeze %dma_start3A_283 : memref<1x128xi32, #tpu.memory_space<vmem>> -> memref<128xi32, #tpu.memory_space<vmem>>
        %dma_start3A_285 = arith.constant 0 : i32
        %dma_start3A_286 = arith.constant 0 : i32
        %dma_start3A_287 = tpu.memref_slice %arg24[%dma_start3A_285, %dma_start3A_286] : memref<12288x64xf32, #tpu.memory_space<vmem_shared>> -> memref<12288x64xf32, #tpu.memory_space<vmem_shared>>
        tpu.enqueue_indirect_dma source(%arg19 : memref<128x64xf32, #tpu.memory_space<vmem>>) target(%dma_start3A_287 : memref<12288x64xf32, #tpu.memory_space<vmem_shared>>) offsets(%dma_start3A_284 : memref<128xi32, #tpu.memory_space<vmem>>) semaphore(%arg38 : memref<!tpu.dma_semaphore, #tpu.memory_space<semaphore_mem>>) {add = true}
      } else {
      }
      %add3A_185 = arith.constant 2 : i32
      %add3A_186 = arith.addi %add3A_145, %add3A_185 : i32
      %add3A_187 = arith.constant 4 : i32
      %add3A_188 = arith.addi %add3A_186, %add3A_187 : i32
      %lt3A_189 = arith.constant 160 : i32
      %lt3A_190 = arith.cmpi slt, %add3A_188, %lt3A_189 : i32
      %convert_element_type3A_191 = arith.extui %lt3A_190 : i1 to i32
      %cond3A_192 = arith.constant 0 : i32
      %cond3A_193 = arith.cmpi ne, %convert_element_type3A_191, %cond3A_192 : i32
      scf.if %cond3A_193 {
        %add3A_269 = arith.constant 4 : i32
        %add3A_270 = arith.addi %add3A_186, %add3A_269 : i32
        %sub3A = arith.constant 6 : i32
        %sub3A_271 = arith.subi %add3A_270, %sub3A : i32
        %ge3A = arith.constant 0 : i32
        %ge3A_272 = arith.cmpi sge, %sub3A_271, %ge3A : i32
        %convert_element_type3A_273 = arith.extui %ge3A_272 : i1 to i32
        %cond3A_274 = arith.constant 0 : i32
        %cond3A_275 = arith.cmpi ne, %convert_element_type3A_273, %cond3A_274 : i32
        scf.if %cond3A_275 {
          %dma_wait3A_287 = arith.constant 1 : i32
          %dma_wait3A_288 = arith.constant 0 : i32
          %dma_wait3A_289 = tpu.memref_slice %arg6[%dma_wait3A_287, %dma_wait3A_288] : memref<2x128xi32, #tpu.memory_space<vmem>> -> memref<1x128xi32, #tpu.memory_space<vmem>>
          %dma_wait3A_290 = tpu.memref_squeeze %dma_wait3A_289 : memref<1x128xi32, #tpu.memory_space<vmem>> -> memref<128xi32, #tpu.memory_space<vmem>>
          %dma_wait3A_291 = arith.constant 0 : i32
          %dma_wait3A_292 = arith.constant 0 : i32
          %dma_wait3A_293 = tpu.memref_slice %arg24[%dma_wait3A_291, %dma_wait3A_292] : memref<12288x64xf32, #tpu.memory_space<vmem_shared>> -> memref<12288x64xf32, #tpu.memory_space<vmem_shared>>
          tpu.wait_indirect_dma semaphore(%arg37 : memref<!tpu.dma_semaphore, #tpu.memory_space<semaphore_mem>>) src(%arg18 : memref<128x64xf32, #tpu.memory_space<vmem>>) dst(%dma_wait3A_293 : memref<12288x64xf32, #tpu.memory_space<vmem_shared>>)
        } else {
        }
        %add3A_276 = arith.constant 4 : i32
        %add3A_277 = arith.addi %add3A_186, %add3A_276 : i32
        %add3A_278 = arith.addi %mul3A_0, %add3A_277 : i32
        %dma_start3A_279 = arith.constant 0 : i32
        %dma_start3A_280 = arith.constant 0 : i32
        %dma_start3A_281 = tpu.memref_slice %arg3[%arg0, %add3A_278, %dma_start3A_279, %dma_start3A_280] : memref<2x2560x2x128xi32, #tpu.memory_space<hbm>> -> memref<1x1x2x128xi32, #tpu.memory_space<hbm>>
        %dma_start3A_282 = tpu.memref_squeeze %dma_start3A_281 : memref<1x1x2x128xi32, #tpu.memory_space<hbm>> -> memref<2x128xi32, #tpu.memory_space<hbm>>
        %dma_start3A_283 = arith.constant 0 : i32
        %dma_start3A_284 = arith.constant 0 : i32
        %dma_start3A_285 = tpu.memref_slice %arg3[%arg0, %add3A_278, %dma_start3A_283, %dma_start3A_284] : memref<2x2560x2x128xi32, #tpu.memory_space<hbm>> -> memref<1x1x2x128xi32, #tpu.memory_space<hbm>>
        %dma_start3A_286 = tpu.memref_squeeze %dma_start3A_285 : memref<1x1x2x128xi32, #tpu.memory_space<hbm>> -> memref<2x128xi32, #tpu.memory_space<hbm>>
        tpu.enqueue_dma source(%dma_start3A_286 : memref<2x128xi32, #tpu.memory_space<hbm>>) target(%arg6 : memref<2x128xi32, #tpu.memory_space<vmem>>) target_semaphore(%arg25 : memref<!tpu.dma_semaphore, #tpu.memory_space<semaphore_mem>>)
      } else {
      }
      %add3A_194 = arith.constant 3 : i32
      %add3A_195 = arith.addi %add3A_186, %add3A_194 : i32
      %lt3A_196 = arith.constant 160 : i32
      %lt3A_197 = arith.cmpi slt, %add3A_195, %lt3A_196 : i32
      %convert_element_type3A_198 = arith.extui %lt3A_197 : i1 to i32
      %cond3A_199 = arith.constant 0 : i32
      %cond3A_200 = arith.cmpi ne, %convert_element_type3A_198, %cond3A_199 : i32
      scf.if %cond3A_200 {
        %dma_wait3A_269 = arith.constant 0 : i32
        %dma_wait3A_270 = arith.constant 0 : i32
        %dma_wait3A_271 = arith.constant 0 : i32
        %dma_wait3A_272 = arith.constant 0 : i32
        %dma_wait3A_273 = tpu.memref_slice %arg3[%dma_wait3A_269, %dma_wait3A_270, %dma_wait3A_271, %dma_wait3A_272] : memref<2x2560x2x128xi32, #tpu.memory_space<hbm>> -> memref<1x1x2x128xi32, #tpu.memory_space<hbm>>
        %dma_wait3A_274 = tpu.memref_squeeze %dma_wait3A_273 : memref<1x1x2x128xi32, #tpu.memory_space<hbm>> -> memref<2x128xi32, #tpu.memory_space<hbm>>
        %dma_wait3A_275 = arith.constant 0 : i32
        %dma_wait3A_276 = arith.constant 0 : i32
        %dma_wait3A_277 = tpu.memref_slice %arg3[%dma_wait3A_269, %dma_wait3A_270, %dma_wait3A_275, %dma_wait3A_276] : memref<2x2560x2x128xi32, #tpu.memory_space<hbm>> -> memref<1x1x2x128xi32, #tpu.memory_space<hbm>>
        %dma_wait3A_278 = tpu.memref_squeeze %dma_wait3A_277 : memref<1x1x2x128xi32, #tpu.memory_space<hbm>> -> memref<2x128xi32, #tpu.memory_space<hbm>>
        tpu.wait_dma2 semaphore(%arg30 : memref<!tpu.dma_semaphore, #tpu.memory_space<semaphore_mem>>) src(%dma_wait3A_278 : memref<2x128xi32, #tpu.memory_space<hbm>>) dst(%arg11 : memref<2x128xi32, #tpu.memory_space<vmem>>)
        %add3A_279 = arith.constant 3 : i32
        %add3A_280 = arith.addi %add3A_186, %add3A_279 : i32
        %dma_start3A_281 = arith.constant 0 : i32
        %dma_start3A_282 = arith.constant 0 : i32
        %dma_start3A_283 = tpu.memref_slice %arg11[%dma_start3A_281, %dma_start3A_282] : memref<2x128xi32, #tpu.memory_space<vmem>> -> memref<1x128xi32, #tpu.memory_space<vmem>>
        %dma_start3A_284 = tpu.memref_squeeze %dma_start3A_283 : memref<1x128xi32, #tpu.memory_space<vmem>> -> memref<128xi32, #tpu.memory_space<vmem>>
        %dma_start3A_285 = arith.constant 0 : i32
        %dma_start3A_286 = arith.constant 0 : i32
        %dma_start3A_287 = tpu.memref_slice %arg2[%dma_start3A_285, %dma_start3A_286] : memref<24576x64xbf16, #tpu.memory_space<hbm>> -> memref<24576x64xbf16, #tpu.memory_space<hbm>>
        tpu.enqueue_indirect_dma source(%dma_start3A_287 : memref<24576x64xbf16, #tpu.memory_space<hbm>>) target(%arg17 : memref<128x64xbf16, #tpu.memory_space<vmem>>) offsets(%dma_start3A_284 : memref<128xi32, #tpu.memory_space<vmem>>) semaphore(%arg36 : memref<!tpu.dma_semaphore, #tpu.memory_space<semaphore_mem>>)
      } else {
      }
      %lt3A_201 = arith.constant 160 : i32
      %lt3A_202 = arith.cmpi slt, %add3A_186, %lt3A_201 : i32
      %convert_element_type3A_203 = arith.extui %lt3A_202 : i1 to i32
      %cond3A_204 = arith.constant 0 : i32
      %cond3A_205 = arith.cmpi ne, %convert_element_type3A_203, %cond3A_204 : i32
      scf.if %cond3A_205 {
        %dma_wait3A_269 = arith.constant 0 : i32
        %dma_wait3A_270 = arith.constant 0 : i32
        %dma_wait3A_271 = tpu.memref_slice %arg8[%dma_wait3A_269, %dma_wait3A_270] : memref<2x128xi32, #tpu.memory_space<vmem>> -> memref<1x128xi32, #tpu.memory_space<vmem>>
        %dma_wait3A_272 = tpu.memref_squeeze %dma_wait3A_271 : memref<1x128xi32, #tpu.memory_space<vmem>> -> memref<128xi32, #tpu.memory_space<vmem>>
        %dma_wait3A_273 = arith.constant 0 : i32
        %dma_wait3A_274 = arith.constant 0 : i32
        %dma_wait3A_275 = tpu.memref_slice %arg2[%dma_wait3A_273, %dma_wait3A_274] : memref<24576x64xbf16, #tpu.memory_space<hbm>> -> memref<24576x64xbf16, #tpu.memory_space<hbm>>
        tpu.wait_indirect_dma semaphore(%arg33 : memref<!tpu.dma_semaphore, #tpu.memory_space<semaphore_mem>>) src(%dma_wait3A_275 : memref<24576x64xbf16, #tpu.memory_space<hbm>>) dst(%arg14 : memref<128x64xbf16, #tpu.memory_space<vmem>>)
        %scan3A_276 = arith.constant 0 : i32
        %scan3A_277 = arith.constant 128 : i32
        %scan3A_278 = arith.addi %scan3A_276, %scan3A_277 : i32
        %scan3A_279 = arith.constant 1 : i32
        scf.for %scan3A_288 = %scan3A_276 to %scan3A_278 step %scan3A_279  : i32 {
          %mul3A_289 = arith.constant 1 : i32
          %mul3A_290 = arith.muli %scan3A_288, %mul3A_289 : i32
          %add3A_291 = arith.constant 0 : i32
          %add3A_292 = arith.addi %add3A_291, %mul3A_290 : i32
          %get3A = arith.index_cast %add3A_292 : i32 to index
          %get3A_293 = arith.constant 0 : index
          %get3A_294 = tpu.vector_load %arg14[%get3A, %get3A_293] {strides = array<i32>} : memref<128x64xbf16, #tpu.memory_space<vmem>>, vector<32xbf16>,
          %bitcast3A = vector.bitcast %get3A_294 : vector<32xbf16> to vector<16xi32>
          %shift_left3A = arith.constant 16 : i32
          %shift_left3A_295 = vector.broadcast %shift_left3A : i32 to vector<16xi32>
          %shift_left3A_296 = arith.shli %bitcast3A, %shift_left3A_295 : vector<16xi32>
          %bitcast3A_297 = vector.bitcast %shift_left3A_296 : vector<16xi32> to vector<16xf32>
          %and3A = arith.constant -65536 : i32
          %and3A_298 = vector.broadcast %and3A : i32 to vector<16xi32>
          %and3A_299 = arith.andi %bitcast3A, %and3A_298 : vector<16xi32>
          %bitcast3A_300 = vector.bitcast %and3A_299 : vector<16xi32> to vector<16xf32>
          %swap3A = arith.index_cast %add3A_292 : i32 to index
          %swap3A_301 = arith.constant 0 : index
          %swap3A_302 = tpu.vector_load %arg20[%swap3A, %swap3A_301] {strides = array<i32>} : memref<128x64xf32, #tpu.memory_space<vmem>>, vector<16xf32>,
          tpu.vector_store %arg20[%swap3A, %swap3A_301], %bitcast3A_297 {strides = array<i32>} : memref<128x64xf32, #tpu.memory_space<vmem>>, vector<16xf32>,
          %swap3A_303 = arith.index_cast %add3A_292 : i32 to index
          %swap3A_304 = arith.constant 16 : index
          %swap3A_305 = tpu.vector_load %arg20[%swap3A_303, %swap3A_304] {strides = array<i32>} : memref<128x64xf32, #tpu.memory_space<vmem>>, vector<16xf32>,
          tpu.vector_store %arg20[%swap3A_303, %swap3A_304], %bitcast3A_300 {strides = array<i32>} : memref<128x64xf32, #tpu.memory_space<vmem>>, vector<16xf32>,
          %get3A_306 = arith.index_cast %add3A_292 : i32 to index
          %get3A_307 = arith.constant 32 : index
          %get3A_308 = tpu.vector_load %arg14[%get3A_306, %get3A_307] {strides = array<i32>} : memref<128x64xbf16, #tpu.memory_space<vmem>>, vector<32xbf16>,
          %bitcast3A_309 = vector.bitcast %get3A_308 : vector<32xbf16> to vector<16xi32>
          %shift_left3A_310 = arith.constant 16 : i32
          %shift_left3A_311 = vector.broadcast %shift_left3A_310 : i32 to vector<16xi32>
          %shift_left3A_312 = arith.shli %bitcast3A_309, %shift_left3A_311 : vector<16xi32>
          %bitcast3A_313 = vector.bitcast %shift_left3A_312 : vector<16xi32> to vector<16xf32>
          %and3A_314 = arith.constant -65536 : i32
          %and3A_315 = vector.broadcast %and3A_314 : i32 to vector<16xi32>
          %and3A_316 = arith.andi %bitcast3A_309, %and3A_315 : vector<16xi32>
          %bitcast3A_317 = vector.bitcast %and3A_316 : vector<16xi32> to vector<16xf32>
          %swap3A_318 = arith.index_cast %add3A_292 : i32 to index
          %swap3A_319 = arith.constant 32 : index
          %swap3A_320 = tpu.vector_load %arg20[%swap3A_318, %swap3A_319] {strides = array<i32>} : memref<128x64xf32, #tpu.memory_space<vmem>>, vector<16xf32>,
          tpu.vector_store %arg20[%swap3A_318, %swap3A_319], %bitcast3A_313 {strides = array<i32>} : memref<128x64xf32, #tpu.memory_space<vmem>>, vector<16xf32>,
          %swap3A_321 = arith.index_cast %add3A_292 : i32 to index
          %swap3A_322 = arith.constant 48 : index
          %swap3A_323 = tpu.vector_load %arg20[%swap3A_321, %swap3A_322] {strides = array<i32>} : memref<128x64xf32, #tpu.memory_space<vmem>>, vector<16xf32>,
          tpu.vector_store %arg20[%swap3A_321, %swap3A_322], %bitcast3A_317 {strides = array<i32>} : memref<128x64xf32, #tpu.memory_space<vmem>>, vector<16xf32>,
        }
        %scan3A_280 = arith.constant 128 : i32
        %dma_start3A_281 = arith.constant 1 : i32
        %dma_start3A_282 = arith.constant 0 : i32
        %dma_start3A_283 = tpu.memref_slice %arg8[%dma_start3A_281, %dma_start3A_282] : memref<2x128xi32, #tpu.memory_space<vmem>> -> memref<1x128xi32, #tpu.memory_space<vmem>>
        %dma_start3A_284 = tpu.memref_squeeze %dma_start3A_283 : memref<1x128xi32, #tpu.memory_space<vmem>> -> memref<128xi32, #tpu.memory_space<vmem>>
        %dma_start3A_285 = arith.constant 0 : i32
        %dma_start3A_286 = arith.constant 0 : i32
        %dma_start3A_287 = tpu.memref_slice %arg24[%dma_start3A_285, %dma_start3A_286] : memref<12288x64xf32, #tpu.memory_space<vmem_shared>> -> memref<12288x64xf32, #tpu.memory_space<vmem_shared>>
        tpu.enqueue_indirect_dma source(%arg20 : memref<128x64xf32, #tpu.memory_space<vmem>>) target(%dma_start3A_287 : memref<12288x64xf32, #tpu.memory_space<vmem_shared>>) offsets(%dma_start3A_284 : memref<128xi32, #tpu.memory_space<vmem>>) semaphore(%arg39 : memref<!tpu.dma_semaphore, #tpu.memory_space<semaphore_mem>>) {add = true}
      } else {
      }
      %add3A_206 = arith.constant 3 : i32
      %add3A_207 = arith.addi %add3A_145, %add3A_206 : i32
      %add3A_208 = arith.constant 4 : i32
      %add3A_209 = arith.addi %add3A_207, %add3A_208 : i32
      %lt3A_210 = arith.constant 160 : i32
      %lt3A_211 = arith.cmpi slt, %add3A_209, %lt3A_210 : i32
      %convert_element_type3A_212 = arith.extui %lt3A_211 : i1 to i32
      %cond3A_213 = arith.constant 0 : i32
      %cond3A_214 = arith.cmpi ne, %convert_element_type3A_212, %cond3A_213 : i32
      scf.if %cond3A_214 {
        %add3A_269 = arith.constant 4 : i32
        %add3A_270 = arith.addi %add3A_207, %add3A_269 : i32
        %sub3A = arith.constant 6 : i32
        %sub3A_271 = arith.subi %add3A_270, %sub3A : i32
        %ge3A = arith.constant 0 : i32
        %ge3A_272 = arith.cmpi sge, %sub3A_271, %ge3A : i32
        %convert_element_type3A_273 = arith.extui %ge3A_272 : i1 to i32
        %cond3A_274 = arith.constant 0 : i32
        %cond3A_275 = arith.cmpi ne, %convert_element_type3A_273, %cond3A_274 : i32
        scf.if %cond3A_275 {
          %dma_wait3A_287 = arith.constant 1 : i32
          %dma_wait3A_288 = arith.constant 0 : i32
          %dma_wait3A_289 = tpu.memref_slice %arg7[%dma_wait3A_287, %dma_wait3A_288] : memref<2x128xi32, #tpu.memory_space<vmem>> -> memref<1x128xi32, #tpu.memory_space<vmem>>
          %dma_wait3A_290 = tpu.memref_squeeze %dma_wait3A_289 : memref<1x128xi32, #tpu.memory_space<vmem>> -> memref<128xi32, #tpu.memory_space<vmem>>
          %dma_wait3A_291 = arith.constant 0 : i32
          %dma_wait3A_292 = arith.constant 0 : i32
          %dma_wait3A_293 = tpu.memref_slice %arg24[%dma_wait3A_291, %dma_wait3A_292] : memref<12288x64xf32, #tpu.memory_space<vmem_shared>> -> memref<12288x64xf32, #tpu.memory_space<vmem_shared>>
          tpu.wait_indirect_dma semaphore(%arg38 : memref<!tpu.dma_semaphore, #tpu.memory_space<semaphore_mem>>) src(%arg19 : memref<128x64xf32, #tpu.memory_space<vmem>>) dst(%dma_wait3A_293 : memref<12288x64xf32, #tpu.memory_space<vmem_shared>>)
        } else {
        }
        %add3A_276 = arith.constant 4 : i32
        %add3A_277 = arith.addi %add3A_207, %add3A_276 : i32
        %add3A_278 = arith.addi %mul3A_0, %add3A_277 : i32
        %dma_start3A_279 = arith.constant 0 : i32
        %dma_start3A_280 = arith.constant 0 : i32
        %dma_start3A_281 = tpu.memref_slice %arg3[%arg0, %add3A_278, %dma_start3A_279, %dma_start3A_280] : memref<2x2560x2x128xi32, #tpu.memory_space<hbm>> -> memref<1x1x2x128xi32, #tpu.memory_space<hbm>>
        %dma_start3A_282 = tpu.memref_squeeze %dma_start3A_281 : memref<1x1x2x128xi32, #tpu.memory_space<hbm>> -> memref<2x128xi32, #tpu.memory_space<hbm>>
        %dma_start3A_283 = arith.constant 0 : i32
        %dma_start3A_284 = arith.constant 0 : i32
        %dma_start3A_285 = tpu.memref_slice %arg3[%arg0, %add3A_278, %dma_start3A_283, %dma_start3A_284] : memref<2x2560x2x128xi32, #tpu.memory_space<hbm>> -> memref<1x1x2x128xi32, #tpu.memory_space<hbm>>
        %dma_start3A_286 = tpu.memref_squeeze %dma_start3A_285 : memref<1x1x2x128xi32, #tpu.memory_space<hbm>> -> memref<2x128xi32, #tpu.memory_space<hbm>>
        tpu.enqueue_dma source(%dma_start3A_286 : memref<2x128xi32, #tpu.memory_space<hbm>>) target(%arg7 : memref<2x128xi32, #tpu.memory_space<vmem>>) target_semaphore(%arg26 : memref<!tpu.dma_semaphore, #tpu.memory_space<semaphore_mem>>)
      } else {
      }
      %add3A_215 = arith.constant 3 : i32
      %add3A_216 = arith.addi %add3A_207, %add3A_215 : i32
      %lt3A_217 = arith.constant 160 : i32
      %lt3A_218 = arith.cmpi slt, %add3A_216, %lt3A_217 : i32
      %convert_element_type3A_219 = arith.extui %lt3A_218 : i1 to i32
      %cond3A_220 = arith.constant 0 : i32
      %cond3A_221 = arith.cmpi ne, %convert_element_type3A_219, %cond3A_220 : i32
      scf.if %cond3A_221 {
        %dma_wait3A_269 = arith.constant 0 : i32
        %dma_wait3A_270 = arith.constant 0 : i32
        %dma_wait3A_271 = arith.constant 0 : i32
        %dma_wait3A_272 = arith.constant 0 : i32
        %dma_wait3A_273 = tpu.memref_slice %arg3[%dma_wait3A_269, %dma_wait3A_270, %dma_wait3A_271, %dma_wait3A_272] : memref<2x2560x2x128xi32, #tpu.memory_space<hbm>> -> memref<1x1x2x128xi32, #tpu.memory_space<hbm>>
        %dma_wait3A_274 = tpu.memref_squeeze %dma_wait3A_273 : memref<1x1x2x128xi32, #tpu.memory_space<hbm>> -> memref<2x128xi32, #tpu.memory_space<hbm>>
        %dma_wait3A_275 = arith.constant 0 : i32
        %dma_wait3A_276 = arith.constant 0 : i32
        %dma_wait3A_277 = tpu.memref_slice %arg3[%dma_wait3A_269, %dma_wait3A_270, %dma_wait3A_275, %dma_wait3A_276] : memref<2x2560x2x128xi32, #tpu.memory_space<hbm>> -> memref<1x1x2x128xi32, #tpu.memory_space<hbm>>
        %dma_wait3A_278 = tpu.memref_squeeze %dma_wait3A_277 : memref<1x1x2x128xi32, #tpu.memory_space<hbm>> -> memref<2x128xi32, #tpu.memory_space<hbm>>
        tpu.wait_dma2 semaphore(%arg25 : memref<!tpu.dma_semaphore, #tpu.memory_space<semaphore_mem>>) src(%dma_wait3A_278 : memref<2x128xi32, #tpu.memory_space<hbm>>) dst(%arg6 : memref<2x128xi32, #tpu.memory_space<vmem>>)
        %add3A_279 = arith.constant 3 : i32
        %add3A_280 = arith.addi %add3A_207, %add3A_279 : i32
        %dma_start3A_281 = arith.constant 0 : i32
        %dma_start3A_282 = arith.constant 0 : i32
        %dma_start3A_283 = tpu.memref_slice %arg6[%dma_start3A_281, %dma_start3A_282] : memref<2x128xi32, #tpu.memory_space<vmem>> -> memref<1x128xi32, #tpu.memory_space<vmem>>
        %dma_start3A_284 = tpu.memref_squeeze %dma_start3A_283 : memref<1x128xi32, #tpu.memory_space<vmem>> -> memref<128xi32, #tpu.memory_space<vmem>>
        %dma_start3A_285 = arith.constant 0 : i32
        %dma_start3A_286 = arith.constant 0 : i32
        %dma_start3A_287 = tpu.memref_slice %arg2[%dma_start3A_285, %dma_start3A_286] : memref<24576x64xbf16, #tpu.memory_space<hbm>> -> memref<24576x64xbf16, #tpu.memory_space<hbm>>
        tpu.enqueue_indirect_dma source(%dma_start3A_287 : memref<24576x64xbf16, #tpu.memory_space<hbm>>) target(%arg12 : memref<128x64xbf16, #tpu.memory_space<vmem>>) offsets(%dma_start3A_284 : memref<128xi32, #tpu.memory_space<vmem>>) semaphore(%arg31 : memref<!tpu.dma_semaphore, #tpu.memory_space<semaphore_mem>>)
      } else {
      }
      %lt3A_222 = arith.constant 160 : i32
      %lt3A_223 = arith.cmpi slt, %add3A_207, %lt3A_222 : i32
      %convert_element_type3A_224 = arith.extui %lt3A_223 : i1 to i32
      %cond3A_225 = arith.constant 0 : i32
      %cond3A_226 = arith.cmpi ne, %convert_element_type3A_224, %cond3A_225 : i32
      scf.if %cond3A_226 {
        %dma_wait3A_269 = arith.constant 0 : i32
        %dma_wait3A_270 = arith.constant 0 : i32
        %dma_wait3A_271 = tpu.memref_slice %arg9[%dma_wait3A_269, %dma_wait3A_270] : memref<2x128xi32, #tpu.memory_space<vmem>> -> memref<1x128xi32, #tpu.memory_space<vmem>>
        %dma_wait3A_272 = tpu.memref_squeeze %dma_wait3A_271 : memref<1x128xi32, #tpu.memory_space<vmem>> -> memref<128xi32, #tpu.memory_space<vmem>>
        %dma_wait3A_273 = arith.constant 0 : i32
        %dma_wait3A_274 = arith.constant 0 : i32
        %dma_wait3A_275 = tpu.memref_slice %arg2[%dma_wait3A_273, %dma_wait3A_274] : memref<24576x64xbf16, #tpu.memory_space<hbm>> -> memref<24576x64xbf16, #tpu.memory_space<hbm>>
        tpu.wait_indirect_dma semaphore(%arg34 : memref<!tpu.dma_semaphore, #tpu.memory_space<semaphore_mem>>) src(%dma_wait3A_275 : memref<24576x64xbf16, #tpu.memory_space<hbm>>) dst(%arg15 : memref<128x64xbf16, #tpu.memory_space<vmem>>)
        %scan3A_276 = arith.constant 0 : i32
        %scan3A_277 = arith.constant 128 : i32
        %scan3A_278 = arith.addi %scan3A_276, %scan3A_277 : i32
        %scan3A_279 = arith.constant 1 : i32
        scf.for %scan3A_288 = %scan3A_276 to %scan3A_278 step %scan3A_279  : i32 {
          %mul3A_289 = arith.constant 1 : i32
          %mul3A_290 = arith.muli %scan3A_288, %mul3A_289 : i32
          %add3A_291 = arith.constant 0 : i32
          %add3A_292 = arith.addi %add3A_291, %mul3A_290 : i32
          %get3A = arith.index_cast %add3A_292 : i32 to index
          %get3A_293 = arith.constant 0 : index
          %get3A_294 = tpu.vector_load %arg15[%get3A, %get3A_293] {strides = array<i32>} : memref<128x64xbf16, #tpu.memory_space<vmem>>, vector<32xbf16>,
          %bitcast3A = vector.bitcast %get3A_294 : vector<32xbf16> to vector<16xi32>
          %shift_left3A = arith.constant 16 : i32
          %shift_left3A_295 = vector.broadcast %shift_left3A : i32 to vector<16xi32>
          %shift_left3A_296 = arith.shli %bitcast3A, %shift_left3A_295 : vector<16xi32>
          %bitcast3A_297 = vector.bitcast %shift_left3A_296 : vector<16xi32> to vector<16xf32>
          %and3A = arith.constant -65536 : i32
          %and3A_298 = vector.broadcast %and3A : i32 to vector<16xi32>
          %and3A_299 = arith.andi %bitcast3A, %and3A_298 : vector<16xi32>
          %bitcast3A_300 = vector.bitcast %and3A_299 : vector<16xi32> to vector<16xf32>
          %swap3A = arith.index_cast %add3A_292 : i32 to index
          %swap3A_301 = arith.constant 0 : index
          %swap3A_302 = tpu.vector_load %arg21[%swap3A, %swap3A_301] {strides = array<i32>} : memref<128x64xf32, #tpu.memory_space<vmem>>, vector<16xf32>,
          tpu.vector_store %arg21[%swap3A, %swap3A_301], %bitcast3A_297 {strides = array<i32>} : memref<128x64xf32, #tpu.memory_space<vmem>>, vector<16xf32>,
          %swap3A_303 = arith.index_cast %add3A_292 : i32 to index
          %swap3A_304 = arith.constant 16 : index
          %swap3A_305 = tpu.vector_load %arg21[%swap3A_303, %swap3A_304] {strides = array<i32>} : memref<128x64xf32, #tpu.memory_space<vmem>>, vector<16xf32>,
          tpu.vector_store %arg21[%swap3A_303, %swap3A_304], %bitcast3A_300 {strides = array<i32>} : memref<128x64xf32, #tpu.memory_space<vmem>>, vector<16xf32>,
          %get3A_306 = arith.index_cast %add3A_292 : i32 to index
          %get3A_307 = arith.constant 32 : index
          %get3A_308 = tpu.vector_load %arg15[%get3A_306, %get3A_307] {strides = array<i32>} : memref<128x64xbf16, #tpu.memory_space<vmem>>, vector<32xbf16>,
          %bitcast3A_309 = vector.bitcast %get3A_308 : vector<32xbf16> to vector<16xi32>
          %shift_left3A_310 = arith.constant 16 : i32
          %shift_left3A_311 = vector.broadcast %shift_left3A_310 : i32 to vector<16xi32>
          %shift_left3A_312 = arith.shli %bitcast3A_309, %shift_left3A_311 : vector<16xi32>
          %bitcast3A_313 = vector.bitcast %shift_left3A_312 : vector<16xi32> to vector<16xf32>
          %and3A_314 = arith.constant -65536 : i32
          %and3A_315 = vector.broadcast %and3A_314 : i32 to vector<16xi32>
          %and3A_316 = arith.andi %bitcast3A_309, %and3A_315 : vector<16xi32>
          %bitcast3A_317 = vector.bitcast %and3A_316 : vector<16xi32> to vector<16xf32>
          %swap3A_318 = arith.index_cast %add3A_292 : i32 to index
          %swap3A_319 = arith.constant 32 : index
          %swap3A_320 = tpu.vector_load %arg21[%swap3A_318, %swap3A_319] {strides = array<i32>} : memref<128x64xf32, #tpu.memory_space<vmem>>, vector<16xf32>,
          tpu.vector_store %arg21[%swap3A_318, %swap3A_319], %bitcast3A_313 {strides = array<i32>} : memref<128x64xf32, #tpu.memory_space<vmem>>, vector<16xf32>,
          %swap3A_321 = arith.index_cast %add3A_292 : i32 to index
          %swap3A_322 = arith.constant 48 : index
          %swap3A_323 = tpu.vector_load %arg21[%swap3A_321, %swap3A_322] {strides = array<i32>} : memref<128x64xf32, #tpu.memory_space<vmem>>, vector<16xf32>,
          tpu.vector_store %arg21[%swap3A_321, %swap3A_322], %bitcast3A_317 {strides = array<i32>} : memref<128x64xf32, #tpu.memory_space<vmem>>, vector<16xf32>,
        }
        %scan3A_280 = arith.constant 128 : i32
        %dma_start3A_281 = arith.constant 1 : i32
        %dma_start3A_282 = arith.constant 0 : i32
        %dma_start3A_283 = tpu.memref_slice %arg9[%dma_start3A_281, %dma_start3A_282] : memref<2x128xi32, #tpu.memory_space<vmem>> -> memref<1x128xi32, #tpu.memory_space<vmem>>
        %dma_start3A_284 = tpu.memref_squeeze %dma_start3A_283 : memref<1x128xi32, #tpu.memory_space<vmem>> -> memref<128xi32, #tpu.memory_space<vmem>>
        %dma_start3A_285 = arith.constant 0 : i32
        %dma_start3A_286 = arith.constant 0 : i32
        %dma_start3A_287 = tpu.memref_slice %arg24[%dma_start3A_285, %dma_start3A_286] : memref<12288x64xf32, #tpu.memory_space<vmem_shared>> -> memref<12288x64xf32, #tpu.memory_space<vmem_shared>>
        tpu.enqueue_indirect_dma source(%arg21 : memref<128x64xf32, #tpu.memory_space<vmem>>) target(%dma_start3A_287 : memref<12288x64xf32, #tpu.memory_space<vmem_shared>>) offsets(%dma_start3A_284 : memref<128xi32, #tpu.memory_space<vmem>>) semaphore(%arg40 : memref<!tpu.dma_semaphore, #tpu.memory_space<semaphore_mem>>) {add = true}
      } else {
      }
      %add3A_227 = arith.constant 4 : i32
      %add3A_228 = arith.addi %add3A_145, %add3A_227 : i32
      %add3A_229 = arith.constant 4 : i32
      %add3A_230 = arith.addi %add3A_228, %add3A_229 : i32
      %lt3A_231 = arith.constant 160 : i32
      %lt3A_232 = arith.cmpi slt, %add3A_230, %lt3A_231 : i32
      %convert_element_type3A_233 = arith.extui %lt3A_232 : i1 to i32
      %cond3A_234 = arith.constant 0 : i32
      %cond3A_235 = arith.cmpi ne, %convert_element_type3A_233, %cond3A_234 : i32
      scf.if %cond3A_235 {
        %add3A_269 = arith.constant 4 : i32
        %add3A_270 = arith.addi %add3A_228, %add3A_269 : i32
        %sub3A = arith.constant 6 : i32
        %sub3A_271 = arith.subi %add3A_270, %sub3A : i32
        %ge3A = arith.constant 0 : i32
        %ge3A_272 = arith.cmpi sge, %sub3A_271, %ge3A : i32
        %convert_element_type3A_273 = arith.extui %ge3A_272 : i1 to i32
        %cond3A_274 = arith.constant 0 : i32
        %cond3A_275 = arith.cmpi ne, %convert_element_type3A_273, %cond3A_274 : i32
        scf.if %cond3A_275 {
          %dma_wait3A_287 = arith.constant 1 : i32
          %dma_wait3A_288 = arith.constant 0 : i32
          %dma_wait3A_289 = tpu.memref_slice %arg8[%dma_wait3A_287, %dma_wait3A_288] : memref<2x128xi32, #tpu.memory_space<vmem>> -> memref<1x128xi32, #tpu.memory_space<vmem>>
          %dma_wait3A_290 = tpu.memref_squeeze %dma_wait3A_289 : memref<1x128xi32, #tpu.memory_space<vmem>> -> memref<128xi32, #tpu.memory_space<vmem>>
          %dma_wait3A_291 = arith.constant 0 : i32
          %dma_wait3A_292 = arith.constant 0 : i32
          %dma_wait3A_293 = tpu.memref_slice %arg24[%dma_wait3A_291, %dma_wait3A_292] : memref<12288x64xf32, #tpu.memory_space<vmem_shared>> -> memref<12288x64xf32, #tpu.memory_space<vmem_shared>>
          tpu.wait_indirect_dma semaphore(%arg39 : memref<!tpu.dma_semaphore, #tpu.memory_space<semaphore_mem>>) src(%arg20 : memref<128x64xf32, #tpu.memory_space<vmem>>) dst(%dma_wait3A_293 : memref<12288x64xf32, #tpu.memory_space<vmem_shared>>)
        } else {
        }
        %add3A_276 = arith.constant 4 : i32
        %add3A_277 = arith.addi %add3A_228, %add3A_276 : i32
        %add3A_278 = arith.addi %mul3A_0, %add3A_277 : i32
        %dma_start3A_279 = arith.constant 0 : i32
        %dma_start3A_280 = arith.constant 0 : i32
        %dma_start3A_281 = tpu.memref_slice %arg3[%arg0, %add3A_278, %dma_start3A_279, %dma_start3A_280] : memref<2x2560x2x128xi32, #tpu.memory_space<hbm>> -> memref<1x1x2x128xi32, #tpu.memory_space<hbm>>
        %dma_start3A_282 = tpu.memref_squeeze %dma_start3A_281 : memref<1x1x2x128xi32, #tpu.memory_space<hbm>> -> memref<2x128xi32, #tpu.memory_space<hbm>>
        %dma_start3A_283 = arith.constant 0 : i32
        %dma_start3A_284 = arith.constant 0 : i32
        %dma_start3A_285 = tpu.memref_slice %arg3[%arg0, %add3A_278, %dma_start3A_283, %dma_start3A_284] : memref<2x2560x2x128xi32, #tpu.memory_space<hbm>> -> memref<1x1x2x128xi32, #tpu.memory_space<hbm>>
        %dma_start3A_286 = tpu.memref_squeeze %dma_start3A_285 : memref<1x1x2x128xi32, #tpu.memory_space<hbm>> -> memref<2x128xi32, #tpu.memory_space<hbm>>
        tpu.enqueue_dma source(%dma_start3A_286 : memref<2x128xi32, #tpu.memory_space<hbm>>) target(%arg8 : memref<2x128xi32, #tpu.memory_space<vmem>>) target_semaphore(%arg27 : memref<!tpu.dma_semaphore, #tpu.memory_space<semaphore_mem>>)
      } else {
      }
      %add3A_236 = arith.constant 3 : i32
      %add3A_237 = arith.addi %add3A_228, %add3A_236 : i32
      %lt3A_238 = arith.constant 160 : i32
      %lt3A_239 = arith.cmpi slt, %add3A_237, %lt3A_238 : i32
      %convert_element_type3A_240 = arith.extui %lt3A_239 : i1 to i32
      %cond3A_241 = arith.constant 0 : i32
      %cond3A_242 = arith.cmpi ne, %convert_element_type3A_240, %cond3A_241 : i32
      scf.if %cond3A_242 {
        %dma_wait3A_269 = arith.constant 0 : i32
        %dma_wait3A_270 = arith.constant 0 : i32
        %dma_wait3A_271 = arith.constant 0 : i32
        %dma_wait3A_272 = arith.constant 0 : i32
        %dma_wait3A_273 = tpu.memref_slice %arg3[%dma_wait3A_269, %dma_wait3A_270, %dma_wait3A_271, %dma_wait3A_272] : memref<2x2560x2x128xi32, #tpu.memory_space<hbm>> -> memref<1x1x2x128xi32, #tpu.memory_space<hbm>>
        %dma_wait3A_274 = tpu.memref_squeeze %dma_wait3A_273 : memref<1x1x2x128xi32, #tpu.memory_space<hbm>> -> memref<2x128xi32, #tpu.memory_space<hbm>>
        %dma_wait3A_275 = arith.constant 0 : i32
        %dma_wait3A_276 = arith.constant 0 : i32
        %dma_wait3A_277 = tpu.memref_slice %arg3[%dma_wait3A_269, %dma_wait3A_270, %dma_wait3A_275, %dma_wait3A_276] : memref<2x2560x2x128xi32, #tpu.memory_space<hbm>> -> memref<1x1x2x128xi32, #tpu.memory_space<hbm>>
        %dma_wait3A_278 = tpu.memref_squeeze %dma_wait3A_277 : memref<1x1x2x128xi32, #tpu.memory_space<hbm>> -> memref<2x128xi32, #tpu.memory_space<hbm>>
        tpu.wait_dma2 semaphore(%arg26 : memref<!tpu.dma_semaphore, #tpu.memory_space<semaphore_mem>>) src(%dma_wait3A_278 : memref<2x128xi32, #tpu.memory_space<hbm>>) dst(%arg7 : memref<2x128xi32, #tpu.memory_space<vmem>>)
        %add3A_279 = arith.constant 3 : i32
        %add3A_280 = arith.addi %add3A_228, %add3A_279 : i32
        %dma_start3A_281 = arith.constant 0 : i32
        %dma_start3A_282 = arith.constant 0 : i32
        %dma_start3A_283 = tpu.memref_slice %arg7[%dma_start3A_281, %dma_start3A_282] : memref<2x128xi32, #tpu.memory_space<vmem>> -> memref<1x128xi32, #tpu.memory_space<vmem>>
        %dma_start3A_284 = tpu.memref_squeeze %dma_start3A_283 : memref<1x128xi32, #tpu.memory_space<vmem>> -> memref<128xi32, #tpu.memory_space<vmem>>
        %dma_start3A_285 = arith.constant 0 : i32
        %dma_start3A_286 = arith.constant 0 : i32
        %dma_start3A_287 = tpu.memref_slice %arg2[%dma_start3A_285, %dma_start3A_286] : memref<24576x64xbf16, #tpu.memory_space<hbm>> -> memref<24576x64xbf16, #tpu.memory_space<hbm>>
        tpu.enqueue_indirect_dma source(%dma_start3A_287 : memref<24576x64xbf16, #tpu.memory_space<hbm>>) target(%arg13 : memref<128x64xbf16, #tpu.memory_space<vmem>>) offsets(%dma_start3A_284 : memref<128xi32, #tpu.memory_space<vmem>>) semaphore(%arg32 : memref<!tpu.dma_semaphore, #tpu.memory_space<semaphore_mem>>)
      } else {
      }
      %lt3A_243 = arith.constant 160 : i32
      %lt3A_244 = arith.cmpi slt, %add3A_228, %lt3A_243 : i32
      %convert_element_type3A_245 = arith.extui %lt3A_244 : i1 to i32
      %cond3A_246 = arith.constant 0 : i32
      %cond3A_247 = arith.cmpi ne, %convert_element_type3A_245, %cond3A_246 : i32
      scf.if %cond3A_247 {
        %dma_wait3A_269 = arith.constant 0 : i32
        %dma_wait3A_270 = arith.constant 0 : i32
        %dma_wait3A_271 = tpu.memref_slice %arg10[%dma_wait3A_269, %dma_wait3A_270] : memref<2x128xi32, #tpu.memory_space<vmem>> -> memref<1x128xi32, #tpu.memory_space<vmem>>
        %dma_wait3A_272 = tpu.memref_squeeze %dma_wait3A_271 : memref<1x128xi32, #tpu.memory_space<vmem>> -> memref<128xi32, #tpu.memory_space<vmem>>
        %dma_wait3A_273 = arith.constant 0 : i32
        %dma_wait3A_274 = arith.constant 0 : i32
        %dma_wait3A_275 = tpu.memref_slice %arg2[%dma_wait3A_273, %dma_wait3A_274] : memref<24576x64xbf16, #tpu.memory_space<hbm>> -> memref<24576x64xbf16, #tpu.memory_space<hbm>>
        tpu.wait_indirect_dma semaphore(%arg35 : memref<!tpu.dma_semaphore, #tpu.memory_space<semaphore_mem>>) src(%dma_wait3A_275 : memref<24576x64xbf16, #tpu.memory_space<hbm>>) dst(%arg16 : memref<128x64xbf16, #tpu.memory_space<vmem>>)
        %scan3A_276 = arith.constant 0 : i32
        %scan3A_277 = arith.constant 128 : i32
        %scan3A_278 = arith.addi %scan3A_276, %scan3A_277 : i32
        %scan3A_279 = arith.constant 1 : i32
        scf.for %scan3A_288 = %scan3A_276 to %scan3A_278 step %scan3A_279  : i32 {
          %mul3A_289 = arith.constant 1 : i32
          %mul3A_290 = arith.muli %scan3A_288, %mul3A_289 : i32
          %add3A_291 = arith.constant 0 : i32
          %add3A_292 = arith.addi %add3A_291, %mul3A_290 : i32
          %get3A = arith.index_cast %add3A_292 : i32 to index
          %get3A_293 = arith.constant 0 : index
          %get3A_294 = tpu.vector_load %arg16[%get3A, %get3A_293] {strides = array<i32>} : memref<128x64xbf16, #tpu.memory_space<vmem>>, vector<32xbf16>,
          %bitcast3A = vector.bitcast %get3A_294 : vector<32xbf16> to vector<16xi32>
          %shift_left3A = arith.constant 16 : i32
          %shift_left3A_295 = vector.broadcast %shift_left3A : i32 to vector<16xi32>
          %shift_left3A_296 = arith.shli %bitcast3A, %shift_left3A_295 : vector<16xi32>
          %bitcast3A_297 = vector.bitcast %shift_left3A_296 : vector<16xi32> to vector<16xf32>
          %and3A = arith.constant -65536 : i32
          %and3A_298 = vector.broadcast %and3A : i32 to vector<16xi32>
          %and3A_299 = arith.andi %bitcast3A, %and3A_298 : vector<16xi32>
          %bitcast3A_300 = vector.bitcast %and3A_299 : vector<16xi32> to vector<16xf32>
          %swap3A = arith.index_cast %add3A_292 : i32 to index
          %swap3A_301 = arith.constant 0 : index
          %swap3A_302 = tpu.vector_load %arg22[%swap3A, %swap3A_301] {strides = array<i32>} : memref<128x64xf32, #tpu.memory_space<vmem>>, vector<16xf32>,
          tpu.vector_store %arg22[%swap3A, %swap3A_301], %bitcast3A_297 {strides = array<i32>} : memref<128x64xf32, #tpu.memory_space<vmem>>, vector<16xf32>,
          %swap3A_303 = arith.index_cast %add3A_292 : i32 to index
          %swap3A_304 = arith.constant 16 : index
          %swap3A_305 = tpu.vector_load %arg22[%swap3A_303, %swap3A_304] {strides = array<i32>} : memref<128x64xf32, #tpu.memory_space<vmem>>, vector<16xf32>,
          tpu.vector_store %arg22[%swap3A_303, %swap3A_304], %bitcast3A_300 {strides = array<i32>} : memref<128x64xf32, #tpu.memory_space<vmem>>, vector<16xf32>,
          %get3A_306 = arith.index_cast %add3A_292 : i32 to index
          %get3A_307 = arith.constant 32 : index
          %get3A_308 = tpu.vector_load %arg16[%get3A_306, %get3A_307] {strides = array<i32>} : memref<128x64xbf16, #tpu.memory_space<vmem>>, vector<32xbf16>,
          %bitcast3A_309 = vector.bitcast %get3A_308 : vector<32xbf16> to vector<16xi32>
          %shift_left3A_310 = arith.constant 16 : i32
          %shift_left3A_311 = vector.broadcast %shift_left3A_310 : i32 to vector<16xi32>
          %shift_left3A_312 = arith.shli %bitcast3A_309, %shift_left3A_311 : vector<16xi32>
          %bitcast3A_313 = vector.bitcast %shift_left3A_312 : vector<16xi32> to vector<16xf32>
          %and3A_314 = arith.constant -65536 : i32
          %and3A_315 = vector.broadcast %and3A_314 : i32 to vector<16xi32>
          %and3A_316 = arith.andi %bitcast3A_309, %and3A_315 : vector<16xi32>
          %bitcast3A_317 = vector.bitcast %and3A_316 : vector<16xi32> to vector<16xf32>
          %swap3A_318 = arith.index_cast %add3A_292 : i32 to index
          %swap3A_319 = arith.constant 32 : index
          %swap3A_320 = tpu.vector_load %arg22[%swap3A_318, %swap3A_319] {strides = array<i32>} : memref<128x64xf32, #tpu.memory_space<vmem>>, vector<16xf32>,
          tpu.vector_store %arg22[%swap3A_318, %swap3A_319], %bitcast3A_313 {strides = array<i32>} : memref<128x64xf32, #tpu.memory_space<vmem>>, vector<16xf32>,
          %swap3A_321 = arith.index_cast %add3A_292 : i32 to index
          %swap3A_322 = arith.constant 48 : index
          %swap3A_323 = tpu.vector_load %arg22[%swap3A_321, %swap3A_322] {strides = array<i32>} : memref<128x64xf32, #tpu.memory_space<vmem>>, vector<16xf32>,
          tpu.vector_store %arg22[%swap3A_321, %swap3A_322], %bitcast3A_317 {strides = array<i32>} : memref<128x64xf32, #tpu.memory_space<vmem>>, vector<16xf32>,
        }
        %scan3A_280 = arith.constant 128 : i32
        %dma_start3A_281 = arith.constant 1 : i32
        %dma_start3A_282 = arith.constant 0 : i32
        %dma_start3A_283 = tpu.memref_slice %arg10[%dma_start3A_281, %dma_start3A_282] : memref<2x128xi32, #tpu.memory_space<vmem>> -> memref<1x128xi32, #tpu.memory_space<vmem>>
        %dma_start3A_284 = tpu.memref_squeeze %dma_start3A_283 : memref<1x128xi32, #tpu.memory_space<vmem>> -> memref<128xi32, #tpu.memory_space<vmem>>
        %dma_start3A_285 = arith.constant 0 : i32
        %dma_start3A_286 = arith.constant 0 : i32
        %dma_start3A_287 = tpu.memref_slice %arg24[%dma_start3A_285, %dma_start3A_286] : memref<12288x64xf32, #tpu.memory_space<vmem_shared>> -> memref<12288x64xf32, #tpu.memory_space<vmem_shared>>
        tpu.enqueue_indirect_dma source(%arg22 : memref<128x64xf32, #tpu.memory_space<vmem>>) target(%dma_start3A_287 : memref<12288x64xf32, #tpu.memory_space<vmem_shared>>) offsets(%dma_start3A_284 : memref<128xi32, #tpu.memory_space<vmem>>) semaphore(%arg41 : memref<!tpu.dma_semaphore, #tpu.memory_space<semaphore_mem>>) {add = true}
      } else {
      }
      %add3A_248 = arith.constant 5 : i32
      %add3A_249 = arith.addi %add3A_145, %add3A_248 : i32
      %add3A_250 = arith.constant 4 : i32
      %add3A_251 = arith.addi %add3A_249, %add3A_250 : i32
      %lt3A_252 = arith.constant 160 : i32
      %lt3A_253 = arith.cmpi slt, %add3A_251, %lt3A_252 : i32
      %convert_element_type3A_254 = arith.extui %lt3A_253 : i1 to i32
      %cond3A_255 = arith.constant 0 : i32
      %cond3A_256 = arith.cmpi ne, %convert_element_type3A_254, %cond3A_255 : i32
      scf.if %cond3A_256 {
        %add3A_269 = arith.constant 4 : i32
        %add3A_270 = arith.addi %add3A_249, %add3A_269 : i32
        %sub3A = arith.constant 6 : i32
        %sub3A_271 = arith.subi %add3A_270, %sub3A : i32
        %ge3A = arith.constant 0 : i32
        %ge3A_272 = arith.cmpi sge, %sub3A_271, %ge3A : i32
        %convert_element_type3A_273 = arith.extui %ge3A_272 : i1 to i32
        %cond3A_274 = arith.constant 0 : i32
        %cond3A_275 = arith.cmpi ne, %convert_element_type3A_273, %cond3A_274 : i32
        scf.if %cond3A_275 {
          %dma_wait3A_287 = arith.constant 1 : i32
          %dma_wait3A_288 = arith.constant 0 : i32
          %dma_wait3A_289 = tpu.memref_slice %arg9[%dma_wait3A_287, %dma_wait3A_288] : memref<2x128xi32, #tpu.memory_space<vmem>> -> memref<1x128xi32, #tpu.memory_space<vmem>>
          %dma_wait3A_290 = tpu.memref_squeeze %dma_wait3A_289 : memref<1x128xi32, #tpu.memory_space<vmem>> -> memref<128xi32, #tpu.memory_space<vmem>>
          %dma_wait3A_291 = arith.constant 0 : i32
          %dma_wait3A_292 = arith.constant 0 : i32
          %dma_wait3A_293 = tpu.memref_slice %arg24[%dma_wait3A_291, %dma_wait3A_292] : memref<12288x64xf32, #tpu.memory_space<vmem_shared>> -> memref<12288x64xf32, #tpu.memory_space<vmem_shared>>
          tpu.wait_indirect_dma semaphore(%arg40 : memref<!tpu.dma_semaphore, #tpu.memory_space<semaphore_mem>>) src(%arg21 : memref<128x64xf32, #tpu.memory_space<vmem>>) dst(%dma_wait3A_293 : memref<12288x64xf32, #tpu.memory_space<vmem_shared>>)
        } else {
        }
        %add3A_276 = arith.constant 4 : i32
        %add3A_277 = arith.addi %add3A_249, %add3A_276 : i32
        %add3A_278 = arith.addi %mul3A_0, %add3A_277 : i32
        %dma_start3A_279 = arith.constant 0 : i32
        %dma_start3A_280 = arith.constant 0 : i32
        %dma_start3A_281 = tpu.memref_slice %arg3[%arg0, %add3A_278, %dma_start3A_279, %dma_start3A_280] : memref<2x2560x2x128xi32, #tpu.memory_space<hbm>> -> memref<1x1x2x128xi32, #tpu.memory_space<hbm>>
        %dma_start3A_282 = tpu.memref_squeeze %dma_start3A_281 : memref<1x1x2x128xi32, #tpu.memory_space<hbm>> -> memref<2x128xi32, #tpu.memory_space<hbm>>
        %dma_start3A_283 = arith.constant 0 : i32
        %dma_start3A_284 = arith.constant 0 : i32
        %dma_start3A_285 = tpu.memref_slice %arg3[%arg0, %add3A_278, %dma_start3A_283, %dma_start3A_284] : memref<2x2560x2x128xi32, #tpu.memory_space<hbm>> -> memref<1x1x2x128xi32, #tpu.memory_space<hbm>>
        %dma_start3A_286 = tpu.memref_squeeze %dma_start3A_285 : memref<1x1x2x128xi32, #tpu.memory_space<hbm>> -> memref<2x128xi32, #tpu.memory_space<hbm>>
        tpu.enqueue_dma source(%dma_start3A_286 : memref<2x128xi32, #tpu.memory_space<hbm>>) target(%arg9 : memref<2x128xi32, #tpu.memory_space<vmem>>) target_semaphore(%arg28 : memref<!tpu.dma_semaphore, #tpu.memory_space<semaphore_mem>>)
      } else {
      }
      %add3A_257 = arith.constant 3 : i32
      %add3A_258 = arith.addi %add3A_249, %add3A_257 : i32
      %lt3A_259 = arith.constant 160 : i32
      %lt3A_260 = arith.cmpi slt, %add3A_258, %lt3A_259 : i32
      %convert_element_type3A_261 = arith.extui %lt3A_260 : i1 to i32
      %cond3A_262 = arith.constant 0 : i32
      %cond3A_263 = arith.cmpi ne, %convert_element_type3A_261, %cond3A_262 : i32
      scf.if %cond3A_263 {
        %dma_wait3A_269 = arith.constant 0 : i32
        %dma_wait3A_270 = arith.constant 0 : i32
        %dma_wait3A_271 = arith.constant 0 : i32
        %dma_wait3A_272 = arith.constant 0 : i32
        %dma_wait3A_273 = tpu.memref_slice %arg3[%dma_wait3A_269, %dma_wait3A_270, %dma_wait3A_271, %dma_wait3A_272] : memref<2x2560x2x128xi32, #tpu.memory_space<hbm>> -> memref<1x1x2x128xi32, #tpu.memory_space<hbm>>
        %dma_wait3A_274 = tpu.memref_squeeze %dma_wait3A_273 : memref<1x1x2x128xi32, #tpu.memory_space<hbm>> -> memref<2x128xi32, #tpu.memory_space<hbm>>
        %dma_wait3A_275 = arith.constant 0 : i32
        %dma_wait3A_276 = arith.constant 0 : i32
        %dma_wait3A_277 = tpu.memref_slice %arg3[%dma_wait3A_269, %dma_wait3A_270, %dma_wait3A_275, %dma_wait3A_276] : memref<2x2560x2x128xi32, #tpu.memory_space<hbm>> -> memref<1x1x2x128xi32, #tpu.memory_space<hbm>>
        %dma_wait3A_278 = tpu.memref_squeeze %dma_wait3A_277 : memref<1x1x2x128xi32, #tpu.memory_space<hbm>> -> memref<2x128xi32, #tpu.memory_space<hbm>>
        tpu.wait_dma2 semaphore(%arg27 : memref<!tpu.dma_semaphore, #tpu.memory_space<semaphore_mem>>) src(%dma_wait3A_278 : memref<2x128xi32, #tpu.memory_space<hbm>>) dst(%arg8 : memref<2x128xi32, #tpu.memory_space<vmem>>)
        %add3A_279 = arith.constant 3 : i32
        %add3A_280 = arith.addi %add3A_249, %add3A_279 : i32
        %dma_start3A_281 = arith.constant 0 : i32
        %dma_start3A_282 = arith.constant 0 : i32
        %dma_start3A_283 = tpu.memref_slice %arg8[%dma_start3A_281, %dma_start3A_282] : memref<2x128xi32, #tpu.memory_space<vmem>> -> memref<1x128xi32, #tpu.memory_space<vmem>>
        %dma_start3A_284 = tpu.memref_squeeze %dma_start3A_283 : memref<1x128xi32, #tpu.memory_space<vmem>> -> memref<128xi32, #tpu.memory_space<vmem>>
        %dma_start3A_285 = arith.constant 0 : i32
        %dma_start3A_286 = arith.constant 0 : i32
        %dma_start3A_287 = tpu.memref_slice %arg2[%dma_start3A_285, %dma_start3A_286] : memref<24576x64xbf16, #tpu.memory_space<hbm>> -> memref<24576x64xbf16, #tpu.memory_space<hbm>>
        tpu.enqueue_indirect_dma source(%dma_start3A_287 : memref<24576x64xbf16, #tpu.memory_space<hbm>>) target(%arg14 : memref<128x64xbf16, #tpu.memory_space<vmem>>) offsets(%dma_start3A_284 : memref<128xi32, #tpu.memory_space<vmem>>) semaphore(%arg33 : memref<!tpu.dma_semaphore, #tpu.memory_space<semaphore_mem>>)
      } else {
      }
      %lt3A_264 = arith.constant 160 : i32
      %lt3A_265 = arith.cmpi slt, %add3A_249, %lt3A_264 : i32
      %convert_element_type3A_266 = arith.extui %lt3A_265 : i1 to i32
      %cond3A_267 = arith.constant 0 : i32
      %cond3A_268 = arith.cmpi ne, %convert_element_type3A_266, %cond3A_267 : i32
      scf.if %cond3A_268 {
        %dma_wait3A_269 = arith.constant 0 : i32
        %dma_wait3A_270 = arith.constant 0 : i32
        %dma_wait3A_271 = tpu.memref_slice %arg11[%dma_wait3A_269, %dma_wait3A_270] : memref<2x128xi32, #tpu.memory_space<vmem>> -> memref<1x128xi32, #tpu.memory_space<vmem>>
        %dma_wait3A_272 = tpu.memref_squeeze %dma_wait3A_271 : memref<1x128xi32, #tpu.memory_space<vmem>> -> memref<128xi32, #tpu.memory_space<vmem>>
        %dma_wait3A_273 = arith.constant 0 : i32
        %dma_wait3A_274 = arith.constant 0 : i32
        %dma_wait3A_275 = tpu.memref_slice %arg2[%dma_wait3A_273, %dma_wait3A_274] : memref<24576x64xbf16, #tpu.memory_space<hbm>> -> memref<24576x64xbf16, #tpu.memory_space<hbm>>
        tpu.wait_indirect_dma semaphore(%arg36 : memref<!tpu.dma_semaphore, #tpu.memory_space<semaphore_mem>>) src(%dma_wait3A_275 : memref<24576x64xbf16, #tpu.memory_space<hbm>>) dst(%arg17 : memref<128x64xbf16, #tpu.memory_space<vmem>>)
        %scan3A_276 = arith.constant 0 : i32
        %scan3A_277 = arith.constant 128 : i32
        %scan3A_278 = arith.addi %scan3A_276, %scan3A_277 : i32
        %scan3A_279 = arith.constant 1 : i32
        scf.for %scan3A_288 = %scan3A_276 to %scan3A_278 step %scan3A_279  : i32 {
          %mul3A_289 = arith.constant 1 : i32
          %mul3A_290 = arith.muli %scan3A_288, %mul3A_289 : i32
          %add3A_291 = arith.constant 0 : i32
          %add3A_292 = arith.addi %add3A_291, %mul3A_290 : i32
          %get3A = arith.index_cast %add3A_292 : i32 to index
          %get3A_293 = arith.constant 0 : index
          %get3A_294 = tpu.vector_load %arg17[%get3A, %get3A_293] {strides = array<i32>} : memref<128x64xbf16, #tpu.memory_space<vmem>>, vector<32xbf16>,
          %bitcast3A = vector.bitcast %get3A_294 : vector<32xbf16> to vector<16xi32>
          %shift_left3A = arith.constant 16 : i32
          %shift_left3A_295 = vector.broadcast %shift_left3A : i32 to vector<16xi32>
          %shift_left3A_296 = arith.shli %bitcast3A, %shift_left3A_295 : vector<16xi32>
          %bitcast3A_297 = vector.bitcast %shift_left3A_296 : vector<16xi32> to vector<16xf32>
          %and3A = arith.constant -65536 : i32
          %and3A_298 = vector.broadcast %and3A : i32 to vector<16xi32>
          %and3A_299 = arith.andi %bitcast3A, %and3A_298 : vector<16xi32>
          %bitcast3A_300 = vector.bitcast %and3A_299 : vector<16xi32> to vector<16xf32>
          %swap3A = arith.index_cast %add3A_292 : i32 to index
          %swap3A_301 = arith.constant 0 : index
          %swap3A_302 = tpu.vector_load %arg23[%swap3A, %swap3A_301] {strides = array<i32>} : memref<128x64xf32, #tpu.memory_space<vmem>>, vector<16xf32>,
          tpu.vector_store %arg23[%swap3A, %swap3A_301], %bitcast3A_297 {strides = array<i32>} : memref<128x64xf32, #tpu.memory_space<vmem>>, vector<16xf32>,
          %swap3A_303 = arith.index_cast %add3A_292 : i32 to index
          %swap3A_304 = arith.constant 16 : index
          %swap3A_305 = tpu.vector_load %arg23[%swap3A_303, %swap3A_304] {strides = array<i32>} : memref<128x64xf32, #tpu.memory_space<vmem>>, vector<16xf32>,
          tpu.vector_store %arg23[%swap3A_303, %swap3A_304], %bitcast3A_300 {strides = array<i32>} : memref<128x64xf32, #tpu.memory_space<vmem>>, vector<16xf32>,
          %get3A_306 = arith.index_cast %add3A_292 : i32 to index
          %get3A_307 = arith.constant 32 : index
          %get3A_308 = tpu.vector_load %arg17[%get3A_306, %get3A_307] {strides = array<i32>} : memref<128x64xbf16, #tpu.memory_space<vmem>>, vector<32xbf16>,
          %bitcast3A_309 = vector.bitcast %get3A_308 : vector<32xbf16> to vector<16xi32>
          %shift_left3A_310 = arith.constant 16 : i32
          %shift_left3A_311 = vector.broadcast %shift_left3A_310 : i32 to vector<16xi32>
          %shift_left3A_312 = arith.shli %bitcast3A_309, %shift_left3A_311 : vector<16xi32>
          %bitcast3A_313 = vector.bitcast %shift_left3A_312 : vector<16xi32> to vector<16xf32>
          %and3A_314 = arith.constant -65536 : i32
          %and3A_315 = vector.broadcast %and3A_314 : i32 to vector<16xi32>
          %and3A_316 = arith.andi %bitcast3A_309, %and3A_315 : vector<16xi32>
          %bitcast3A_317 = vector.bitcast %and3A_316 : vector<16xi32> to vector<16xf32>
          %swap3A_318 = arith.index_cast %add3A_292 : i32 to index
          %swap3A_319 = arith.constant 32 : index
          %swap3A_320 = tpu.vector_load %arg23[%swap3A_318, %swap3A_319] {strides = array<i32>} : memref<128x64xf32, #tpu.memory_space<vmem>>, vector<16xf32>,
          tpu.vector_store %arg23[%swap3A_318, %swap3A_319], %bitcast3A_313 {strides = array<i32>} : memref<128x64xf32, #tpu.memory_space<vmem>>, vector<16xf32>,
          %swap3A_321 = arith.index_cast %add3A_292 : i32 to index
          %swap3A_322 = arith.constant 48 : index
          %swap3A_323 = tpu.vector_load %arg23[%swap3A_321, %swap3A_322] {strides = array<i32>} : memref<128x64xf32, #tpu.memory_space<vmem>>, vector<16xf32>,
          tpu.vector_store %arg23[%swap3A_321, %swap3A_322], %bitcast3A_317 {strides = array<i32>} : memref<128x64xf32, #tpu.memory_space<vmem>>, vector<16xf32>,
        }
        %scan3A_280 = arith.constant 128 : i32
        %dma_start3A_281 = arith.constant 1 : i32
        %dma_start3A_282 = arith.constant 0 : i32
        %dma_start3A_283 = tpu.memref_slice %arg11[%dma_start3A_281, %dma_start3A_282] : memref<2x128xi32, #tpu.memory_space<vmem>> -> memref<1x128xi32, #tpu.memory_space<vmem>>
        %dma_start3A_284 = tpu.memref_squeeze %dma_start3A_283 : memref<1x128xi32, #tpu.memory_space<vmem>> -> memref<128xi32, #tpu.memory_space<vmem>>
        %dma_start3A_285 = arith.constant 0 : i32
        %dma_start3A_286 = arith.constant 0 : i32
        %dma_start3A_287 = tpu.memref_slice %arg24[%dma_start3A_285, %dma_start3A_286] : memref<12288x64xf32, #tpu.memory_space<vmem_shared>> -> memref<12288x64xf32, #tpu.memory_space<vmem_shared>>
        tpu.enqueue_indirect_dma source(%arg23 : memref<128x64xf32, #tpu.memory_space<vmem>>) target(%dma_start3A_287 : memref<12288x64xf32, #tpu.memory_space<vmem_shared>>) offsets(%dma_start3A_284 : memref<128xi32, #tpu.memory_space<vmem>>) semaphore(%arg42 : memref<!tpu.dma_semaphore, #tpu.memory_space<semaphore_mem>>) {add = true}
      } else {
      }
    }
    %scan3A_94 = arith.constant 27 : i32
    %dma_wait3A_95 = arith.constant 1 : i32
    %dma_wait3A_96 = arith.constant 0 : i32
    %dma_wait3A_97 = tpu.memref_slice %arg6[%dma_wait3A_95, %dma_wait3A_96] : memref<2x128xi32, #tpu.memory_space<vmem>> -> memref<1x128xi32, #tpu.memory_space<vmem>>
    %dma_wait3A_98 = tpu.memref_squeeze %dma_wait3A_97 : memref<1x128xi32, #tpu.memory_space<vmem>> -> memref<128xi32, #tpu.memory_space<vmem>>
    %dma_wait3A_99 = arith.constant 0 : i32
    %dma_wait3A_100 = arith.constant 0 : i32
    %dma_wait3A_101 = tpu.memref_slice %arg24[%dma_wait3A_99, %dma_wait3A_100] : memref<12288x64xf32, #tpu.memory_space<vmem_shared>> -> memref<12288x64xf32, #tpu.memory_space<vmem_shared>>
    tpu.wait_indirect_dma semaphore(%arg37 : memref<!tpu.dma_semaphore, #tpu.memory_space<semaphore_mem>>) src(%arg18 : memref<128x64xf32, #tpu.memory_space<vmem>>) dst(%dma_wait3A_101 : memref<12288x64xf32, #tpu.memory_space<vmem_shared>>)
    %dma_wait3A_102 = arith.constant 1 : i32
    %dma_wait3A_103 = arith.constant 0 : i32
    %dma_wait3A_104 = tpu.memref_slice %arg7[%dma_wait3A_102, %dma_wait3A_103] : memref<2x128xi32, #tpu.memory_space<vmem>> -> memref<1x128xi32, #tpu.memory_space<vmem>>
    %dma_wait3A_105 = tpu.memref_squeeze %dma_wait3A_104 : memref<1x128xi32, #tpu.memory_space<vmem>> -> memref<128xi32, #tpu.memory_space<vmem>>
    %dma_wait3A_106 = arith.constant 0 : i32
    %dma_wait3A_107 = arith.constant 0 : i32
    %dma_wait3A_108 = tpu.memref_slice %arg24[%dma_wait3A_106, %dma_wait3A_107] : memref<12288x64xf32, #tpu.memory_space<vmem_shared>> -> memref<12288x64xf32, #tpu.memory_space<vmem_shared>>
    tpu.wait_indirect_dma semaphore(%arg38 : memref<!tpu.dma_semaphore, #tpu.memory_space<semaphore_mem>>) src(%arg19 : memref<128x64xf32, #tpu.memory_space<vmem>>) dst(%dma_wait3A_108 : memref<12288x64xf32, #tpu.memory_space<vmem_shared>>)
    %dma_wait3A_109 = arith.constant 1 : i32
    %dma_wait3A_110 = arith.constant 0 : i32
    %dma_wait3A_111 = tpu.memref_slice %arg8[%dma_wait3A_109, %dma_wait3A_110] : memref<2x128xi32, #tpu.memory_space<vmem>> -> memref<1x128xi32, #tpu.memory_space<vmem>>
    %dma_wait3A_112 = tpu.memref_squeeze %dma_wait3A_111 : memref<1x128xi32, #tpu.memory_space<vmem>> -> memref<128xi32, #tpu.memory_space<vmem>>
    %dma_wait3A_113 = arith.constant 0 : i32
    %dma_wait3A_114 = arith.constant 0 : i32
    %dma_wait3A_115 = tpu.memref_slice %arg24[%dma_wait3A_113, %dma_wait3A_114] : memref<12288x64xf32, #tpu.memory_space<vmem_shared>> -> memref<12288x64xf32, #tpu.memory_space<vmem_shared>>
    tpu.wait_indirect_dma semaphore(%arg39 : memref<!tpu.dma_semaphore, #tpu.memory_space<semaphore_mem>>) src(%arg20 : memref<128x64xf32, #tpu.memory_space<vmem>>) dst(%dma_wait3A_115 : memref<12288x64xf32, #tpu.memory_space<vmem_shared>>)
    %dma_wait3A_116 = arith.constant 1 : i32
    %dma_wait3A_117 = arith.constant 0 : i32
    %dma_wait3A_118 = tpu.memref_slice %arg9[%dma_wait3A_116, %dma_wait3A_117] : memref<2x128xi32, #tpu.memory_space<vmem>> -> memref<1x128xi32, #tpu.memory_space<vmem>>
    %dma_wait3A_119 = tpu.memref_squeeze %dma_wait3A_118 : memref<1x128xi32, #tpu.memory_space<vmem>> -> memref<128xi32, #tpu.memory_space<vmem>>
    %dma_wait3A_120 = arith.constant 0 : i32
    %dma_wait3A_121 = arith.constant 0 : i32
    %dma_wait3A_122 = tpu.memref_slice %arg24[%dma_wait3A_120, %dma_wait3A_121] : memref<12288x64xf32, #tpu.memory_space<vmem_shared>> -> memref<12288x64xf32, #tpu.memory_space<vmem_shared>>
    tpu.wait_indirect_dma semaphore(%arg40 : memref<!tpu.dma_semaphore, #tpu.memory_space<semaphore_mem>>) src(%arg21 : memref<128x64xf32, #tpu.memory_space<vmem>>) dst(%dma_wait3A_122 : memref<12288x64xf32, #tpu.memory_space<vmem_shared>>)
    %dma_wait3A_123 = arith.constant 1 : i32
    %dma_wait3A_124 = arith.constant 0 : i32
    %dma_wait3A_125 = tpu.memref_slice %arg10[%dma_wait3A_123, %dma_wait3A_124] : memref<2x128xi32, #tpu.memory_space<vmem>> -> memref<1x128xi32, #tpu.memory_space<vmem>>
    %dma_wait3A_126 = tpu.memref_squeeze %dma_wait3A_125 : memref<1x128xi32, #tpu.memory_space<vmem>> -> memref<128xi32, #tpu.memory_space<vmem>>
    %dma_wait3A_127 = arith.constant 0 : i32
    %dma_wait3A_128 = arith.constant 0 : i32
    %dma_wait3A_129 = tpu.memref_slice %arg24[%dma_wait3A_127, %dma_wait3A_128] : memref<12288x64xf32, #tpu.memory_space<vmem_shared>> -> memref<12288x64xf32, #tpu.memory_space<vmem_shared>>
    tpu.wait_indirect_dma semaphore(%arg41 : memref<!tpu.dma_semaphore, #tpu.memory_space<semaphore_mem>>) src(%arg22 : memref<128x64xf32, #tpu.memory_space<vmem>>) dst(%dma_wait3A_129 : memref<12288x64xf32, #tpu.memory_space<vmem_shared>>)
    %dma_wait3A_130 = arith.constant 1 : i32
    %dma_wait3A_131 = arith.constant 0 : i32
    %dma_wait3A_132 = tpu.memref_slice %arg11[%dma_wait3A_130, %dma_wait3A_131] : memref<2x128xi32, #tpu.memory_space<vmem>> -> memref<1x128xi32, #tpu.memory_space<vmem>>
    %dma_wait3A_133 = tpu.memref_squeeze %dma_wait3A_132 : memref<1x128xi32, #tpu.memory_space<vmem>> -> memref<128xi32, #tpu.memory_space<vmem>>
    %dma_wait3A_134 = arith.constant 0 : i32
    %dma_wait3A_135 = arith.constant 0 : i32
    %dma_wait3A_136 = tpu.memref_slice %arg24[%dma_wait3A_134, %dma_wait3A_135] : memref<12288x64xf32, #tpu.memory_space<vmem_shared>> -> memref<12288x64xf32, #tpu.memory_space<vmem_shared>>
    tpu.wait_indirect_dma semaphore(%arg42 : memref<!tpu.dma_semaphore, #tpu.memory_space<semaphore_mem>>) src(%arg23 : memref<128x64xf32, #tpu.memory_space<vmem>>) dst(%dma_wait3A_136 : memref<12288x64xf32, #tpu.memory_space<vmem_shared>>)
    %barrier3A_137 = arith.constant 0 : index
    tpu.barrier barrier_id(%barrier3A_137)
    %mul3A_138 = arith.constant 12288 : i32
    %mul3A_139 = arith.muli %arg0, %mul3A_138 : i32
    %add3A_140 = arith.addi %mul3A_139, %mul3A_2 : i32
    "tpu.region"() ({
      %run_scoped3A = tpu.sem_alloc : memref<!tpu.dma_semaphore, #tpu.memory_space<semaphore_mem>>
      %dma_start3A_141 = arith.constant 0 : i32
      %dma_start3A_142 = tpu.memref_slice %arg5[%add3A_140, %dma_start3A_141] : memref<24576x64xf32, #tpu.memory_space<hbm>> -> memref<768x64xf32, #tpu.memory_space<hbm>>
      %dma_start3A_143 = arith.constant 0 : i32
      %dma_start3A_144 = tpu.memref_slice %arg24[%mul3A_2, %dma_start3A_143] : memref<12288x64xf32, #tpu.memory_space<vmem_shared>> -> memref<768x64xf32, #tpu.memory_space<vmem_shared>>
      tpu.enqueue_dma source(%dma_start3A_144 : memref<768x64xf32, #tpu.memory_space<vmem_shared>>) target(%dma_start3A_142 : memref<768x64xf32, #tpu.memory_space<hbm>>) target_semaphore(%run_scoped3A : memref<!tpu.dma_semaphore, #tpu.memory_space<semaphore_mem>>)
      %dma_wait3A_145 = arith.constant 0 : i32
      %dma_wait3A_146 = tpu.memref_slice %arg5[%add3A_140, %dma_wait3A_145] : memref<24576x64xf32, #tpu.memory_space<hbm>> -> memref<768x64xf32, #tpu.memory_space<hbm>>
      %dma_wait3A_147 = arith.constant 0 : i32
      %dma_wait3A_148 = tpu.memref_slice %arg24[%mul3A_2, %dma_wait3A_147] : memref<12288x64xf32, #tpu.memory_space<vmem_shared>> -> memref<768x64xf32, #tpu.memory_space<vmem_shared>>
      tpu.wait_dma2 semaphore(%run_scoped3A : memref<!tpu.dma_semaphore, #tpu.memory_space<semaphore_mem>>) src(%dma_wait3A_148 : memref<768x64xf32, #tpu.memory_space<vmem_shared>>) dst(%dma_wait3A_146 : memref<768x64xf32, #tpu.memory_space<hbm>>)
      tpu.yield
    }) : () -> ()
    return
  }
}

#map = affine_map<(d0, d1) -> (0, 0)>
#map1 = affine_map<(d0, d1) -> (0, 0, 0, 0)>
module attributes {stable_mosaic.version = 14 : i64} {
  func.func @body(%arg0: i32, %arg1: i32, %arg2: memref<24576x64xbf16, #tpu.memory_space<hbm>>, %arg3: memref<2x2560x2x128xi32, #tpu.memory_space<hbm>>, %arg4: memref<768x64xf32, #tpu.memory_space<hbm>>, %arg5: memref<24576x64xf32, #tpu.memory_space<hbm>>, %arg6: memref<2x128xi32, #tpu.memory_space<vmem>>, %arg7: memref<2x128xi32, #tpu.memory_space<vmem>>, %arg8: memref<2x128xi32, #tpu.memory_space<vmem>>, %arg9: memref<2x128xi32, #tpu.memory_space<vmem>>, %arg10: memref<2x128xi32, #tpu.memory_space<vmem>>, %arg11: memref<2x128xi32, #tpu.memory_space<vmem>>, %arg12: memref<128x64xbf16, #tpu.memory_space<vmem>>, %arg13: memref<128x64xbf16, #tpu.memory_space<vmem>>, %arg14: memref<128x64xbf16, #tpu.memory_space<vmem>>, %arg15: memref<128x64xbf16, #tpu.memory_space<vmem>>, %arg16: memref<128x64xbf16, #tpu.memory_space<vmem>>, %arg17: memref<128x64xbf16, #tpu.memory_space<vmem>>, %arg18: memref<128x64xf32, #tpu.memory_space<vmem>>, %arg19: memref<128x64xf32, #tpu.memory_space<vmem>>, %arg20: memref<128x64xf32, #tpu.memory_space<vmem>>, %arg21: memref<128x64xf32, #tpu.memory_space<vmem>>, %arg22: memref<128x64xf32, #tpu.memory_space<vmem>>, %arg23: memref<128x64xf32, #tpu.memory_space<vmem>>, %arg24: memref<12288x64xf32, #tpu.memory_space<vmem_shared>>, %arg25: memref<!tpu.dma_semaphore, #tpu.memory_space<semaphore_mem>>, %arg26: memref<!tpu.dma_semaphore, #tpu.memory_space<semaphore_mem>>, %arg27: memref<!tpu.dma_semaphore, #tpu.memory_space<semaphore_mem>>, %arg28: memref<!tpu.dma_semaphore, #tpu.memory_space<semaphore_mem>>, %arg29: memref<!tpu.dma_semaphore, #tpu.memory_space<semaphore_mem>>, %arg30: memref<!tpu.dma_semaphore, #tpu.memory_space<semaphore_mem>>, %arg31: memref<!tpu.dma_semaphore, #tpu.memory_space<semaphore_mem>>, %arg32: memref<!tpu.dma_semaphore, #tpu.memory_space<semaphore_mem>>, %arg33: memref<!tpu.dma_semaphore, #tpu.memory_space<semaphore_mem>>, %arg34: memref<!tpu.dma_semaphore, #tpu.memory_space<semaphore_mem>>, %arg35: memref<!tpu.dma_semaphore, #tpu.memory_space<semaphore_mem>>, %arg36: memref<!tpu.dma_semaphore, #tpu.memory_space<semaphore_mem>>, %arg37: memref<!tpu.dma_semaphore, #tpu.memory_space<semaphore_mem>>, %arg38: memref<!tpu.dma_semaphore, #tpu.memory_space<semaphore_mem>>, %arg39: memref<!tpu.dma_semaphore, #tpu.memory_space<semaphore_mem>>, %arg40: memref<!tpu.dma_semaphore, #tpu.memory_space<semaphore_mem>>, %arg41: memref<!tpu.dma_semaphore, #tpu.memory_space<semaphore_mem>>, %arg42: memref<!tpu.dma_semaphore, #tpu.memory_space<semaphore_mem>>) attributes {dimension_semantics = [#tpu.dimension_semantics<core_parallel>, #tpu.dimension_semantics<subcore_parallel>], iteration_bounds = array<i64: 2, 16>, scalar_prefetch = 0 : i64, scratch_operands = 37 : i64, tpu.core_type = #tpu.core_type<sc_vector_subcore>, window_params = [{transform_indices = #map}, {transform_indices = #map1}, {transform_indices = #map}, {transform_indices = #map}]} {
    %mul3A = arith.constant 160 : i32
    %mul3A_0 = arith.muli %arg1, %mul3A : i32
    %mul3A_1 = arith.constant 768 : i32
    %mul3A_2 = arith.muli %arg1, %mul3A_1 : i32
    "tpu.region"() ({
      %run_scoped3A = tpu.sem_alloc : memref<!tpu.dma_semaphore, #tpu.memory_space<semaphore_mem>>
      %dma_start3A_141 = arith.constant 0 : i32
      %dma_start3A_142 = tpu.memref_slice %arg24[%mul3A_2, %dma_start3A_141] : memref<12288x64xf32, #tpu.memory_space<vmem_shared>> -> memref<768x64xf32, #tpu.memory_space<vmem_shared>>
      %dma_start3A_143 = arith.constant 0 : i32
      %dma_start3A_144 = arith.constant 0 : i32
      %dma_start3A_145 = tpu.memref_slice %arg4[%dma_start3A_143, %dma_start3A_144] : memref<768x64xf32, #tpu.memory_space<hbm>> -> memref<768x64xf32, #tpu.memory_space<hbm>>
      tpu.enqueue_dma source(%dma_start3A_145 : memref<768x64xf32, #tpu.memory_space<hbm>>) target(%dma_start3A_142 : memref<768x64xf32, #tpu.memory_space<vmem_shared>>) target_semaphore(%run_scoped3A : memref<!tpu.dma_semaphore, #tpu.memory_space<semaphore_mem>>)
      %dma_wait3A_146 = arith.constant 0 : i32
      %dma_wait3A_147 = tpu.memref_slice %arg24[%mul3A_2, %dma_wait3A_146] : memref<12288x64xf32, #tpu.memory_space<vmem_shared>> -> memref<768x64xf32, #tpu.memory_space<vmem_shared>>
      %dma_wait3A_148 = arith.constant 0 : i32
      %dma_wait3A_149 = arith.constant 0 : i32
      %dma_wait3A_150 = tpu.memref_slice %arg4[%dma_wait3A_148, %dma_wait3A_149] : memref<768x64xf32, #tpu.memory_space<hbm>> -> memref<768x64xf32, #tpu.memory_space<hbm>>
      tpu.wait_dma2 semaphore(%run_scoped3A : memref<!tpu.dma_semaphore, #tpu.memory_space<semaphore_mem>>) src(%dma_wait3A_150 : memref<768x64xf32, #tpu.memory_space<hbm>>) dst(%dma_wait3A_147 : memref<768x64xf32, #tpu.memory_space<vmem_shared>>)
      tpu.yield
    }) : () -> ()
    %add3A = arith.constant 0 : i32
    %add3A_3 = arith.addi %mul3A_0, %add3A : i32
    %dma_start3A = arith.constant 0 : i32
    %dma_start3A_4 = arith.constant 0 : i32
    %dma_start3A_5 = tpu.memref_slice %arg3[%arg0, %add3A_3, %dma_start3A, %dma_start3A_4] : memref<2x2560x2x128xi32, #tpu.memory_space<hbm>> -> memref<1x1x2x128xi32, #tpu.memory_space<hbm>>
    %dma_start3A_6 = tpu.memref_squeeze %dma_start3A_5 : memref<1x1x2x128xi32, #tpu.memory_space<hbm>> -> memref<2x128xi32, #tpu.memory_space<hbm>>
    %dma_start3A_7 = arith.constant 0 : i32
    %dma_start3A_8 = arith.constant 0 : i32
    %dma_start3A_9 = tpu.memref_slice %arg3[%arg0, %add3A_3, %dma_start3A_7, %dma_start3A_8] : memref<2x2560x2x128xi32, #tpu.memory_space<hbm>> -> memref<1x1x2x128xi32, #tpu.memory_space<hbm>>
    %dma_start3A_10 = tpu.memref_squeeze %dma_start3A_9 : memref<1x1x2x128xi32, #tpu.memory_space<hbm>> -> memref<2x128xi32, #tpu.memory_space<hbm>>
    tpu.enqueue_dma source(%dma_start3A_10 : memref<2x128xi32, #tpu.memory_space<hbm>>) target(%arg6 : memref<2x128xi32, #tpu.memory_space<vmem>>) target_semaphore(%arg25 : memref<!tpu.dma_semaphore, #tpu.memory_space<semaphore_mem>>)
    %add3A_11 = arith.constant 1 : i32
    %add3A_12 = arith.addi %mul3A_0, %add3A_11 : i32
    %dma_start3A_13 = arith.constant 0 : i32
    %dma_start3A_14 = arith.constant 0 : i32
    %dma_start3A_15 = tpu.memref_slice %arg3[%arg0, %add3A_12, %dma_start3A_13, %dma_start3A_14] : memref<2x2560x2x128xi32, #tpu.memory_space<hbm>> -> memref<1x1x2x128xi32, #tpu.memory_space<hbm>>
    %dma_start3A_16 = tpu.memref_squeeze %dma_start3A_15 : memref<1x1x2x128xi32, #tpu.memory_space<hbm>> -> memref<2x128xi32, #tpu.memory_space<hbm>>
    %dma_start3A_17 = arith.constant 0 : i32
    %dma_start3A_18 = arith.constant 0 : i32
    %dma_start3A_19 = tpu.memref_slice %arg3[%arg0, %add3A_12, %dma_start3A_17, %dma_start3A_18] : memref<2x2560x2x128xi32, #tpu.memory_space<hbm>> -> memref<1x1x2x128xi32, #tpu.memory_space<hbm>>
    %dma_start3A_20 = tpu.memref_squeeze %dma_start3A_19 : memref<1x1x2x128xi32, #tpu.memory_space<hbm>> -> memref<2x128xi32, #tpu.memory_space<hbm>>
    tpu.enqueue_dma source(%dma_start3A_20 : memref<2x128xi32, #tpu.memory_space<hbm>>) target(%arg7 : memref<2x128xi32, #tpu.memory_space<vmem>>) target_semaphore(%arg26 : memref<!tpu.dma_semaphore, #tpu.memory_space<semaphore_mem>>)
    %add3A_21 = arith.constant 2 : i32
    %add3A_22 = arith.addi %mul3A_0, %add3A_21 : i32
    %dma_start3A_23 = arith.constant 0 : i32
    %dma_start3A_24 = arith.constant 0 : i32
    %dma_start3A_25 = tpu.memref_slice %arg3[%arg0, %add3A_22, %dma_start3A_23, %dma_start3A_24] : memref<2x2560x2x128xi32, #tpu.memory_space<hbm>> -> memref<1x1x2x128xi32, #tpu.memory_space<hbm>>
    %dma_start3A_26 = tpu.memref_squeeze %dma_start3A_25 : memref<1x1x2x128xi32, #tpu.memory_space<hbm>> -> memref<2x128xi32, #tpu.memory_space<hbm>>
    %dma_start3A_27 = arith.constant 0 : i32
    %dma_start3A_28 = arith.constant 0 : i32
    %dma_start3A_29 = tpu.memref_slice %arg3[%arg0, %add3A_22, %dma_start3A_27, %dma_start3A_28] : memref<2x2560x2x128xi32, #tpu.memory_space<hbm>> -> memref<1x1x2x128xi32, #tpu.memory_space<hbm>>
    %dma_start3A_30 = tpu.memref_squeeze %dma_start3A_29 : memref<1x1x2x128xi32, #tpu.memory_space<hbm>> -> memref<2x128xi32, #tpu.memory_space<hbm>>
    tpu.enqueue_dma source(%dma_start3A_30 : memref<2x128xi32, #tpu.memory_space<hbm>>) target(%arg8 : memref<2x128xi32, #tpu.memory_space<vmem>>) target_semaphore(%arg27 : memref<!tpu.dma_semaphore, #tpu.memory_space<semaphore_mem>>)
    %add3A_31 = arith.constant 3 : i32
    %add3A_32 = arith.addi %mul3A_0, %add3A_31 : i32
    %dma_start3A_33 = arith.constant 0 : i32
    %dma_start3A_34 = arith.constant 0 : i32
    %dma_start3A_35 = tpu.memref_slice %arg3[%arg0, %add3A_32, %dma_start3A_33, %dma_start3A_34] : memref<2x2560x2x128xi32, #tpu.memory_space<hbm>> -> memref<1x1x2x128xi32, #tpu.memory_space<hbm>>
    %dma_start3A_36 = tpu.memref_squeeze %dma_start3A_35 : memref<1x1x2x128xi32, #tpu.memory_space<hbm>> -> memref<2x128xi32, #tpu.memory_space<hbm>>
    %dma_start3A_37 = arith.constant 0 : i32
    %dma_start3A_38 = arith.constant 0 : i32
    %dma_start3A_39 = tpu.memref_slice %arg3[%arg0, %add3A_32, %dma_start3A_37, %dma_start3A_38] : memref<2x2560x2x128xi32, #tpu.memory_space<hbm>> -> memref<1x1x2x128xi32, #tpu.memory_space<hbm>>
    %dma_start3A_40 = tpu.memref_squeeze %dma_start3A_39 : memref<1x1x2x128xi32, #tpu.memory_space<hbm>> -> memref<2x128xi32, #tpu.memory_space<hbm>>
    tpu.enqueue_dma source(%dma_start3A_40 : memref<2x128xi32, #tpu.memory_space<hbm>>) target(%arg9 : memref<2x128xi32, #tpu.memory_space<vmem>>) target_semaphore(%arg28 : memref<!tpu.dma_semaphore, #tpu.memory_space<semaphore_mem>>)
    %dma_wait3A = arith.constant 0 : i32
    %dma_wait3A_41 = arith.constant 0 : i32
    %dma_wait3A_42 = arith.constant 0 : i32
    %dma_wait3A_43 = arith.constant 0 : i32
    %dma_wait3A_44 = tpu.memref_slice %arg3[%dma_wait3A, %dma_wait3A_41, %dma_wait3A_42, %dma_wait3A_43] : memref<2x2560x2x128xi32, #tpu.memory_space<hbm>> -> memref<1x1x2x128xi32, #tpu.memory_space<hbm>>
    %dma_wait3A_45 = tpu.memref_squeeze %dma_wait3A_44 : memref<1x1x2x128xi32, #tpu.memory_space<hbm>> -> memref<2x128xi32, #tpu.memory_space<hbm>>
    %dma_wait3A_46 = arith.constant 0 : i32
    %dma_wait3A_47 = arith.constant 0 : i32
    %dma_wait3A_48 = tpu.memref_slice %arg3[%dma_wait3A, %dma_wait3A_41, %dma_wait3A_46, %dma_wait3A_47] : memref<2x2560x2x128xi32, #tpu.memory_space<hbm>> -> memref<1x1x2x128xi32, #tpu.memory_space<hbm>>
    %dma_wait3A_49 = tpu.memref_squeeze %dma_wait3A_48 : memref<1x1x2x128xi32, #tpu.memory_space<hbm>> -> memref<2x128xi32, #tpu.memory_space<hbm>>
    tpu.wait_dma2 semaphore(%arg25 : memref<!tpu.dma_semaphore, #tpu.memory_space<semaphore_mem>>) src(%dma_wait3A_49 : memref<2x128xi32, #tpu.memory_space<hbm>>) dst(%arg6 : memref<2x128xi32, #tpu.memory_space<vmem>>)
    %dma_start3A_50 = arith.constant 0 : i32
    %dma_start3A_51 = arith.constant 0 : i32
    %dma_start3A_52 = tpu.memref_slice %arg6[%dma_start3A_50, %dma_start3A_51] : memref<2x128xi32, #tpu.memory_space<vmem>> -> memref<1x128xi32, #tpu.memory_space<vmem>>
    %dma_start3A_53 = tpu.memref_squeeze %dma_start3A_52 : memref<1x128xi32, #tpu.memory_space<vmem>> -> memref<128xi32, #tpu.memory_space<vmem>>
    %dma_start3A_54 = arith.constant 0 : i32
    %dma_start3A_55 = arith.constant 0 : i32
    %dma_start3A_56 = tpu.memref_slice %arg2[%dma_start3A_54, %dma_start3A_55] : memref<24576x64xbf16, #tpu.memory_space<hbm>> -> memref<24576x64xbf16, #tpu.memory_space<hbm>>
    tpu.enqueue_indirect_dma source(%dma_start3A_56 : memref<24576x64xbf16, #tpu.memory_space<hbm>>) target(%arg12 : memref<128x64xbf16, #tpu.memory_space<vmem>>) offsets(%dma_start3A_53 : memref<128xi32, #tpu.memory_space<vmem>>) semaphore(%arg31 : memref<!tpu.dma_semaphore, #tpu.memory_space<semaphore_mem>>)
    %dma_wait3A_57 = arith.constant 0 : i32
    %dma_wait3A_58 = arith.constant 0 : i32
    %dma_wait3A_59 = arith.constant 0 : i32
    %dma_wait3A_60 = arith.constant 0 : i32
    %dma_wait3A_61 = tpu.memref_slice %arg3[%dma_wait3A_57, %dma_wait3A_58, %dma_wait3A_59, %dma_wait3A_60] : memref<2x2560x2x128xi32, #tpu.memory_space<hbm>> -> memref<1x1x2x128xi32, #tpu.memory_space<hbm>>
    %dma_wait3A_62 = tpu.memref_squeeze %dma_wait3A_61 : memref<1x1x2x128xi32, #tpu.memory_space<hbm>> -> memref<2x128xi32, #tpu.memory_space<hbm>>
    %dma_wait3A_63 = arith.constant 0 : i32
    %dma_wait3A_64 = arith.constant 0 : i32
    %dma_wait3A_65 = tpu.memref_slice %arg3[%dma_wait3A_57, %dma_wait3A_58, %dma_wait3A_63, %dma_wait3A_64] : memref<2x2560x2x128xi32, #tpu.memory_space<hbm>> -> memref<1x1x2x128xi32, #tpu.memory_space<hbm>>
    %dma_wait3A_66 = tpu.memref_squeeze %dma_wait3A_65 : memref<1x1x2x128xi32, #tpu.memory_space<hbm>> -> memref<2x128xi32, #tpu.memory_space<hbm>>
    tpu.wait_dma2 semaphore(%arg26 : memref<!tpu.dma_semaphore, #tpu.memory_space<semaphore_mem>>) src(%dma_wait3A_66 : memref<2x128xi32, #tpu.memory_space<hbm>>) dst(%arg7 : memref<2x128xi32, #tpu.memory_space<vmem>>)
    %dma_start3A_67 = arith.constant 0 : i32
    %dma_start3A_68 = arith.constant 0 : i32
    %dma_start3A_69 = tpu.memref_slice %arg7[%dma_start3A_67, %dma_start3A_68] : memref<2x128xi32, #tpu.memory_space<vmem>> -> memref<1x128xi32, #tpu.memory_space<vmem>>
    %dma_start3A_70 = tpu.memref_squeeze %dma_start3A_69 : memref<1x128xi32, #tpu.memory_space<vmem>> -> memref<128xi32, #tpu.memory_space<vmem>>
    %dma_start3A_71 = arith.constant 0 : i32
    %dma_start3A_72 = arith.constant 0 : i32
    %dma_start3A_73 = tpu.memref_slice %arg2[%dma_start3A_71, %dma_start3A_72] : memref<24576x64xbf16, #tpu.memory_space<hbm>> -> memref<24576x64xbf16, #tpu.memory_space<hbm>>
    tpu.enqueue_indirect_dma source(%dma_start3A_73 : memref<24576x64xbf16, #tpu.memory_space<hbm>>) target(%arg13 : memref<128x64xbf16, #tpu.memory_space<vmem>>) offsets(%dma_start3A_70 : memref<128xi32, #tpu.memory_space<vmem>>) semaphore(%arg32 : memref<!tpu.dma_semaphore, #tpu.memory_space<semaphore_mem>>)
    %dma_wait3A_74 = arith.constant 0 : i32
    %dma_wait3A_75 = arith.constant 0 : i32
    %dma_wait3A_76 = arith.constant 0 : i32
    %dma_wait3A_77 = arith.constant 0 : i32
    %dma_wait3A_78 = tpu.memref_slice %arg3[%dma_wait3A_74, %dma_wait3A_75, %dma_wait3A_76, %dma_wait3A_77] : memref<2x2560x2x128xi32, #tpu.memory_space<hbm>> -> memref<1x1x2x128xi32, #tpu.memory_space<hbm>>
    %dma_wait3A_79 = tpu.memref_squeeze %dma_wait3A_78 : memref<1x1x2x128xi32, #tpu.memory_space<hbm>> -> memref<2x128xi32, #tpu.memory_space<hbm>>
    %dma_wait3A_80 = arith.constant 0 : i32
    %dma_wait3A_81 = arith.constant 0 : i32
    %dma_wait3A_82 = tpu.memref_slice %arg3[%dma_wait3A_74, %dma_wait3A_75, %dma_wait3A_80, %dma_wait3A_81] : memref<2x2560x2x128xi32, #tpu.memory_space<hbm>> -> memref<1x1x2x128xi32, #tpu.memory_space<hbm>>
    %dma_wait3A_83 = tpu.memref_squeeze %dma_wait3A_82 : memref<1x1x2x128xi32, #tpu.memory_space<hbm>> -> memref<2x128xi32, #tpu.memory_space<hbm>>
    tpu.wait_dma2 semaphore(%arg27 : memref<!tpu.dma_semaphore, #tpu.memory_space<semaphore_mem>>) src(%dma_wait3A_83 : memref<2x128xi32, #tpu.memory_space<hbm>>) dst(%arg8 : memref<2x128xi32, #tpu.memory_space<vmem>>)
    %dma_start3A_84 = arith.constant 0 : i32
    %dma_start3A_85 = arith.constant 0 : i32
    %dma_start3A_86 = tpu.memref_slice %arg8[%dma_start3A_84, %dma_start3A_85] : memref<2x128xi32, #tpu.memory_space<vmem>> -> memref<1x128xi32, #tpu.memory_space<vmem>>
    %dma_start3A_87 = tpu.memref_squeeze %dma_start3A_86 : memref<1x128xi32, #tpu.memory_space<vmem>> -> memref<128xi32, #tpu.memory_space<vmem>>
    %dma_start3A_88 = arith.constant 0 : i32
    %dma_start3A_89 = arith.constant 0 : i32
    %dma_start3A_90 = tpu.memref_slice %arg2[%dma_start3A_88, %dma_start3A_89] : memref<24576x64xbf16, #tpu.memory_space<hbm>> -> memref<24576x64xbf16, #tpu.memory_space<hbm>>
    tpu.enqueue_indirect_dma source(%dma_start3A_90 : memref<24576x64xbf16, #tpu.memory_space<hbm>>) target(%arg14 : memref<128x64xbf16, #tpu.memory_space<vmem>>) offsets(%dma_start3A_87 : memref<128xi32, #tpu.memory_space<vmem>>) semaphore(%arg33 : memref<!tpu.dma_semaphore, #tpu.memory_space<semaphore_mem>>)
    %barrier3A = arith.constant 0 : index
    tpu.barrier barrier_id(%barrier3A)
    %scan3A = arith.constant 0 : i32
    %scan3A_91 = arith.constant 27 : i32
    %scan3A_92 = arith.addi %scan3A, %scan3A_91 : i32
    %scan3A_93 = arith.constant 1 : i32
    scf.for %scan3A_141 = %scan3A to %scan3A_92 step %scan3A_93  : i32 {
      %mul3A_142 = arith.constant 6 : i32
      %mul3A_143 = arith.muli %scan3A_141, %mul3A_142 : i32
      %add3A_144 = arith.constant 0 : i32
      %add3A_145 = arith.addi %add3A_144, %mul3A_143 : i32
      %add3A_146 = arith.constant 0 : i32
      %add3A_147 = arith.addi %add3A_145, %add3A_146 : i32
      %add3A_148 = arith.constant 4 : i32
      %add3A_149 = arith.addi %add3A_147, %add3A_148 : i32
      %lt3A = arith.constant 160 : i32
      %lt3A_150 = arith.cmpi slt, %add3A_149, %lt3A : i32
      %convert_element_type3A = arith.extui %lt3A_150 : i1 to i32
      %cond3A = arith.constant 0 : i32
      %cond3A_151 = arith.cmpi ne, %convert_element_type3A, %cond3A : i32
      scf.if %cond3A_151 {
        %add3A_269 = arith.constant 4 : i32
        %add3A_270 = arith.addi %add3A_147, %add3A_269 : i32
        %sub3A = arith.constant 6 : i32
        %sub3A_271 = arith.subi %add3A_270, %sub3A : i32
        %ge3A = arith.constant 0 : i32
        %ge3A_272 = arith.cmpi sge, %sub3A_271, %ge3A : i32
        %convert_element_type3A_273 = arith.extui %ge3A_272 : i1 to i32
        %cond3A_274 = arith.constant 0 : i32
        %cond3A_275 = arith.cmpi ne, %convert_element_type3A_273, %cond3A_274 : i32
        scf.if %cond3A_275 {
          %dma_wait3A_287 = arith.constant 1 : i32
          %dma_wait3A_288 = arith.constant 0 : i32
          %dma_wait3A_289 = tpu.memref_slice %arg10[%dma_wait3A_287, %dma_wait3A_288] : memref<2x128xi32, #tpu.memory_space<vmem>> -> memref<1x128xi32, #tpu.memory_space<vmem>>
          %dma_wait3A_290 = tpu.memref_squeeze %dma_wait3A_289 : memref<1x128xi32, #tpu.memory_space<vmem>> -> memref<128xi32, #tpu.memory_space<vmem>>
          %dma_wait3A_291 = arith.constant 0 : i32
          %dma_wait3A_292 = arith.constant 0 : i32
          %dma_wait3A_293 = tpu.memref_slice %arg24[%dma_wait3A_291, %dma_wait3A_292] : memref<12288x64xf32, #tpu.memory_space<vmem_shared>> -> memref<12288x64xf32, #tpu.memory_space<vmem_shared>>
          tpu.wait_indirect_dma semaphore(%arg41 : memref<!tpu.dma_semaphore, #tpu.memory_space<semaphore_mem>>) src(%arg22 : memref<128x64xf32, #tpu.memory_space<vmem>>) dst(%dma_wait3A_293 : memref<12288x64xf32, #tpu.memory_space<vmem_shared>>)
        } else {
        }
        %add3A_276 = arith.constant 4 : i32
        %add3A_277 = arith.addi %add3A_147, %add3A_276 : i32
        %add3A_278 = arith.addi %mul3A_0, %add3A_277 : i32
        %dma_start3A_279 = arith.constant 0 : i32
        %dma_start3A_280 = arith.constant 0 : i32
        %dma_start3A_281 = tpu.memref_slice %arg3[%arg0, %add3A_278, %dma_start3A_279, %dma_start3A_280] : memref<2x2560x2x128xi32, #tpu.memory_space<hbm>> -> memref<1x1x2x128xi32, #tpu.memory_space<hbm>>
        %dma_start3A_282 = tpu.memref_squeeze %dma_start3A_281 : memref<1x1x2x128xi32, #tpu.memory_space<hbm>> -> memref<2x128xi32, #tpu.memory_space<hbm>>
        %dma_start3A_283 = arith.constant 0 : i32
        %dma_start3A_284 = arith.constant 0 : i32
        %dma_start3A_285 = tpu.memref_slice %arg3[%arg0, %add3A_278, %dma_start3A_283, %dma_start3A_284] : memref<2x2560x2x128xi32, #tpu.memory_space<hbm>> -> memref<1x1x2x128xi32, #tpu.memory_space<hbm>>
        %dma_start3A_286 = tpu.memref_squeeze %dma_start3A_285 : memref<1x1x2x128xi32, #tpu.memory_space<hbm>> -> memref<2x128xi32, #tpu.memory_space<hbm>>
        tpu.enqueue_dma source(%dma_start3A_286 : memref<2x128xi32, #tpu.memory_space<hbm>>) target(%arg10 : memref<2x128xi32, #tpu.memory_space<vmem>>) target_semaphore(%arg29 : memref<!tpu.dma_semaphore, #tpu.memory_space<semaphore_mem>>)
      } else {
      }
      %add3A_152 = arith.constant 3 : i32
      %add3A_153 = arith.addi %add3A_147, %add3A_152 : i32
      %lt3A_154 = arith.constant 160 : i32
      %lt3A_155 = arith.cmpi slt, %add3A_153, %lt3A_154 : i32
      %convert_element_type3A_156 = arith.extui %lt3A_155 : i1 to i32
      %cond3A_157 = arith.constant 0 : i32
      %cond3A_158 = arith.cmpi ne, %convert_element_type3A_156, %cond3A_157 : i32
      scf.if %cond3A_158 {
        %dma_wait3A_269 = arith.constant 0 : i32
        %dma_wait3A_270 = arith.constant 0 : i32
        %dma_wait3A_271 = arith.constant 0 : i32
        %dma_wait3A_272 = arith.constant 0 : i32
        %dma_wait3A_273 = tpu.memref_slice %arg3[%dma_wait3A_269, %dma_wait3A_270, %dma_wait3A_271, %dma_wait3A_272] : memref<2x2560x2x128xi32, #tpu.memory_space<hbm>> -> memref<1x1x2x128xi32, #tpu.memory_space<hbm>>
        %dma_wait3A_274 = tpu.memref_squeeze %dma_wait3A_273 : memref<1x1x2x128xi32, #tpu.memory_space<hbm>> -> memref<2x128xi32, #tpu.memory_space<hbm>>
        %dma_wait3A_275 = arith.constant 0 : i32
        %dma_wait3A_276 = arith.constant 0 : i32
        %dma_wait3A_277 = tpu.memref_slice %arg3[%dma_wait3A_269, %dma_wait3A_270, %dma_wait3A_275, %dma_wait3A_276] : memref<2x2560x2x128xi32, #tpu.memory_space<hbm>> -> memref<1x1x2x128xi32, #tpu.memory_space<hbm>>
        %dma_wait3A_278 = tpu.memref_squeeze %dma_wait3A_277 : memref<1x1x2x128xi32, #tpu.memory_space<hbm>> -> memref<2x128xi32, #tpu.memory_space<hbm>>
        tpu.wait_dma2 semaphore(%arg28 : memref<!tpu.dma_semaphore, #tpu.memory_space<semaphore_mem>>) src(%dma_wait3A_278 : memref<2x128xi32, #tpu.memory_space<hbm>>) dst(%arg9 : memref<2x128xi32, #tpu.memory_space<vmem>>)
        %add3A_279 = arith.constant 3 : i32
        %add3A_280 = arith.addi %add3A_147, %add3A_279 : i32
        %dma_start3A_281 = arith.constant 0 : i32
        %dma_start3A_282 = arith.constant 0 : i32
        %dma_start3A_283 = tpu.memref_slice %arg9[%dma_start3A_281, %dma_start3A_282] : memref<2x128xi32, #tpu.memory_space<vmem>> -> memref<1x128xi32, #tpu.memory_space<vmem>>
        %dma_start3A_284 = tpu.memref_squeeze %dma_start3A_283 : memref<1x128xi32, #tpu.memory_space<vmem>> -> memref<128xi32, #tpu.memory_space<vmem>>
        %dma_start3A_285 = arith.constant 0 : i32
        %dma_start3A_286 = arith.constant 0 : i32
        %dma_start3A_287 = tpu.memref_slice %arg2[%dma_start3A_285, %dma_start3A_286] : memref<24576x64xbf16, #tpu.memory_space<hbm>> -> memref<24576x64xbf16, #tpu.memory_space<hbm>>
        tpu.enqueue_indirect_dma source(%dma_start3A_287 : memref<24576x64xbf16, #tpu.memory_space<hbm>>) target(%arg15 : memref<128x64xbf16, #tpu.memory_space<vmem>>) offsets(%dma_start3A_284 : memref<128xi32, #tpu.memory_space<vmem>>) semaphore(%arg34 : memref<!tpu.dma_semaphore, #tpu.memory_space<semaphore_mem>>)
      } else {
      }
      %lt3A_159 = arith.constant 160 : i32
      %lt3A_160 = arith.cmpi slt, %add3A_147, %lt3A_159 : i32
      %convert_element_type3A_161 = arith.extui %lt3A_160 : i1 to i32
      %cond3A_162 = arith.constant 0 : i32
      %cond3A_163 = arith.cmpi ne, %convert_element_type3A_161, %cond3A_162 : i32
      scf.if %cond3A_163 {
        %dma_wait3A_269 = arith.constant 0 : i32
        %dma_wait3A_270 = arith.constant 0 : i32
        %dma_wait3A_271 = tpu.memref_slice %arg6[%dma_wait3A_269, %dma_wait3A_270] : memref<2x128xi32, #tpu.memory_space<vmem>> -> memref<1x128xi32, #tpu.memory_space<vmem>>
        %dma_wait3A_272 = tpu.memref_squeeze %dma_wait3A_271 : memref<1x128xi32, #tpu.memory_space<vmem>> -> memref<128xi32, #tpu.memory_space<vmem>>
        %dma_wait3A_273 = arith.constant 0 : i32
        %dma_wait3A_274 = arith.constant 0 : i32
        %dma_wait3A_275 = tpu.memref_slice %arg2[%dma_wait3A_273, %dma_wait3A_274] : memref<24576x64xbf16, #tpu.memory_space<hbm>> -> memref<24576x64xbf16, #tpu.memory_space<hbm>>
        tpu.wait_indirect_dma semaphore(%arg31 : memref<!tpu.dma_semaphore, #tpu.memory_space<semaphore_mem>>) src(%dma_wait3A_275 : memref<24576x64xbf16, #tpu.memory_space<hbm>>) dst(%arg12 : memref<128x64xbf16, #tpu.memory_space<vmem>>)
        %scan3A_276 = arith.constant 0 : i32
        %scan3A_277 = arith.constant 128 : i32
        %scan3A_278 = arith.addi %scan3A_276, %scan3A_277 : i32
        %scan3A_279 = arith.constant 1 : i32
        scf.for %scan3A_288 = %scan3A_276 to %scan3A_278 step %scan3A_279  : i32 {
          %mul3A_289 = arith.constant 1 : i32
          %mul3A_290 = arith.muli %scan3A_288, %mul3A_289 : i32
          %add3A_291 = arith.constant 0 : i32
          %add3A_292 = arith.addi %add3A_291, %mul3A_290 : i32
          %get3A = arith.index_cast %add3A_292 : i32 to index
          %get3A_293 = arith.constant 0 : index
          %get3A_294 = tpu.vector_load %arg12[%get3A, %get3A_293] {strides = array<i32>} : memref<128x64xbf16, #tpu.memory_space<vmem>>, vector<32xbf16>,
          %bitcast3A = vector.bitcast %get3A_294 : vector<32xbf16> to vector<16xi32>
          %shift_left3A = arith.constant 16 : i32
          %shift_left3A_295 = vector.broadcast %shift_left3A : i32 to vector<16xi32>
          %shift_left3A_296 = arith.shli %bitcast3A, %shift_left3A_295 : vector<16xi32>
          %bitcast3A_297 = vector.bitcast %shift_left3A_296 : vector<16xi32> to vector<16xf32>
          %and3A = arith.constant -65536 : i32
          %and3A_298 = vector.broadcast %and3A : i32 to vector<16xi32>
          %and3A_299 = arith.andi %bitcast3A, %and3A_298 : vector<16xi32>
          %bitcast3A_300 = vector.bitcast %and3A_299 : vector<16xi32> to vector<16xf32>
          %swap3A = arith.index_cast %add3A_292 : i32 to index
          %swap3A_301 = arith.constant 0 : index
          %swap3A_302 = tpu.vector_load %arg18[%swap3A, %swap3A_301] {strides = array<i32>} : memref<128x64xf32, #tpu.memory_space<vmem>>, vector<16xf32>,
          tpu.vector_store %arg18[%swap3A, %swap3A_301], %bitcast3A_297 {strides = array<i32>} : memref<128x64xf32, #tpu.memory_space<vmem>>, vector<16xf32>,
          %swap3A_303 = arith.index_cast %add3A_292 : i32 to index
          %swap3A_304 = arith.constant 16 : index
          %swap3A_305 = tpu.vector_load %arg18[%swap3A_303, %swap3A_304] {strides = array<i32>} : memref<128x64xf32, #tpu.memory_space<vmem>>, vector<16xf32>,
          tpu.vector_store %arg18[%swap3A_303, %swap3A_304], %bitcast3A_300 {strides = array<i32>} : memref<128x64xf32, #tpu.memory_space<vmem>>, vector<16xf32>,
          %get3A_306 = arith.index_cast %add3A_292 : i32 to index
          %get3A_307 = arith.constant 32 : index
          %get3A_308 = tpu.vector_load %arg12[%get3A_306, %get3A_307] {strides = array<i32>} : memref<128x64xbf16, #tpu.memory_space<vmem>>, vector<32xbf16>,
          %bitcast3A_309 = vector.bitcast %get3A_308 : vector<32xbf16> to vector<16xi32>
          %shift_left3A_310 = arith.constant 16 : i32
          %shift_left3A_311 = vector.broadcast %shift_left3A_310 : i32 to vector<16xi32>
          %shift_left3A_312 = arith.shli %bitcast3A_309, %shift_left3A_311 : vector<16xi32>
          %bitcast3A_313 = vector.bitcast %shift_left3A_312 : vector<16xi32> to vector<16xf32>
          %and3A_314 = arith.constant -65536 : i32
          %and3A_315 = vector.broadcast %and3A_314 : i32 to vector<16xi32>
          %and3A_316 = arith.andi %bitcast3A_309, %and3A_315 : vector<16xi32>
          %bitcast3A_317 = vector.bitcast %and3A_316 : vector<16xi32> to vector<16xf32>
          %swap3A_318 = arith.index_cast %add3A_292 : i32 to index
          %swap3A_319 = arith.constant 32 : index
          %swap3A_320 = tpu.vector_load %arg18[%swap3A_318, %swap3A_319] {strides = array<i32>} : memref<128x64xf32, #tpu.memory_space<vmem>>, vector<16xf32>,
          tpu.vector_store %arg18[%swap3A_318, %swap3A_319], %bitcast3A_313 {strides = array<i32>} : memref<128x64xf32, #tpu.memory_space<vmem>>, vector<16xf32>,
          %swap3A_321 = arith.index_cast %add3A_292 : i32 to index
          %swap3A_322 = arith.constant 48 : index
          %swap3A_323 = tpu.vector_load %arg18[%swap3A_321, %swap3A_322] {strides = array<i32>} : memref<128x64xf32, #tpu.memory_space<vmem>>, vector<16xf32>,
          tpu.vector_store %arg18[%swap3A_321, %swap3A_322], %bitcast3A_317 {strides = array<i32>} : memref<128x64xf32, #tpu.memory_space<vmem>>, vector<16xf32>,
        }
        %scan3A_280 = arith.constant 128 : i32
        %dma_start3A_281 = arith.constant 1 : i32
        %dma_start3A_282 = arith.constant 0 : i32
        %dma_start3A_283 = tpu.memref_slice %arg6[%dma_start3A_281, %dma_start3A_282] : memref<2x128xi32, #tpu.memory_space<vmem>> -> memref<1x128xi32, #tpu.memory_space<vmem>>
        %dma_start3A_284 = tpu.memref_squeeze %dma_start3A_283 : memref<1x128xi32, #tpu.memory_space<vmem>> -> memref<128xi32, #tpu.memory_space<vmem>>
        %dma_start3A_285 = arith.constant 0 : i32
        %dma_start3A_286 = arith.constant 0 : i32
        %dma_start3A_287 = tpu.memref_slice %arg24[%dma_start3A_285, %dma_start3A_286] : memref<12288x64xf32, #tpu.memory_space<vmem_shared>> -> memref<12288x64xf32, #tpu.memory_space<vmem_shared>>
        tpu.enqueue_indirect_dma source(%arg18 : memref<128x64xf32, #tpu.memory_space<vmem>>) target(%dma_start3A_287 : memref<12288x64xf32, #tpu.memory_space<vmem_shared>>) offsets(%dma_start3A_284 : memref<128xi32, #tpu.memory_space<vmem>>) semaphore(%arg37 : memref<!tpu.dma_semaphore, #tpu.memory_space<semaphore_mem>>) {add = true}
      } else {
      }
      %add3A_164 = arith.constant 1 : i32
      %add3A_165 = arith.addi %add3A_145, %add3A_164 : i32
      %add3A_166 = arith.constant 4 : i32
      %add3A_167 = arith.addi %add3A_165, %add3A_166 : i32
      %lt3A_168 = arith.constant 160 : i32
      %lt3A_169 = arith.cmpi slt, %add3A_167, %lt3A_168 : i32
      %convert_element_type3A_170 = arith.extui %lt3A_169 : i1 to i32
      %cond3A_171 = arith.constant 0 : i32
      %cond3A_172 = arith.cmpi ne, %convert_element_type3A_170, %cond3A_171 : i32
      scf.if %cond3A_172 {
        %add3A_269 = arith.constant 4 : i32
        %add3A_270 = arith.addi %add3A_165, %add3A_269 : i32
        %sub3A = arith.constant 6 : i32
        %sub3A_271 = arith.subi %add3A_270, %sub3A : i32
        %ge3A = arith.constant 0 : i32
        %ge3A_272 = arith.cmpi sge, %sub3A_271, %ge3A : i32
        %convert_element_type3A_273 = arith.extui %ge3A_272 : i1 to i32
        %cond3A_274 = arith.constant 0 : i32
        %cond3A_275 = arith.cmpi ne, %convert_element_type3A_273, %cond3A_274 : i32
        scf.if %cond3A_275 {
          %dma_wait3A_287 = arith.constant 1 : i32
          %dma_wait3A_288 = arith.constant 0 : i32
          %dma_wait3A_289 = tpu.memref_slice %arg11[%dma_wait3A_287, %dma_wait3A_288] : memref<2x128xi32, #tpu.memory_space<vmem>> -> memref<1x128xi32, #tpu.memory_space<vmem>>
          %dma_wait3A_290 = tpu.memref_squeeze %dma_wait3A_289 : memref<1x128xi32, #tpu.memory_space<vmem>> -> memref<128xi32, #tpu.memory_space<vmem>>
          %dma_wait3A_291 = arith.constant 0 : i32
          %dma_wait3A_292 = arith.constant 0 : i32
          %dma_wait3A_293 = tpu.memref_slice %arg24[%dma_wait3A_291, %dma_wait3A_292] : memref<12288x64xf32, #tpu.memory_space<vmem_shared>> -> memref<12288x64xf32, #tpu.memory_space<vmem_shared>>
          tpu.wait_indirect_dma semaphore(%arg42 : memref<!tpu.dma_semaphore, #tpu.memory_space<semaphore_mem>>) src(%arg23 : memref<128x64xf32, #tpu.memory_space<vmem>>) dst(%dma_wait3A_293 : memref<12288x64xf32, #tpu.memory_space<vmem_shared>>)
        } else {
        }
        %add3A_276 = arith.constant 4 : i32
        %add3A_277 = arith.addi %add3A_165, %add3A_276 : i32
        %add3A_278 = arith.addi %mul3A_0, %add3A_277 : i32
        %dma_start3A_279 = arith.constant 0 : i32
        %dma_start3A_280 = arith.constant 0 : i32
        %dma_start3A_281 = tpu.memref_slice %arg3[%arg0, %add3A_278, %dma_start3A_279, %dma_start3A_280] : memref<2x2560x2x128xi32, #tpu.memory_space<hbm>> -> memref<1x1x2x128xi32, #tpu.memory_space<hbm>>
        %dma_start3A_282 = tpu.memref_squeeze %dma_start3A_281 : memref<1x1x2x128xi32, #tpu.memory_space<hbm>> -> memref<2x128xi32, #tpu.memory_space<hbm>>
        %dma_start3A_283 = arith.constant 0 : i32
        %dma_start3A_284 = arith.constant 0 : i32
        %dma_start3A_285 = tpu.memref_slice %arg3[%arg0, %add3A_278, %dma_start3A_283, %dma_start3A_284] : memref<2x2560x2x128xi32, #tpu.memory_space<hbm>> -> memref<1x1x2x128xi32, #tpu.memory_space<hbm>>
        %dma_start3A_286 = tpu.memref_squeeze %dma_start3A_285 : memref<1x1x2x128xi32, #tpu.memory_space<hbm>> -> memref<2x128xi32, #tpu.memory_space<hbm>>
        tpu.enqueue_dma source(%dma_start3A_286 : memref<2x128xi32, #tpu.memory_space<hbm>>) target(%arg11 : memref<2x128xi32, #tpu.memory_space<vmem>>) target_semaphore(%arg30 : memref<!tpu.dma_semaphore, #tpu.memory_space<semaphore_mem>>)
      } else {
      }
      %add3A_173 = arith.constant 3 : i32
      %add3A_174 = arith.addi %add3A_165, %add3A_173 : i32
      %lt3A_175 = arith.constant 160 : i32
      %lt3A_176 = arith.cmpi slt, %add3A_174, %lt3A_175 : i32
      %convert_element_type3A_177 = arith.extui %lt3A_176 : i1 to i32
      %cond3A_178 = arith.constant 0 : i32
      %cond3A_179 = arith.cmpi ne, %convert_element_type3A_177, %cond3A_178 : i32
      scf.if %cond3A_179 {
        %dma_wait3A_269 = arith.constant 0 : i32
        %dma_wait3A_270 = arith.constant 0 : i32
        %dma_wait3A_271 = arith.constant 0 : i32
        %dma_wait3A_272 = arith.constant 0 : i32
        %dma_wait3A_273 = tpu.memref_slice %arg3[%dma_wait3A_269, %dma_wait3A_270, %dma_wait3A_271, %dma_wait3A_272] : memref<2x2560x2x128xi32, #tpu.memory_space<hbm>> -> memref<1x1x2x128xi32, #tpu.memory_space<hbm>>
        %dma_wait3A_274 = tpu.memref_squeeze %dma_wait3A_273 : memref<1x1x2x128xi32, #tpu.memory_space<hbm>> -> memref<2x128xi32, #tpu.memory_space<hbm>>
        %dma_wait3A_275 = arith.constant 0 : i32
        %dma_wait3A_276 = arith.constant 0 : i32
        %dma_wait3A_277 = tpu.memref_slice %arg3[%dma_wait3A_269, %dma_wait3A_270, %dma_wait3A_275, %dma_wait3A_276] : memref<2x2560x2x128xi32, #tpu.memory_space<hbm>> -> memref<1x1x2x128xi32, #tpu.memory_space<hbm>>
        %dma_wait3A_278 = tpu.memref_squeeze %dma_wait3A_277 : memref<1x1x2x128xi32, #tpu.memory_space<hbm>> -> memref<2x128xi32, #tpu.memory_space<hbm>>
        tpu.wait_dma2 semaphore(%arg29 : memref<!tpu.dma_semaphore, #tpu.memory_space<semaphore_mem>>) src(%dma_wait3A_278 : memref<2x128xi32, #tpu.memory_space<hbm>>) dst(%arg10 : memref<2x128xi32, #tpu.memory_space<vmem>>)
        %add3A_279 = arith.constant 3 : i32
        %add3A_280 = arith.addi %add3A_165, %add3A_279 : i32
        %dma_start3A_281 = arith.constant 0 : i32
        %dma_start3A_282 = arith.constant 0 : i32
        %dma_start3A_283 = tpu.memref_slice %arg10[%dma_start3A_281, %dma_start3A_282] : memref<2x128xi32, #tpu.memory_space<vmem>> -> memref<1x128xi32, #tpu.memory_space<vmem>>
        %dma_start3A_284 = tpu.memref_squeeze %dma_start3A_283 : memref<1x128xi32, #tpu.memory_space<vmem>> -> memref<128xi32, #tpu.memory_space<vmem>>
        %dma_start3A_285 = arith.constant 0 : i32
        %dma_start3A_286 = arith.constant 0 : i32
        %dma_start3A_287 = tpu.memref_slice %arg2[%dma_start3A_285, %dma_start3A_286] : memref<24576x64xbf16, #tpu.memory_space<hbm>> -> memref<24576x64xbf16, #tpu.memory_space<hbm>>
        tpu.enqueue_indirect_dma source(%dma_start3A_287 : memref<24576x64xbf16, #tpu.memory_space<hbm>>) target(%arg16 : memref<128x64xbf16, #tpu.memory_space<vmem>>) offsets(%dma_start3A_284 : memref<128xi32, #tpu.memory_space<vmem>>) semaphore(%arg35 : memref<!tpu.dma_semaphore, #tpu.memory_space<semaphore_mem>>)
      } else {
      }
      %lt3A_180 = arith.constant 160 : i32
      %lt3A_181 = arith.cmpi slt, %add3A_165, %lt3A_180 : i32
      %convert_element_type3A_182 = arith.extui %lt3A_181 : i1 to i32
      %cond3A_183 = arith.constant 0 : i32
      %cond3A_184 = arith.cmpi ne, %convert_element_type3A_182, %cond3A_183 : i32
      scf.if %cond3A_184 {
        %dma_wait3A_269 = arith.constant 0 : i32
        %dma_wait3A_270 = arith.constant 0 : i32
        %dma_wait3A_271 = tpu.memref_slice %arg7[%dma_wait3A_269, %dma_wait3A_270] : memref<2x128xi32, #tpu.memory_space<vmem>> -> memref<1x128xi32, #tpu.memory_space<vmem>>
        %dma_wait3A_272 = tpu.memref_squeeze %dma_wait3A_271 : memref<1x128xi32, #tpu.memory_space<vmem>> -> memref<128xi32, #tpu.memory_space<vmem>>
        %dma_wait3A_273 = arith.constant 0 : i32
        %dma_wait3A_274 = arith.constant 0 : i32
        %dma_wait3A_275 = tpu.memref_slice %arg2[%dma_wait3A_273, %dma_wait3A_274] : memref<24576x64xbf16, #tpu.memory_space<hbm>> -> memref<24576x64xbf16, #tpu.memory_space<hbm>>
        tpu.wait_indirect_dma semaphore(%arg32 : memref<!tpu.dma_semaphore, #tpu.memory_space<semaphore_mem>>) src(%dma_wait3A_275 : memref<24576x64xbf16, #tpu.memory_space<hbm>>) dst(%arg13 : memref<128x64xbf16, #tpu.memory_space<vmem>>)
        %scan3A_276 = arith.constant 0 : i32
        %scan3A_277 = arith.constant 128 : i32
        %scan3A_278 = arith.addi %scan3A_276, %scan3A_277 : i32
        %scan3A_279 = arith.constant 1 : i32
        scf.for %scan3A_288 = %scan3A_276 to %scan3A_278 step %scan3A_279  : i32 {
          %mul3A_289 = arith.constant 1 : i32
          %mul3A_290 = arith.muli %scan3A_288, %mul3A_289 : i32
          %add3A_291 = arith.constant 0 : i32
          %add3A_292 = arith.addi %add3A_291, %mul3A_290 : i32
          %get3A = arith.index_cast %add3A_292 : i32 to index
          %get3A_293 = arith.constant 0 : index
          %get3A_294 = tpu.vector_load %arg13[%get3A, %get3A_293] {strides = array<i32>} : memref<128x64xbf16, #tpu.memory_space<vmem>>, vector<32xbf16>,
          %bitcast3A = vector.bitcast %get3A_294 : vector<32xbf16> to vector<16xi32>
          %shift_left3A = arith.constant 16 : i32
          %shift_left3A_295 = vector.broadcast %shift_left3A : i32 to vector<16xi32>
          %shift_left3A_296 = arith.shli %bitcast3A, %shift_left3A_295 : vector<16xi32>
          %bitcast3A_297 = vector.bitcast %shift_left3A_296 : vector<16xi32> to vector<16xf32>
          %and3A = arith.constant -65536 : i32
          %and3A_298 = vector.broadcast %and3A : i32 to vector<16xi32>
          %and3A_299 = arith.andi %bitcast3A, %and3A_298 : vector<16xi32>
          %bitcast3A_300 = vector.bitcast %and3A_299 : vector<16xi32> to vector<16xf32>
          %swap3A = arith.index_cast %add3A_292 : i32 to index
          %swap3A_301 = arith.constant 0 : index
          %swap3A_302 = tpu.vector_load %arg19[%swap3A, %swap3A_301] {strides = array<i32>} : memref<128x64xf32, #tpu.memory_space<vmem>>, vector<16xf32>,
          tpu.vector_store %arg19[%swap3A, %swap3A_301], %bitcast3A_297 {strides = array<i32>} : memref<128x64xf32, #tpu.memory_space<vmem>>, vector<16xf32>,
          %swap3A_303 = arith.index_cast %add3A_292 : i32 to index
          %swap3A_304 = arith.constant 16 : index
          %swap3A_305 = tpu.vector_load %arg19[%swap3A_303, %swap3A_304] {strides = array<i32>} : memref<128x64xf32, #tpu.memory_space<vmem>>, vector<16xf32>,
          tpu.vector_store %arg19[%swap3A_303, %swap3A_304], %bitcast3A_300 {strides = array<i32>} : memref<128x64xf32, #tpu.memory_space<vmem>>, vector<16xf32>,
          %get3A_306 = arith.index_cast %add3A_292 : i32 to index
          %get3A_307 = arith.constant 32 : index
          %get3A_308 = tpu.vector_load %arg13[%get3A_306, %get3A_307] {strides = array<i32>} : memref<128x64xbf16, #tpu.memory_space<vmem>>, vector<32xbf16>,
          %bitcast3A_309 = vector.bitcast %get3A_308 : vector<32xbf16> to vector<16xi32>
          %shift_left3A_310 = arith.constant 16 : i32
          %shift_left3A_311 = vector.broadcast %shift_left3A_310 : i32 to vector<16xi32>
          %shift_left3A_312 = arith.shli %bitcast3A_309, %shift_left3A_311 : vector<16xi32>
          %bitcast3A_313 = vector.bitcast %shift_left3A_312 : vector<16xi32> to vector<16xf32>
          %and3A_314 = arith.constant -65536 : i32
          %and3A_315 = vector.broadcast %and3A_314 : i32 to vector<16xi32>
          %and3A_316 = arith.andi %bitcast3A_309, %and3A_315 : vector<16xi32>
          %bitcast3A_317 = vector.bitcast %and3A_316 : vector<16xi32> to vector<16xf32>
          %swap3A_318 = arith.index_cast %add3A_292 : i32 to index
          %swap3A_319 = arith.constant 32 : index
          %swap3A_320 = tpu.vector_load %arg19[%swap3A_318, %swap3A_319] {strides = array<i32>} : memref<128x64xf32, #tpu.memory_space<vmem>>, vector<16xf32>,
          tpu.vector_store %arg19[%swap3A_318, %swap3A_319], %bitcast3A_313 {strides = array<i32>} : memref<128x64xf32, #tpu.memory_space<vmem>>, vector<16xf32>,
          %swap3A_321 = arith.index_cast %add3A_292 : i32 to index
          %swap3A_322 = arith.constant 48 : index
          %swap3A_323 = tpu.vector_load %arg19[%swap3A_321, %swap3A_322] {strides = array<i32>} : memref<128x64xf32, #tpu.memory_space<vmem>>, vector<16xf32>,
          tpu.vector_store %arg19[%swap3A_321, %swap3A_322], %bitcast3A_317 {strides = array<i32>} : memref<128x64xf32, #tpu.memory_space<vmem>>, vector<16xf32>,
        }
        %scan3A_280 = arith.constant 128 : i32
        %dma_start3A_281 = arith.constant 1 : i32
        %dma_start3A_282 = arith.constant 0 : i32
        %dma_start3A_283 = tpu.memref_slice %arg7[%dma_start3A_281, %dma_start3A_282] : memref<2x128xi32, #tpu.memory_space<vmem>> -> memref<1x128xi32, #tpu.memory_space<vmem>>
        %dma_start3A_284 = tpu.memref_squeeze %dma_start3A_283 : memref<1x128xi32, #tpu.memory_space<vmem>> -> memref<128xi32, #tpu.memory_space<vmem>>
        %dma_start3A_285 = arith.constant 0 : i32
        %dma_start3A_286 = arith.constant 0 : i32
        %dma_start3A_287 = tpu.memref_slice %arg24[%dma_start3A_285, %dma_start3A_286] : memref<12288x64xf32, #tpu.memory_space<vmem_shared>> -> memref<12288x64xf32, #tpu.memory_space<vmem_shared>>
        tpu.enqueue_indirect_dma source(%arg19 : memref<128x64xf32, #tpu.memory_space<vmem>>) target(%dma_start3A_287 : memref<12288x64xf32, #tpu.memory_space<vmem_shared>>) offsets(%dma_start3A_284 : memref<128xi32, #tpu.memory_space<vmem>>) semaphore(%arg38 : memref<!tpu.dma_semaphore, #tpu.memory_space<semaphore_mem>>) {add = true}
      } else {
      }
      %add3A_185 = arith.constant 2 : i32
      %add3A_186 = arith.addi %add3A_145, %add3A_185 : i32
      %add3A_187 = arith.constant 4 : i32
      %add3A_188 = arith.addi %add3A_186, %add3A_187 : i32
      %lt3A_189 = arith.constant 160 : i32
      %lt3A_190 = arith.cmpi slt, %add3A_188, %lt3A_189 : i32
      %convert_element_type3A_191 = arith.extui %lt3A_190 : i1 to i32
      %cond3A_192 = arith.constant 0 : i32
      %cond3A_193 = arith.cmpi ne, %convert_element_type3A_191, %cond3A_192 : i32
      scf.if %cond3A_193 {
        %add3A_269 = arith.constant 4 : i32
        %add3A_270 = arith.addi %add3A_186, %add3A_269 : i32
        %sub3A = arith.constant 6 : i32
        %sub3A_271 = arith.subi %add3A_270, %sub3A : i32
        %ge3A = arith.constant 0 : i32
        %ge3A_272 = arith.cmpi sge, %sub3A_271, %ge3A : i32
        %convert_element_type3A_273 = arith.extui %ge3A_272 : i1 to i32
        %cond3A_274 = arith.constant 0 : i32
        %cond3A_275 = arith.cmpi ne, %convert_element_type3A_273, %cond3A_274 : i32
        scf.if %cond3A_275 {
          %dma_wait3A_287 = arith.constant 1 : i32
          %dma_wait3A_288 = arith.constant 0 : i32
          %dma_wait3A_289 = tpu.memref_slice %arg6[%dma_wait3A_287, %dma_wait3A_288] : memref<2x128xi32, #tpu.memory_space<vmem>> -> memref<1x128xi32, #tpu.memory_space<vmem>>
          %dma_wait3A_290 = tpu.memref_squeeze %dma_wait3A_289 : memref<1x128xi32, #tpu.memory_space<vmem>> -> memref<128xi32, #tpu.memory_space<vmem>>
          %dma_wait3A_291 = arith.constant 0 : i32
          %dma_wait3A_292 = arith.constant 0 : i32
          %dma_wait3A_293 = tpu.memref_slice %arg24[%dma_wait3A_291, %dma_wait3A_292] : memref<12288x64xf32, #tpu.memory_space<vmem_shared>> -> memref<12288x64xf32, #tpu.memory_space<vmem_shared>>
          tpu.wait_indirect_dma semaphore(%arg37 : memref<!tpu.dma_semaphore, #tpu.memory_space<semaphore_mem>>) src(%arg18 : memref<128x64xf32, #tpu.memory_space<vmem>>) dst(%dma_wait3A_293 : memref<12288x64xf32, #tpu.memory_space<vmem_shared>>)
        } else {
        }
        %add3A_276 = arith.constant 4 : i32
        %add3A_277 = arith.addi %add3A_186, %add3A_276 : i32
        %add3A_278 = arith.addi %mul3A_0, %add3A_277 : i32
        %dma_start3A_279 = arith.constant 0 : i32
        %dma_start3A_280 = arith.constant 0 : i32
        %dma_start3A_281 = tpu.memref_slice %arg3[%arg0, %add3A_278, %dma_start3A_279, %dma_start3A_280] : memref<2x2560x2x128xi32, #tpu.memory_space<hbm>> -> memref<1x1x2x128xi32, #tpu.memory_space<hbm>>
        %dma_start3A_282 = tpu.memref_squeeze %dma_start3A_281 : memref<1x1x2x128xi32, #tpu.memory_space<hbm>> -> memref<2x128xi32, #tpu.memory_space<hbm>>
        %dma_start3A_283 = arith.constant 0 : i32
        %dma_start3A_284 = arith.constant 0 : i32
        %dma_start3A_285 = tpu.memref_slice %arg3[%arg0, %add3A_278, %dma_start3A_283, %dma_start3A_284] : memref<2x2560x2x128xi32, #tpu.memory_space<hbm>> -> memref<1x1x2x128xi32, #tpu.memory_space<hbm>>
        %dma_start3A_286 = tpu.memref_squeeze %dma_start3A_285 : memref<1x1x2x128xi32, #tpu.memory_space<hbm>> -> memref<2x128xi32, #tpu.memory_space<hbm>>
        tpu.enqueue_dma source(%dma_start3A_286 : memref<2x128xi32, #tpu.memory_space<hbm>>) target(%arg6 : memref<2x128xi32, #tpu.memory_space<vmem>>) target_semaphore(%arg25 : memref<!tpu.dma_semaphore, #tpu.memory_space<semaphore_mem>>)
      } else {
      }
      %add3A_194 = arith.constant 3 : i32
      %add3A_195 = arith.addi %add3A_186, %add3A_194 : i32
      %lt3A_196 = arith.constant 160 : i32
      %lt3A_197 = arith.cmpi slt, %add3A_195, %lt3A_196 : i32
      %convert_element_type3A_198 = arith.extui %lt3A_197 : i1 to i32
      %cond3A_199 = arith.constant 0 : i32
      %cond3A_200 = arith.cmpi ne, %convert_element_type3A_198, %cond3A_199 : i32
      scf.if %cond3A_200 {
        %dma_wait3A_269 = arith.constant 0 : i32
        %dma_wait3A_270 = arith.constant 0 : i32
        %dma_wait3A_271 = arith.constant 0 : i32
        %dma_wait3A_272 = arith.constant 0 : i32
        %dma_wait3A_273 = tpu.memref_slice %arg3[%dma_wait3A_269, %dma_wait3A_270, %dma_wait3A_271, %dma_wait3A_272] : memref<2x2560x2x128xi32, #tpu.memory_space<hbm>> -> memref<1x1x2x128xi32, #tpu.memory_space<hbm>>
        %dma_wait3A_274 = tpu.memref_squeeze %dma_wait3A_273 : memref<1x1x2x128xi32, #tpu.memory_space<hbm>> -> memref<2x128xi32, #tpu.memory_space<hbm>>
        %dma_wait3A_275 = arith.constant 0 : i32
        %dma_wait3A_276 = arith.constant 0 : i32
        %dma_wait3A_277 = tpu.memref_slice %arg3[%dma_wait3A_269, %dma_wait3A_270, %dma_wait3A_275, %dma_wait3A_276] : memref<2x2560x2x128xi32, #tpu.memory_space<hbm>> -> memref<1x1x2x128xi32, #tpu.memory_space<hbm>>
        %dma_wait3A_278 = tpu.memref_squeeze %dma_wait3A_277 : memref<1x1x2x128xi32, #tpu.memory_space<hbm>> -> memref<2x128xi32, #tpu.memory_space<hbm>>
        tpu.wait_dma2 semaphore(%arg30 : memref<!tpu.dma_semaphore, #tpu.memory_space<semaphore_mem>>) src(%dma_wait3A_278 : memref<2x128xi32, #tpu.memory_space<hbm>>) dst(%arg11 : memref<2x128xi32, #tpu.memory_space<vmem>>)
        %add3A_279 = arith.constant 3 : i32
        %add3A_280 = arith.addi %add3A_186, %add3A_279 : i32
        %dma_start3A_281 = arith.constant 0 : i32
        %dma_start3A_282 = arith.constant 0 : i32
        %dma_start3A_283 = tpu.memref_slice %arg11[%dma_start3A_281, %dma_start3A_282] : memref<2x128xi32, #tpu.memory_space<vmem>> -> memref<1x128xi32, #tpu.memory_space<vmem>>
        %dma_start3A_284 = tpu.memref_squeeze %dma_start3A_283 : memref<1x128xi32, #tpu.memory_space<vmem>> -> memref<128xi32, #tpu.memory_space<vmem>>
        %dma_start3A_285 = arith.constant 0 : i32
        %dma_start3A_286 = arith.constant 0 : i32
        %dma_start3A_287 = tpu.memref_slice %arg2[%dma_start3A_285, %dma_start3A_286] : memref<24576x64xbf16, #tpu.memory_space<hbm>> -> memref<24576x64xbf16, #tpu.memory_space<hbm>>
        tpu.enqueue_indirect_dma source(%dma_start3A_287 : memref<24576x64xbf16, #tpu.memory_space<hbm>>) target(%arg17 : memref<128x64xbf16, #tpu.memory_space<vmem>>) offsets(%dma_start3A_284 : memref<128xi32, #tpu.memory_space<vmem>>) semaphore(%arg36 : memref<!tpu.dma_semaphore, #tpu.memory_space<semaphore_mem>>)
      } else {
      }
      %lt3A_201 = arith.constant 160 : i32
      %lt3A_202 = arith.cmpi slt, %add3A_186, %lt3A_201 : i32
      %convert_element_type3A_203 = arith.extui %lt3A_202 : i1 to i32
      %cond3A_204 = arith.constant 0 : i32
      %cond3A_205 = arith.cmpi ne, %convert_element_type3A_203, %cond3A_204 : i32
      scf.if %cond3A_205 {
        %dma_wait3A_269 = arith.constant 0 : i32
        %dma_wait3A_270 = arith.constant 0 : i32
        %dma_wait3A_271 = tpu.memref_slice %arg8[%dma_wait3A_269, %dma_wait3A_270] : memref<2x128xi32, #tpu.memory_space<vmem>> -> memref<1x128xi32, #tpu.memory_space<vmem>>
        %dma_wait3A_272 = tpu.memref_squeeze %dma_wait3A_271 : memref<1x128xi32, #tpu.memory_space<vmem>> -> memref<128xi32, #tpu.memory_space<vmem>>
        %dma_wait3A_273 = arith.constant 0 : i32
        %dma_wait3A_274 = arith.constant 0 : i32
        %dma_wait3A_275 = tpu.memref_slice %arg2[%dma_wait3A_273, %dma_wait3A_274] : memref<24576x64xbf16, #tpu.memory_space<hbm>> -> memref<24576x64xbf16, #tpu.memory_space<hbm>>
        tpu.wait_indirect_dma semaphore(%arg33 : memref<!tpu.dma_semaphore, #tpu.memory_space<semaphore_mem>>) src(%dma_wait3A_275 : memref<24576x64xbf16, #tpu.memory_space<hbm>>) dst(%arg14 : memref<128x64xbf16, #tpu.memory_space<vmem>>)
        %scan3A_276 = arith.constant 0 : i32
        %scan3A_277 = arith.constant 128 : i32
        %scan3A_278 = arith.addi %scan3A_276, %scan3A_277 : i32
        %scan3A_279 = arith.constant 1 : i32
        scf.for %scan3A_288 = %scan3A_276 to %scan3A_278 step %scan3A_279  : i32 {
          %mul3A_289 = arith.constant 1 : i32
          %mul3A_290 = arith.muli %scan3A_288, %mul3A_289 : i32
          %add3A_291 = arith.constant 0 : i32
          %add3A_292 = arith.addi %add3A_291, %mul3A_290 : i32
          %get3A = arith.index_cast %add3A_292 : i32 to index
          %get3A_293 = arith.constant 0 : index
          %get3A_294 = tpu.vector_load %arg14[%get3A, %get3A_293] {strides = array<i32>} : memref<128x64xbf16, #tpu.memory_space<vmem>>, vector<32xbf16>,
          %bitcast3A = vector.bitcast %get3A_294 : vector<32xbf16> to vector<16xi32>
          %shift_left3A = arith.constant 16 : i32
          %shift_left3A_295 = vector.broadcast %shift_left3A : i32 to vector<16xi32>
          %shift_left3A_296 = arith.shli %bitcast3A, %shift_left3A_295 : vector<16xi32>
          %bitcast3A_297 = vector.bitcast %shift_left3A_296 : vector<16xi32> to vector<16xf32>
          %and3A = arith.constant -65536 : i32
          %and3A_298 = vector.broadcast %and3A : i32 to vector<16xi32>
          %and3A_299 = arith.andi %bitcast3A, %and3A_298 : vector<16xi32>
          %bitcast3A_300 = vector.bitcast %and3A_299 : vector<16xi32> to vector<16xf32>
          %swap3A = arith.index_cast %add3A_292 : i32 to index
          %swap3A_301 = arith.constant 0 : index
          %swap3A_302 = tpu.vector_load %arg20[%swap3A, %swap3A_301] {strides = array<i32>} : memref<128x64xf32, #tpu.memory_space<vmem>>, vector<16xf32>,
          tpu.vector_store %arg20[%swap3A, %swap3A_301], %bitcast3A_297 {strides = array<i32>} : memref<128x64xf32, #tpu.memory_space<vmem>>, vector<16xf32>,
          %swap3A_303 = arith.index_cast %add3A_292 : i32 to index
          %swap3A_304 = arith.constant 16 : index
          %swap3A_305 = tpu.vector_load %arg20[%swap3A_303, %swap3A_304] {strides = array<i32>} : memref<128x64xf32, #tpu.memory_space<vmem>>, vector<16xf32>,
          tpu.vector_store %arg20[%swap3A_303, %swap3A_304], %bitcast3A_300 {strides = array<i32>} : memref<128x64xf32, #tpu.memory_space<vmem>>, vector<16xf32>,
          %get3A_306 = arith.index_cast %add3A_292 : i32 to index
          %get3A_307 = arith.constant 32 : index
          %get3A_308 = tpu.vector_load %arg14[%get3A_306, %get3A_307] {strides = array<i32>} : memref<128x64xbf16, #tpu.memory_space<vmem>>, vector<32xbf16>,
          %bitcast3A_309 = vector.bitcast %get3A_308 : vector<32xbf16> to vector<16xi32>
          %shift_left3A_310 = arith.constant 16 : i32
          %shift_left3A_311 = vector.broadcast %shift_left3A_310 : i32 to vector<16xi32>
          %shift_left3A_312 = arith.shli %bitcast3A_309, %shift_left3A_311 : vector<16xi32>
          %bitcast3A_313 = vector.bitcast %shift_left3A_312 : vector<16xi32> to vector<16xf32>
          %and3A_314 = arith.constant -65536 : i32
          %and3A_315 = vector.broadcast %and3A_314 : i32 to vector<16xi32>
          %and3A_316 = arith.andi %bitcast3A_309, %and3A_315 : vector<16xi32>
          %bitcast3A_317 = vector.bitcast %and3A_316 : vector<16xi32> to vector<16xf32>
          %swap3A_318 = arith.index_cast %add3A_292 : i32 to index
          %swap3A_319 = arith.constant 32 : index
          %swap3A_320 = tpu.vector_load %arg20[%swap3A_318, %swap3A_319] {strides = array<i32>} : memref<128x64xf32, #tpu.memory_space<vmem>>, vector<16xf32>,
          tpu.vector_store %arg20[%swap3A_318, %swap3A_319], %bitcast3A_313 {strides = array<i32>} : memref<128x64xf32, #tpu.memory_space<vmem>>, vector<16xf32>,
          %swap3A_321 = arith.index_cast %add3A_292 : i32 to index
          %swap3A_322 = arith.constant 48 : index
          %swap3A_323 = tpu.vector_load %arg20[%swap3A_321, %swap3A_322] {strides = array<i32>} : memref<128x64xf32, #tpu.memory_space<vmem>>, vector<16xf32>,
          tpu.vector_store %arg20[%swap3A_321, %swap3A_322], %bitcast3A_317 {strides = array<i32>} : memref<128x64xf32, #tpu.memory_space<vmem>>, vector<16xf32>,
        }
        %scan3A_280 = arith.constant 128 : i32
        %dma_start3A_281 = arith.constant 1 : i32
        %dma_start3A_282 = arith.constant 0 : i32
        %dma_start3A_283 = tpu.memref_slice %arg8[%dma_start3A_281, %dma_start3A_282] : memref<2x128xi32, #tpu.memory_space<vmem>> -> memref<1x128xi32, #tpu.memory_space<vmem>>
        %dma_start3A_284 = tpu.memref_squeeze %dma_start3A_283 : memref<1x128xi32, #tpu.memory_space<vmem>> -> memref<128xi32, #tpu.memory_space<vmem>>
        %dma_start3A_285 = arith.constant 0 : i32
        %dma_start3A_286 = arith.constant 0 : i32
        %dma_start3A_287 = tpu.memref_slice %arg24[%dma_start3A_285, %dma_start3A_286] : memref<12288x64xf32, #tpu.memory_space<vmem_shared>> -> memref<12288x64xf32, #tpu.memory_space<vmem_shared>>
        tpu.enqueue_indirect_dma source(%arg20 : memref<128x64xf32, #tpu.memory_space<vmem>>) target(%dma_start3A_287 : memref<12288x64xf32, #tpu.memory_space<vmem_shared>>) offsets(%dma_start3A_284 : memref<128xi32, #tpu.memory_space<vmem>>) semaphore(%arg39 : memref<!tpu.dma_semaphore, #tpu.memory_space<semaphore_mem>>) {add = true}
      } else {
      }
      %add3A_206 = arith.constant 3 : i32
      %add3A_207 = arith.addi %add3A_145, %add3A_206 : i32
      %add3A_208 = arith.constant 4 : i32
      %add3A_209 = arith.addi %add3A_207, %add3A_208 : i32
      %lt3A_210 = arith.constant 160 : i32
      %lt3A_211 = arith.cmpi slt, %add3A_209, %lt3A_210 : i32
      %convert_element_type3A_212 = arith.extui %lt3A_211 : i1 to i32
      %cond3A_213 = arith.constant 0 : i32
      %cond3A_214 = arith.cmpi ne, %convert_element_type3A_212, %cond3A_213 : i32
      scf.if %cond3A_214 {
        %add3A_269 = arith.constant 4 : i32
        %add3A_270 = arith.addi %add3A_207, %add3A_269 : i32
        %sub3A = arith.constant 6 : i32
        %sub3A_271 = arith.subi %add3A_270, %sub3A : i32
        %ge3A = arith.constant 0 : i32
        %ge3A_272 = arith.cmpi sge, %sub3A_271, %ge3A : i32
        %convert_element_type3A_273 = arith.extui %ge3A_272 : i1 to i32
        %cond3A_274 = arith.constant 0 : i32
        %cond3A_275 = arith.cmpi ne, %convert_element_type3A_273, %cond3A_274 : i32
        scf.if %cond3A_275 {
          %dma_wait3A_287 = arith.constant 1 : i32
          %dma_wait3A_288 = arith.constant 0 : i32
          %dma_wait3A_289 = tpu.memref_slice %arg7[%dma_wait3A_287, %dma_wait3A_288] : memref<2x128xi32, #tpu.memory_space<vmem>> -> memref<1x128xi32, #tpu.memory_space<vmem>>
          %dma_wait3A_290 = tpu.memref_squeeze %dma_wait3A_289 : memref<1x128xi32, #tpu.memory_space<vmem>> -> memref<128xi32, #tpu.memory_space<vmem>>
          %dma_wait3A_291 = arith.constant 0 : i32
          %dma_wait3A_292 = arith.constant 0 : i32
          %dma_wait3A_293 = tpu.memref_slice %arg24[%dma_wait3A_291, %dma_wait3A_292] : memref<12288x64xf32, #tpu.memory_space<vmem_shared>> -> memref<12288x64xf32, #tpu.memory_space<vmem_shared>>
          tpu.wait_indirect_dma semaphore(%arg38 : memref<!tpu.dma_semaphore, #tpu.memory_space<semaphore_mem>>) src(%arg19 : memref<128x64xf32, #tpu.memory_space<vmem>>) dst(%dma_wait3A_293 : memref<12288x64xf32, #tpu.memory_space<vmem_shared>>)
        } else {
        }
        %add3A_276 = arith.constant 4 : i32
        %add3A_277 = arith.addi %add3A_207, %add3A_276 : i32
        %add3A_278 = arith.addi %mul3A_0, %add3A_277 : i32
        %dma_start3A_279 = arith.constant 0 : i32
        %dma_start3A_280 = arith.constant 0 : i32
        %dma_start3A_281 = tpu.memref_slice %arg3[%arg0, %add3A_278, %dma_start3A_279, %dma_start3A_280] : memref<2x2560x2x128xi32, #tpu.memory_space<hbm>> -> memref<1x1x2x128xi32, #tpu.memory_space<hbm>>
        %dma_start3A_282 = tpu.memref_squeeze %dma_start3A_281 : memref<1x1x2x128xi32, #tpu.memory_space<hbm>> -> memref<2x128xi32, #tpu.memory_space<hbm>>
        %dma_start3A_283 = arith.constant 0 : i32
        %dma_start3A_284 = arith.constant 0 : i32
        %dma_start3A_285 = tpu.memref_slice %arg3[%arg0, %add3A_278, %dma_start3A_283, %dma_start3A_284] : memref<2x2560x2x128xi32, #tpu.memory_space<hbm>> -> memref<1x1x2x128xi32, #tpu.memory_space<hbm>>
        %dma_start3A_286 = tpu.memref_squeeze %dma_start3A_285 : memref<1x1x2x128xi32, #tpu.memory_space<hbm>> -> memref<2x128xi32, #tpu.memory_space<hbm>>
        tpu.enqueue_dma source(%dma_start3A_286 : memref<2x128xi32, #tpu.memory_space<hbm>>) target(%arg7 : memref<2x128xi32, #tpu.memory_space<vmem>>) target_semaphore(%arg26 : memref<!tpu.dma_semaphore, #tpu.memory_space<semaphore_mem>>)
      } else {
      }
      %add3A_215 = arith.constant 3 : i32
      %add3A_216 = arith.addi %add3A_207, %add3A_215 : i32
      %lt3A_217 = arith.constant 160 : i32
      %lt3A_218 = arith.cmpi slt, %add3A_216, %lt3A_217 : i32
      %convert_element_type3A_219 = arith.extui %lt3A_218 : i1 to i32
      %cond3A_220 = arith.constant 0 : i32
      %cond3A_221 = arith.cmpi ne, %convert_element_type3A_219, %cond3A_220 : i32
      scf.if %cond3A_221 {
        %dma_wait3A_269 = arith.constant 0 : i32
        %dma_wait3A_270 = arith.constant 0 : i32
        %dma_wait3A_271 = arith.constant 0 : i32
        %dma_wait3A_272 = arith.constant 0 : i32
        %dma_wait3A_273 = tpu.memref_slice %arg3[%dma_wait3A_269, %dma_wait3A_270, %dma_wait3A_271, %dma_wait3A_272] : memref<2x2560x2x128xi32, #tpu.memory_space<hbm>> -> memref<1x1x2x128xi32, #tpu.memory_space<hbm>>
        %dma_wait3A_274 = tpu.memref_squeeze %dma_wait3A_273 : memref<1x1x2x128xi32, #tpu.memory_space<hbm>> -> memref<2x128xi32, #tpu.memory_space<hbm>>
        %dma_wait3A_275 = arith.constant 0 : i32
        %dma_wait3A_276 = arith.constant 0 : i32
        %dma_wait3A_277 = tpu.memref_slice %arg3[%dma_wait3A_269, %dma_wait3A_270, %dma_wait3A_275, %dma_wait3A_276] : memref<2x2560x2x128xi32, #tpu.memory_space<hbm>> -> memref<1x1x2x128xi32, #tpu.memory_space<hbm>>
        %dma_wait3A_278 = tpu.memref_squeeze %dma_wait3A_277 : memref<1x1x2x128xi32, #tpu.memory_space<hbm>> -> memref<2x128xi32, #tpu.memory_space<hbm>>
        tpu.wait_dma2 semaphore(%arg25 : memref<!tpu.dma_semaphore, #tpu.memory_space<semaphore_mem>>) src(%dma_wait3A_278 : memref<2x128xi32, #tpu.memory_space<hbm>>) dst(%arg6 : memref<2x128xi32, #tpu.memory_space<vmem>>)
        %add3A_279 = arith.constant 3 : i32
        %add3A_280 = arith.addi %add3A_207, %add3A_279 : i32
        %dma_start3A_281 = arith.constant 0 : i32
        %dma_start3A_282 = arith.constant 0 : i32
        %dma_start3A_283 = tpu.memref_slice %arg6[%dma_start3A_281, %dma_start3A_282] : memref<2x128xi32, #tpu.memory_space<vmem>> -> memref<1x128xi32, #tpu.memory_space<vmem>>
        %dma_start3A_284 = tpu.memref_squeeze %dma_start3A_283 : memref<1x128xi32, #tpu.memory_space<vmem>> -> memref<128xi32, #tpu.memory_space<vmem>>
        %dma_start3A_285 = arith.constant 0 : i32
        %dma_start3A_286 = arith.constant 0 : i32
        %dma_start3A_287 = tpu.memref_slice %arg2[%dma_start3A_285, %dma_start3A_286] : memref<24576x64xbf16, #tpu.memory_space<hbm>> -> memref<24576x64xbf16, #tpu.memory_space<hbm>>
        tpu.enqueue_indirect_dma source(%dma_start3A_287 : memref<24576x64xbf16, #tpu.memory_space<hbm>>) target(%arg12 : memref<128x64xbf16, #tpu.memory_space<vmem>>) offsets(%dma_start3A_284 : memref<128xi32, #tpu.memory_space<vmem>>) semaphore(%arg31 : memref<!tpu.dma_semaphore, #tpu.memory_space<semaphore_mem>>)
      } else {
      }
      %lt3A_222 = arith.constant 160 : i32
      %lt3A_223 = arith.cmpi slt, %add3A_207, %lt3A_222 : i32
      %convert_element_type3A_224 = arith.extui %lt3A_223 : i1 to i32
      %cond3A_225 = arith.constant 0 : i32
      %cond3A_226 = arith.cmpi ne, %convert_element_type3A_224, %cond3A_225 : i32
      scf.if %cond3A_226 {
        %dma_wait3A_269 = arith.constant 0 : i32
        %dma_wait3A_270 = arith.constant 0 : i32
        %dma_wait3A_271 = tpu.memref_slice %arg9[%dma_wait3A_269, %dma_wait3A_270] : memref<2x128xi32, #tpu.memory_space<vmem>> -> memref<1x128xi32, #tpu.memory_space<vmem>>
        %dma_wait3A_272 = tpu.memref_squeeze %dma_wait3A_271 : memref<1x128xi32, #tpu.memory_space<vmem>> -> memref<128xi32, #tpu.memory_space<vmem>>
        %dma_wait3A_273 = arith.constant 0 : i32
        %dma_wait3A_274 = arith.constant 0 : i32
        %dma_wait3A_275 = tpu.memref_slice %arg2[%dma_wait3A_273, %dma_wait3A_274] : memref<24576x64xbf16, #tpu.memory_space<hbm>> -> memref<24576x64xbf16, #tpu.memory_space<hbm>>
        tpu.wait_indirect_dma semaphore(%arg34 : memref<!tpu.dma_semaphore, #tpu.memory_space<semaphore_mem>>) src(%dma_wait3A_275 : memref<24576x64xbf16, #tpu.memory_space<hbm>>) dst(%arg15 : memref<128x64xbf16, #tpu.memory_space<vmem>>)
        %scan3A_276 = arith.constant 0 : i32
        %scan3A_277 = arith.constant 128 : i32
        %scan3A_278 = arith.addi %scan3A_276, %scan3A_277 : i32
        %scan3A_279 = arith.constant 1 : i32
        scf.for %scan3A_288 = %scan3A_276 to %scan3A_278 step %scan3A_279  : i32 {
          %mul3A_289 = arith.constant 1 : i32
          %mul3A_290 = arith.muli %scan3A_288, %mul3A_289 : i32
          %add3A_291 = arith.constant 0 : i32
          %add3A_292 = arith.addi %add3A_291, %mul3A_290 : i32
          %get3A = arith.index_cast %add3A_292 : i32 to index
          %get3A_293 = arith.constant 0 : index
          %get3A_294 = tpu.vector_load %arg15[%get3A, %get3A_293] {strides = array<i32>} : memref<128x64xbf16, #tpu.memory_space<vmem>>, vector<32xbf16>,
          %bitcast3A = vector.bitcast %get3A_294 : vector<32xbf16> to vector<16xi32>
          %shift_left3A = arith.constant 16 : i32
          %shift_left3A_295 = vector.broadcast %shift_left3A : i32 to vector<16xi32>
          %shift_left3A_296 = arith.shli %bitcast3A, %shift_left3A_295 : vector<16xi32>
          %bitcast3A_297 = vector.bitcast %shift_left3A_296 : vector<16xi32> to vector<16xf32>
          %and3A = arith.constant -65536 : i32
          %and3A_298 = vector.broadcast %and3A : i32 to vector<16xi32>
          %and3A_299 = arith.andi %bitcast3A, %and3A_298 : vector<16xi32>
          %bitcast3A_300 = vector.bitcast %and3A_299 : vector<16xi32> to vector<16xf32>
          %swap3A = arith.index_cast %add3A_292 : i32 to index
          %swap3A_301 = arith.constant 0 : index
          %swap3A_302 = tpu.vector_load %arg21[%swap3A, %swap3A_301] {strides = array<i32>} : memref<128x64xf32, #tpu.memory_space<vmem>>, vector<16xf32>,
          tpu.vector_store %arg21[%swap3A, %swap3A_301], %bitcast3A_297 {strides = array<i32>} : memref<128x64xf32, #tpu.memory_space<vmem>>, vector<16xf32>,
          %swap3A_303 = arith.index_cast %add3A_292 : i32 to index
          %swap3A_304 = arith.constant 16 : index
          %swap3A_305 = tpu.vector_load %arg21[%swap3A_303, %swap3A_304] {strides = array<i32>} : memref<128x64xf32, #tpu.memory_space<vmem>>, vector<16xf32>,
          tpu.vector_store %arg21[%swap3A_303, %swap3A_304], %bitcast3A_300 {strides = array<i32>} : memref<128x64xf32, #tpu.memory_space<vmem>>, vector<16xf32>,
          %get3A_306 = arith.index_cast %add3A_292 : i32 to index
          %get3A_307 = arith.constant 32 : index
          %get3A_308 = tpu.vector_load %arg15[%get3A_306, %get3A_307] {strides = array<i32>} : memref<128x64xbf16, #tpu.memory_space<vmem>>, vector<32xbf16>,
          %bitcast3A_309 = vector.bitcast %get3A_308 : vector<32xbf16> to vector<16xi32>
          %shift_left3A_310 = arith.constant 16 : i32
          %shift_left3A_311 = vector.broadcast %shift_left3A_310 : i32 to vector<16xi32>
          %shift_left3A_312 = arith.shli %bitcast3A_309, %shift_left3A_311 : vector<16xi32>
          %bitcast3A_313 = vector.bitcast %shift_left3A_312 : vector<16xi32> to vector<16xf32>
          %and3A_314 = arith.constant -65536 : i32
          %and3A_315 = vector.broadcast %and3A_314 : i32 to vector<16xi32>
          %and3A_316 = arith.andi %bitcast3A_309, %and3A_315 : vector<16xi32>
          %bitcast3A_317 = vector.bitcast %and3A_316 : vector<16xi32> to vector<16xf32>
          %swap3A_318 = arith.index_cast %add3A_292 : i32 to index
          %swap3A_319 = arith.constant 32 : index
          %swap3A_320 = tpu.vector_load %arg21[%swap3A_318, %swap3A_319] {strides = array<i32>} : memref<128x64xf32, #tpu.memory_space<vmem>>, vector<16xf32>,
          tpu.vector_store %arg21[%swap3A_318, %swap3A_319], %bitcast3A_313 {strides = array<i32>} : memref<128x64xf32, #tpu.memory_space<vmem>>, vector<16xf32>,
          %swap3A_321 = arith.index_cast %add3A_292 : i32 to index
          %swap3A_322 = arith.constant 48 : index
          %swap3A_323 = tpu.vector_load %arg21[%swap3A_321, %swap3A_322] {strides = array<i32>} : memref<128x64xf32, #tpu.memory_space<vmem>>, vector<16xf32>,
          tpu.vector_store %arg21[%swap3A_321, %swap3A_322], %bitcast3A_317 {strides = array<i32>} : memref<128x64xf32, #tpu.memory_space<vmem>>, vector<16xf32>,
        }
        %scan3A_280 = arith.constant 128 : i32
        %dma_start3A_281 = arith.constant 1 : i32
        %dma_start3A_282 = arith.constant 0 : i32
        %dma_start3A_283 = tpu.memref_slice %arg9[%dma_start3A_281, %dma_start3A_282] : memref<2x128xi32, #tpu.memory_space<vmem>> -> memref<1x128xi32, #tpu.memory_space<vmem>>
        %dma_start3A_284 = tpu.memref_squeeze %dma_start3A_283 : memref<1x128xi32, #tpu.memory_space<vmem>> -> memref<128xi32, #tpu.memory_space<vmem>>
        %dma_start3A_285 = arith.constant 0 : i32
        %dma_start3A_286 = arith.constant 0 : i32
        %dma_start3A_287 = tpu.memref_slice %arg24[%dma_start3A_285, %dma_start3A_286] : memref<12288x64xf32, #tpu.memory_space<vmem_shared>> -> memref<12288x64xf32, #tpu.memory_space<vmem_shared>>
        tpu.enqueue_indirect_dma source(%arg21 : memref<128x64xf32, #tpu.memory_space<vmem>>) target(%dma_start3A_287 : memref<12288x64xf32, #tpu.memory_space<vmem_shared>>) offsets(%dma_start3A_284 : memref<128xi32, #tpu.memory_space<vmem>>) semaphore(%arg40 : memref<!tpu.dma_semaphore, #tpu.memory_space<semaphore_mem>>) {add = true}
      } else {
      }
      %add3A_227 = arith.constant 4 : i32
      %add3A_228 = arith.addi %add3A_145, %add3A_227 : i32
      %add3A_229 = arith.constant 4 : i32
      %add3A_230 = arith.addi %add3A_228, %add3A_229 : i32
      %lt3A_231 = arith.constant 160 : i32
      %lt3A_232 = arith.cmpi slt, %add3A_230, %lt3A_231 : i32
      %convert_element_type3A_233 = arith.extui %lt3A_232 : i1 to i32
      %cond3A_234 = arith.constant 0 : i32
      %cond3A_235 = arith.cmpi ne, %convert_element_type3A_233, %cond3A_234 : i32
      scf.if %cond3A_235 {
        %add3A_269 = arith.constant 4 : i32
        %add3A_270 = arith.addi %add3A_228, %add3A_269 : i32
        %sub3A = arith.constant 6 : i32
        %sub3A_271 = arith.subi %add3A_270, %sub3A : i32
        %ge3A = arith.constant 0 : i32
        %ge3A_272 = arith.cmpi sge, %sub3A_271, %ge3A : i32
        %convert_element_type3A_273 = arith.extui %ge3A_272 : i1 to i32
        %cond3A_274 = arith.constant 0 : i32
        %cond3A_275 = arith.cmpi ne, %convert_element_type3A_273, %cond3A_274 : i32
        scf.if %cond3A_275 {
          %dma_wait3A_287 = arith.constant 1 : i32
          %dma_wait3A_288 = arith.constant 0 : i32
          %dma_wait3A_289 = tpu.memref_slice %arg8[%dma_wait3A_287, %dma_wait3A_288] : memref<2x128xi32, #tpu.memory_space<vmem>> -> memref<1x128xi32, #tpu.memory_space<vmem>>
          %dma_wait3A_290 = tpu.memref_squeeze %dma_wait3A_289 : memref<1x128xi32, #tpu.memory_space<vmem>> -> memref<128xi32, #tpu.memory_space<vmem>>
          %dma_wait3A_291 = arith.constant 0 : i32
          %dma_wait3A_292 = arith.constant 0 : i32
          %dma_wait3A_293 = tpu.memref_slice %arg24[%dma_wait3A_291, %dma_wait3A_292] : memref<12288x64xf32, #tpu.memory_space<vmem_shared>> -> memref<12288x64xf32, #tpu.memory_space<vmem_shared>>
          tpu.wait_indirect_dma semaphore(%arg39 : memref<!tpu.dma_semaphore, #tpu.memory_space<semaphore_mem>>) src(%arg20 : memref<128x64xf32, #tpu.memory_space<vmem>>) dst(%dma_wait3A_293 : memref<12288x64xf32, #tpu.memory_space<vmem_shared>>)
        } else {
        }
        %add3A_276 = arith.constant 4 : i32
        %add3A_277 = arith.addi %add3A_228, %add3A_276 : i32
        %add3A_278 = arith.addi %mul3A_0, %add3A_277 : i32
        %dma_start3A_279 = arith.constant 0 : i32
        %dma_start3A_280 = arith.constant 0 : i32
        %dma_start3A_281 = tpu.memref_slice %arg3[%arg0, %add3A_278, %dma_start3A_279, %dma_start3A_280] : memref<2x2560x2x128xi32, #tpu.memory_space<hbm>> -> memref<1x1x2x128xi32, #tpu.memory_space<hbm>>
        %dma_start3A_282 = tpu.memref_squeeze %dma_start3A_281 : memref<1x1x2x128xi32, #tpu.memory_space<hbm>> -> memref<2x128xi32, #tpu.memory_space<hbm>>
        %dma_start3A_283 = arith.constant 0 : i32
        %dma_start3A_284 = arith.constant 0 : i32
        %dma_start3A_285 = tpu.memref_slice %arg3[%arg0, %add3A_278, %dma_start3A_283, %dma_start3A_284] : memref<2x2560x2x128xi32, #tpu.memory_space<hbm>> -> memref<1x1x2x128xi32, #tpu.memory_space<hbm>>
        %dma_start3A_286 = tpu.memref_squeeze %dma_start3A_285 : memref<1x1x2x128xi32, #tpu.memory_space<hbm>> -> memref<2x128xi32, #tpu.memory_space<hbm>>
        tpu.enqueue_dma source(%dma_start3A_286 : memref<2x128xi32, #tpu.memory_space<hbm>>) target(%arg8 : memref<2x128xi32, #tpu.memory_space<vmem>>) target_semaphore(%arg27 : memref<!tpu.dma_semaphore, #tpu.memory_space<semaphore_mem>>)
      } else {
      }
      %add3A_236 = arith.constant 3 : i32
      %add3A_237 = arith.addi %add3A_228, %add3A_236 : i32
      %lt3A_238 = arith.constant 160 : i32
      %lt3A_239 = arith.cmpi slt, %add3A_237, %lt3A_238 : i32
      %convert_element_type3A_240 = arith.extui %lt3A_239 : i1 to i32
      %cond3A_241 = arith.constant 0 : i32
      %cond3A_242 = arith.cmpi ne, %convert_element_type3A_240, %cond3A_241 : i32
      scf.if %cond3A_242 {
        %dma_wait3A_269 = arith.constant 0 : i32
        %dma_wait3A_270 = arith.constant 0 : i32
        %dma_wait3A_271 = arith.constant 0 : i32
        %dma_wait3A_272 = arith.constant 0 : i32
        %dma_wait3A_273 = tpu.memref_slice %arg3[%dma_wait3A_269, %dma_wait3A_270, %dma_wait3A_271, %dma_wait3A_272] : memref<2x2560x2x128xi32, #tpu.memory_space<hbm>> -> memref<1x1x2x128xi32, #tpu.memory_space<hbm>>
        %dma_wait3A_274 = tpu.memref_squeeze %dma_wait3A_273 : memref<1x1x2x128xi32, #tpu.memory_space<hbm>> -> memref<2x128xi32, #tpu.memory_space<hbm>>
        %dma_wait3A_275 = arith.constant 0 : i32
        %dma_wait3A_276 = arith.constant 0 : i32
        %dma_wait3A_277 = tpu.memref_slice %arg3[%dma_wait3A_269, %dma_wait3A_270, %dma_wait3A_275, %dma_wait3A_276] : memref<2x2560x2x128xi32, #tpu.memory_space<hbm>> -> memref<1x1x2x128xi32, #tpu.memory_space<hbm>>
        %dma_wait3A_278 = tpu.memref_squeeze %dma_wait3A_277 : memref<1x1x2x128xi32, #tpu.memory_space<hbm>> -> memref<2x128xi32, #tpu.memory_space<hbm>>
        tpu.wait_dma2 semaphore(%arg26 : memref<!tpu.dma_semaphore, #tpu.memory_space<semaphore_mem>>) src(%dma_wait3A_278 : memref<2x128xi32, #tpu.memory_space<hbm>>) dst(%arg7 : memref<2x128xi32, #tpu.memory_space<vmem>>)
        %add3A_279 = arith.constant 3 : i32
        %add3A_280 = arith.addi %add3A_228, %add3A_279 : i32
        %dma_start3A_281 = arith.constant 0 : i32
        %dma_start3A_282 = arith.constant 0 : i32
        %dma_start3A_283 = tpu.memref_slice %arg7[%dma_start3A_281, %dma_start3A_282] : memref<2x128xi32, #tpu.memory_space<vmem>> -> memref<1x128xi32, #tpu.memory_space<vmem>>
        %dma_start3A_284 = tpu.memref_squeeze %dma_start3A_283 : memref<1x128xi32, #tpu.memory_space<vmem>> -> memref<128xi32, #tpu.memory_space<vmem>>
        %dma_start3A_285 = arith.constant 0 : i32
        %dma_start3A_286 = arith.constant 0 : i32
        %dma_start3A_287 = tpu.memref_slice %arg2[%dma_start3A_285, %dma_start3A_286] : memref<24576x64xbf16, #tpu.memory_space<hbm>> -> memref<24576x64xbf16, #tpu.memory_space<hbm>>
        tpu.enqueue_indirect_dma source(%dma_start3A_287 : memref<24576x64xbf16, #tpu.memory_space<hbm>>) target(%arg13 : memref<128x64xbf16, #tpu.memory_space<vmem>>) offsets(%dma_start3A_284 : memref<128xi32, #tpu.memory_space<vmem>>) semaphore(%arg32 : memref<!tpu.dma_semaphore, #tpu.memory_space<semaphore_mem>>)
      } else {
      }
      %lt3A_243 = arith.constant 160 : i32
      %lt3A_244 = arith.cmpi slt, %add3A_228, %lt3A_243 : i32
      %convert_element_type3A_245 = arith.extui %lt3A_244 : i1 to i32
      %cond3A_246 = arith.constant 0 : i32
      %cond3A_247 = arith.cmpi ne, %convert_element_type3A_245, %cond3A_246 : i32
      scf.if %cond3A_247 {
        %dma_wait3A_269 = arith.constant 0 : i32
        %dma_wait3A_270 = arith.constant 0 : i32
        %dma_wait3A_271 = tpu.memref_slice %arg10[%dma_wait3A_269, %dma_wait3A_270] : memref<2x128xi32, #tpu.memory_space<vmem>> -> memref<1x128xi32, #tpu.memory_space<vmem>>
        %dma_wait3A_272 = tpu.memref_squeeze %dma_wait3A_271 : memref<1x128xi32, #tpu.memory_space<vmem>> -> memref<128xi32, #tpu.memory_space<vmem>>
        %dma_wait3A_273 = arith.constant 0 : i32
        %dma_wait3A_274 = arith.constant 0 : i32
        %dma_wait3A_275 = tpu.memref_slice %arg2[%dma_wait3A_273, %dma_wait3A_274] : memref<24576x64xbf16, #tpu.memory_space<hbm>> -> memref<24576x64xbf16, #tpu.memory_space<hbm>>
        tpu.wait_indirect_dma semaphore(%arg35 : memref<!tpu.dma_semaphore, #tpu.memory_space<semaphore_mem>>) src(%dma_wait3A_275 : memref<24576x64xbf16, #tpu.memory_space<hbm>>) dst(%arg16 : memref<128x64xbf16, #tpu.memory_space<vmem>>)
        %scan3A_276 = arith.constant 0 : i32
        %scan3A_277 = arith.constant 128 : i32
        %scan3A_278 = arith.addi %scan3A_276, %scan3A_277 : i32
        %scan3A_279 = arith.constant 1 : i32
        scf.for %scan3A_288 = %scan3A_276 to %scan3A_278 step %scan3A_279  : i32 {
          %mul3A_289 = arith.constant 1 : i32
          %mul3A_290 = arith.muli %scan3A_288, %mul3A_289 : i32
          %add3A_291 = arith.constant 0 : i32
          %add3A_292 = arith.addi %add3A_291, %mul3A_290 : i32
          %get3A = arith.index_cast %add3A_292 : i32 to index
          %get3A_293 = arith.constant 0 : index
          %get3A_294 = tpu.vector_load %arg16[%get3A, %get3A_293] {strides = array<i32>} : memref<128x64xbf16, #tpu.memory_space<vmem>>, vector<32xbf16>,
          %bitcast3A = vector.bitcast %get3A_294 : vector<32xbf16> to vector<16xi32>
          %shift_left3A = arith.constant 16 : i32
          %shift_left3A_295 = vector.broadcast %shift_left3A : i32 to vector<16xi32>
          %shift_left3A_296 = arith.shli %bitcast3A, %shift_left3A_295 : vector<16xi32>
          %bitcast3A_297 = vector.bitcast %shift_left3A_296 : vector<16xi32> to vector<16xf32>
          %and3A = arith.constant -65536 : i32
          %and3A_298 = vector.broadcast %and3A : i32 to vector<16xi32>
          %and3A_299 = arith.andi %bitcast3A, %and3A_298 : vector<16xi32>
          %bitcast3A_300 = vector.bitcast %and3A_299 : vector<16xi32> to vector<16xf32>
          %swap3A = arith.index_cast %add3A_292 : i32 to index
          %swap3A_301 = arith.constant 0 : index
          %swap3A_302 = tpu.vector_load %arg22[%swap3A, %swap3A_301] {strides = array<i32>} : memref<128x64xf32, #tpu.memory_space<vmem>>, vector<16xf32>,
          tpu.vector_store %arg22[%swap3A, %swap3A_301], %bitcast3A_297 {strides = array<i32>} : memref<128x64xf32, #tpu.memory_space<vmem>>, vector<16xf32>,
          %swap3A_303 = arith.index_cast %add3A_292 : i32 to index
          %swap3A_304 = arith.constant 16 : index
          %swap3A_305 = tpu.vector_load %arg22[%swap3A_303, %swap3A_304] {strides = array<i32>} : memref<128x64xf32, #tpu.memory_space<vmem>>, vector<16xf32>,
          tpu.vector_store %arg22[%swap3A_303, %swap3A_304], %bitcast3A_300 {strides = array<i32>} : memref<128x64xf32, #tpu.memory_space<vmem>>, vector<16xf32>,
          %get3A_306 = arith.index_cast %add3A_292 : i32 to index
          %get3A_307 = arith.constant 32 : index
          %get3A_308 = tpu.vector_load %arg16[%get3A_306, %get3A_307] {strides = array<i32>} : memref<128x64xbf16, #tpu.memory_space<vmem>>, vector<32xbf16>,
          %bitcast3A_309 = vector.bitcast %get3A_308 : vector<32xbf16> to vector<16xi32>
          %shift_left3A_310 = arith.constant 16 : i32
          %shift_left3A_311 = vector.broadcast %shift_left3A_310 : i32 to vector<16xi32>
          %shift_left3A_312 = arith.shli %bitcast3A_309, %shift_left3A_311 : vector<16xi32>
          %bitcast3A_313 = vector.bitcast %shift_left3A_312 : vector<16xi32> to vector<16xf32>
          %and3A_314 = arith.constant -65536 : i32
          %and3A_315 = vector.broadcast %and3A_314 : i32 to vector<16xi32>
          %and3A_316 = arith.andi %bitcast3A_309, %and3A_315 : vector<16xi32>
          %bitcast3A_317 = vector.bitcast %and3A_316 : vector<16xi32> to vector<16xf32>
          %swap3A_318 = arith.index_cast %add3A_292 : i32 to index
          %swap3A_319 = arith.constant 32 : index
          %swap3A_320 = tpu.vector_load %arg22[%swap3A_318, %swap3A_319] {strides = array<i32>} : memref<128x64xf32, #tpu.memory_space<vmem>>, vector<16xf32>,
          tpu.vector_store %arg22[%swap3A_318, %swap3A_319], %bitcast3A_313 {strides = array<i32>} : memref<128x64xf32, #tpu.memory_space<vmem>>, vector<16xf32>,
          %swap3A_321 = arith.index_cast %add3A_292 : i32 to index
          %swap3A_322 = arith.constant 48 : index
          %swap3A_323 = tpu.vector_load %arg22[%swap3A_321, %swap3A_322] {strides = array<i32>} : memref<128x64xf32, #tpu.memory_space<vmem>>, vector<16xf32>,
          tpu.vector_store %arg22[%swap3A_321, %swap3A_322], %bitcast3A_317 {strides = array<i32>} : memref<128x64xf32, #tpu.memory_space<vmem>>, vector<16xf32>,
        }
        %scan3A_280 = arith.constant 128 : i32
        %dma_start3A_281 = arith.constant 1 : i32
        %dma_start3A_282 = arith.constant 0 : i32
        %dma_start3A_283 = tpu.memref_slice %arg10[%dma_start3A_281, %dma_start3A_282] : memref<2x128xi32, #tpu.memory_space<vmem>> -> memref<1x128xi32, #tpu.memory_space<vmem>>
        %dma_start3A_284 = tpu.memref_squeeze %dma_start3A_283 : memref<1x128xi32, #tpu.memory_space<vmem>> -> memref<128xi32, #tpu.memory_space<vmem>>
        %dma_start3A_285 = arith.constant 0 : i32
        %dma_start3A_286 = arith.constant 0 : i32
        %dma_start3A_287 = tpu.memref_slice %arg24[%dma_start3A_285, %dma_start3A_286] : memref<12288x64xf32, #tpu.memory_space<vmem_shared>> -> memref<12288x64xf32, #tpu.memory_space<vmem_shared>>
        tpu.enqueue_indirect_dma source(%arg22 : memref<128x64xf32, #tpu.memory_space<vmem>>) target(%dma_start3A_287 : memref<12288x64xf32, #tpu.memory_space<vmem_shared>>) offsets(%dma_start3A_284 : memref<128xi32, #tpu.memory_space<vmem>>) semaphore(%arg41 : memref<!tpu.dma_semaphore, #tpu.memory_space<semaphore_mem>>) {add = true}
      } else {
      }
      %add3A_248 = arith.constant 5 : i32
      %add3A_249 = arith.addi %add3A_145, %add3A_248 : i32
      %add3A_250 = arith.constant 4 : i32
      %add3A_251 = arith.addi %add3A_249, %add3A_250 : i32
      %lt3A_252 = arith.constant 160 : i32
      %lt3A_253 = arith.cmpi slt, %add3A_251, %lt3A_252 : i32
      %convert_element_type3A_254 = arith.extui %lt3A_253 : i1 to i32
      %cond3A_255 = arith.constant 0 : i32
      %cond3A_256 = arith.cmpi ne, %convert_element_type3A_254, %cond3A_255 : i32
      scf.if %cond3A_256 {
        %add3A_269 = arith.constant 4 : i32
        %add3A_270 = arith.addi %add3A_249, %add3A_269 : i32
        %sub3A = arith.constant 6 : i32
        %sub3A_271 = arith.subi %add3A_270, %sub3A : i32
        %ge3A = arith.constant 0 : i32
        %ge3A_272 = arith.cmpi sge, %sub3A_271, %ge3A : i32
        %convert_element_type3A_273 = arith.extui %ge3A_272 : i1 to i32
        %cond3A_274 = arith.constant 0 : i32
        %cond3A_275 = arith.cmpi ne, %convert_element_type3A_273, %cond3A_274 : i32
        scf.if %cond3A_275 {
          %dma_wait3A_287 = arith.constant 1 : i32
          %dma_wait3A_288 = arith.constant 0 : i32
          %dma_wait3A_289 = tpu.memref_slice %arg9[%dma_wait3A_287, %dma_wait3A_288] : memref<2x128xi32, #tpu.memory_space<vmem>> -> memref<1x128xi32, #tpu.memory_space<vmem>>
          %dma_wait3A_290 = tpu.memref_squeeze %dma_wait3A_289 : memref<1x128xi32, #tpu.memory_space<vmem>> -> memref<128xi32, #tpu.memory_space<vmem>>
          %dma_wait3A_291 = arith.constant 0 : i32
          %dma_wait3A_292 = arith.constant 0 : i32
          %dma_wait3A_293 = tpu.memref_slice %arg24[%dma_wait3A_291, %dma_wait3A_292] : memref<12288x64xf32, #tpu.memory_space<vmem_shared>> -> memref<12288x64xf32, #tpu.memory_space<vmem_shared>>
          tpu.wait_indirect_dma semaphore(%arg40 : memref<!tpu.dma_semaphore, #tpu.memory_space<semaphore_mem>>) src(%arg21 : memref<128x64xf32, #tpu.memory_space<vmem>>) dst(%dma_wait3A_293 : memref<12288x64xf32, #tpu.memory_space<vmem_shared>>)
        } else {
        }
        %add3A_276 = arith.constant 4 : i32
        %add3A_277 = arith.addi %add3A_249, %add3A_276 : i32
        %add3A_278 = arith.addi %mul3A_0, %add3A_277 : i32
        %dma_start3A_279 = arith.constant 0 : i32
        %dma_start3A_280 = arith.constant 0 : i32
        %dma_start3A_281 = tpu.memref_slice %arg3[%arg0, %add3A_278, %dma_start3A_279, %dma_start3A_280] : memref<2x2560x2x128xi32, #tpu.memory_space<hbm>> -> memref<1x1x2x128xi32, #tpu.memory_space<hbm>>
        %dma_start3A_282 = tpu.memref_squeeze %dma_start3A_281 : memref<1x1x2x128xi32, #tpu.memory_space<hbm>> -> memref<2x128xi32, #tpu.memory_space<hbm>>
        %dma_start3A_283 = arith.constant 0 : i32
        %dma_start3A_284 = arith.constant 0 : i32
        %dma_start3A_285 = tpu.memref_slice %arg3[%arg0, %add3A_278, %dma_start3A_283, %dma_start3A_284] : memref<2x2560x2x128xi32, #tpu.memory_space<hbm>> -> memref<1x1x2x128xi32, #tpu.memory_space<hbm>>
        %dma_start3A_286 = tpu.memref_squeeze %dma_start3A_285 : memref<1x1x2x128xi32, #tpu.memory_space<hbm>> -> memref<2x128xi32, #tpu.memory_space<hbm>>
        tpu.enqueue_dma source(%dma_start3A_286 : memref<2x128xi32, #tpu.memory_space<hbm>>) target(%arg9 : memref<2x128xi32, #tpu.memory_space<vmem>>) target_semaphore(%arg28 : memref<!tpu.dma_semaphore, #tpu.memory_space<semaphore_mem>>)
      } else {
      }
      %add3A_257 = arith.constant 3 : i32
      %add3A_258 = arith.addi %add3A_249, %add3A_257 : i32
      %lt3A_259 = arith.constant 160 : i32
      %lt3A_260 = arith.cmpi slt, %add3A_258, %lt3A_259 : i32
      %convert_element_type3A_261 = arith.extui %lt3A_260 : i1 to i32
      %cond3A_262 = arith.constant 0 : i32
      %cond3A_263 = arith.cmpi ne, %convert_element_type3A_261, %cond3A_262 : i32
      scf.if %cond3A_263 {
        %dma_wait3A_269 = arith.constant 0 : i32
        %dma_wait3A_270 = arith.constant 0 : i32
        %dma_wait3A_271 = arith.constant 0 : i32
        %dma_wait3A_272 = arith.constant 0 : i32
        %dma_wait3A_273 = tpu.memref_slice %arg3[%dma_wait3A_269, %dma_wait3A_270, %dma_wait3A_271, %dma_wait3A_272] : memref<2x2560x2x128xi32, #tpu.memory_space<hbm>> -> memref<1x1x2x128xi32, #tpu.memory_space<hbm>>
        %dma_wait3A_274 = tpu.memref_squeeze %dma_wait3A_273 : memref<1x1x2x128xi32, #tpu.memory_space<hbm>> -> memref<2x128xi32, #tpu.memory_space<hbm>>
        %dma_wait3A_275 = arith.constant 0 : i32
        %dma_wait3A_276 = arith.constant 0 : i32
        %dma_wait3A_277 = tpu.memref_slice %arg3[%dma_wait3A_269, %dma_wait3A_270, %dma_wait3A_275, %dma_wait3A_276] : memref<2x2560x2x128xi32, #tpu.memory_space<hbm>> -> memref<1x1x2x128xi32, #tpu.memory_space<hbm>>
        %dma_wait3A_278 = tpu.memref_squeeze %dma_wait3A_277 : memref<1x1x2x128xi32, #tpu.memory_space<hbm>> -> memref<2x128xi32, #tpu.memory_space<hbm>>
        tpu.wait_dma2 semaphore(%arg27 : memref<!tpu.dma_semaphore, #tpu.memory_space<semaphore_mem>>) src(%dma_wait3A_278 : memref<2x128xi32, #tpu.memory_space<hbm>>) dst(%arg8 : memref<2x128xi32, #tpu.memory_space<vmem>>)
        %add3A_279 = arith.constant 3 : i32
        %add3A_280 = arith.addi %add3A_249, %add3A_279 : i32
        %dma_start3A_281 = arith.constant 0 : i32
        %dma_start3A_282 = arith.constant 0 : i32
        %dma_start3A_283 = tpu.memref_slice %arg8[%dma_start3A_281, %dma_start3A_282] : memref<2x128xi32, #tpu.memory_space<vmem>> -> memref<1x128xi32, #tpu.memory_space<vmem>>
        %dma_start3A_284 = tpu.memref_squeeze %dma_start3A_283 : memref<1x128xi32, #tpu.memory_space<vmem>> -> memref<128xi32, #tpu.memory_space<vmem>>
        %dma_start3A_285 = arith.constant 0 : i32
        %dma_start3A_286 = arith.constant 0 : i32
        %dma_start3A_287 = tpu.memref_slice %arg2[%dma_start3A_285, %dma_start3A_286] : memref<24576x64xbf16, #tpu.memory_space<hbm>> -> memref<24576x64xbf16, #tpu.memory_space<hbm>>
        tpu.enqueue_indirect_dma source(%dma_start3A_287 : memref<24576x64xbf16, #tpu.memory_space<hbm>>) target(%arg14 : memref<128x64xbf16, #tpu.memory_space<vmem>>) offsets(%dma_start3A_284 : memref<128xi32, #tpu.memory_space<vmem>>) semaphore(%arg33 : memref<!tpu.dma_semaphore, #tpu.memory_space<semaphore_mem>>)
      } else {
      }
      %lt3A_264 = arith.constant 160 : i32
      %lt3A_265 = arith.cmpi slt, %add3A_249, %lt3A_264 : i32
      %convert_element_type3A_266 = arith.extui %lt3A_265 : i1 to i32
      %cond3A_267 = arith.constant 0 : i32
      %cond3A_268 = arith.cmpi ne, %convert_element_type3A_266, %cond3A_267 : i32
      scf.if %cond3A_268 {
        %dma_wait3A_269 = arith.constant 0 : i32
        %dma_wait3A_270 = arith.constant 0 : i32
        %dma_wait3A_271 = tpu.memref_slice %arg11[%dma_wait3A_269, %dma_wait3A_270] : memref<2x128xi32, #tpu.memory_space<vmem>> -> memref<1x128xi32, #tpu.memory_space<vmem>>
        %dma_wait3A_272 = tpu.memref_squeeze %dma_wait3A_271 : memref<1x128xi32, #tpu.memory_space<vmem>> -> memref<128xi32, #tpu.memory_space<vmem>>
        %dma_wait3A_273 = arith.constant 0 : i32
        %dma_wait3A_274 = arith.constant 0 : i32
        %dma_wait3A_275 = tpu.memref_slice %arg2[%dma_wait3A_273, %dma_wait3A_274] : memref<24576x64xbf16, #tpu.memory_space<hbm>> -> memref<24576x64xbf16, #tpu.memory_space<hbm>>
        tpu.wait_indirect_dma semaphore(%arg36 : memref<!tpu.dma_semaphore, #tpu.memory_space<semaphore_mem>>) src(%dma_wait3A_275 : memref<24576x64xbf16, #tpu.memory_space<hbm>>) dst(%arg17 : memref<128x64xbf16, #tpu.memory_space<vmem>>)
        %scan3A_276 = arith.constant 0 : i32
        %scan3A_277 = arith.constant 128 : i32
        %scan3A_278 = arith.addi %scan3A_276, %scan3A_277 : i32
        %scan3A_279 = arith.constant 1 : i32
        scf.for %scan3A_288 = %scan3A_276 to %scan3A_278 step %scan3A_279  : i32 {
          %mul3A_289 = arith.constant 1 : i32
          %mul3A_290 = arith.muli %scan3A_288, %mul3A_289 : i32
          %add3A_291 = arith.constant 0 : i32
          %add3A_292 = arith.addi %add3A_291, %mul3A_290 : i32
          %get3A = arith.index_cast %add3A_292 : i32 to index
          %get3A_293 = arith.constant 0 : index
          %get3A_294 = tpu.vector_load %arg17[%get3A, %get3A_293] {strides = array<i32>} : memref<128x64xbf16, #tpu.memory_space<vmem>>, vector<32xbf16>,
          %bitcast3A = vector.bitcast %get3A_294 : vector<32xbf16> to vector<16xi32>
          %shift_left3A = arith.constant 16 : i32
          %shift_left3A_295 = vector.broadcast %shift_left3A : i32 to vector<16xi32>
          %shift_left3A_296 = arith.shli %bitcast3A, %shift_left3A_295 : vector<16xi32>
          %bitcast3A_297 = vector.bitcast %shift_left3A_296 : vector<16xi32> to vector<16xf32>
          %and3A = arith.constant -65536 : i32
          %and3A_298 = vector.broadcast %and3A : i32 to vector<16xi32>
          %and3A_299 = arith.andi %bitcast3A, %and3A_298 : vector<16xi32>
          %bitcast3A_300 = vector.bitcast %and3A_299 : vector<16xi32> to vector<16xf32>
          %swap3A = arith.index_cast %add3A_292 : i32 to index
          %swap3A_301 = arith.constant 0 : index
          %swap3A_302 = tpu.vector_load %arg23[%swap3A, %swap3A_301] {strides = array<i32>} : memref<128x64xf32, #tpu.memory_space<vmem>>, vector<16xf32>,
          tpu.vector_store %arg23[%swap3A, %swap3A_301], %bitcast3A_297 {strides = array<i32>} : memref<128x64xf32, #tpu.memory_space<vmem>>, vector<16xf32>,
          %swap3A_303 = arith.index_cast %add3A_292 : i32 to index
          %swap3A_304 = arith.constant 16 : index
          %swap3A_305 = tpu.vector_load %arg23[%swap3A_303, %swap3A_304] {strides = array<i32>} : memref<128x64xf32, #tpu.memory_space<vmem>>, vector<16xf32>,
          tpu.vector_store %arg23[%swap3A_303, %swap3A_304], %bitcast3A_300 {strides = array<i32>} : memref<128x64xf32, #tpu.memory_space<vmem>>, vector<16xf32>,
          %get3A_306 = arith.index_cast %add3A_292 : i32 to index
          %get3A_307 = arith.constant 32 : index
          %get3A_308 = tpu.vector_load %arg17[%get3A_306, %get3A_307] {strides = array<i32>} : memref<128x64xbf16, #tpu.memory_space<vmem>>, vector<32xbf16>,
          %bitcast3A_309 = vector.bitcast %get3A_308 : vector<32xbf16> to vector<16xi32>
          %shift_left3A_310 = arith.constant 16 : i32
          %shift_left3A_311 = vector.broadcast %shift_left3A_310 : i32 to vector<16xi32>
          %shift_left3A_312 = arith.shli %bitcast3A_309, %shift_left3A_311 : vector<16xi32>
          %bitcast3A_313 = vector.bitcast %shift_left3A_312 : vector<16xi32> to vector<16xf32>
          %and3A_314 = arith.constant -65536 : i32
          %and3A_315 = vector.broadcast %and3A_314 : i32 to vector<16xi32>
          %and3A_316 = arith.andi %bitcast3A_309, %and3A_315 : vector<16xi32>
          %bitcast3A_317 = vector.bitcast %and3A_316 : vector<16xi32> to vector<16xf32>
          %swap3A_318 = arith.index_cast %add3A_292 : i32 to index
          %swap3A_319 = arith.constant 32 : index
          %swap3A_320 = tpu.vector_load %arg23[%swap3A_318, %swap3A_319] {strides = array<i32>} : memref<128x64xf32, #tpu.memory_space<vmem>>, vector<16xf32>,
          tpu.vector_store %arg23[%swap3A_318, %swap3A_319], %bitcast3A_313 {strides = array<i32>} : memref<128x64xf32, #tpu.memory_space<vmem>>, vector<16xf32>,
          %swap3A_321 = arith.index_cast %add3A_292 : i32 to index
          %swap3A_322 = arith.constant 48 : index
          %swap3A_323 = tpu.vector_load %arg23[%swap3A_321, %swap3A_322] {strides = array<i32>} : memref<128x64xf32, #tpu.memory_space<vmem>>, vector<16xf32>,
          tpu.vector_store %arg23[%swap3A_321, %swap3A_322], %bitcast3A_317 {strides = array<i32>} : memref<128x64xf32, #tpu.memory_space<vmem>>, vector<16xf32>,
        }
        %scan3A_280 = arith.constant 128 : i32
        %dma_start3A_281 = arith.constant 1 : i32
        %dma_start3A_282 = arith.constant 0 : i32
        %dma_start3A_283 = tpu.memref_slice %arg11[%dma_start3A_281, %dma_start3A_282] : memref<2x128xi32, #tpu.memory_space<vmem>> -> memref<1x128xi32, #tpu.memory_space<vmem>>
        %dma_start3A_284 = tpu.memref_squeeze %dma_start3A_283 : memref<1x128xi32, #tpu.memory_space<vmem>> -> memref<128xi32, #tpu.memory_space<vmem>>
        %dma_start3A_285 = arith.constant 0 : i32
        %dma_start3A_286 = arith.constant 0 : i32
        %dma_start3A_287 = tpu.memref_slice %arg24[%dma_start3A_285, %dma_start3A_286] : memref<12288x64xf32, #tpu.memory_space<vmem_shared>> -> memref<12288x64xf32, #tpu.memory_space<vmem_shared>>
        tpu.enqueue_indirect_dma source(%arg23 : memref<128x64xf32, #tpu.memory_space<vmem>>) target(%dma_start3A_287 : memref<12288x64xf32, #tpu.memory_space<vmem_shared>>) offsets(%dma_start3A_284 : memref<128xi32, #tpu.memory_space<vmem>>) semaphore(%arg42 : memref<!tpu.dma_semaphore, #tpu.memory_space<semaphore_mem>>) {add = true}
      } else {
      }
    }
    %scan3A_94 = arith.constant 27 : i32
    %dma_wait3A_95 = arith.constant 1 : i32
    %dma_wait3A_96 = arith.constant 0 : i32
    %dma_wait3A_97 = tpu.memref_slice %arg6[%dma_wait3A_95, %dma_wait3A_96] : memref<2x128xi32, #tpu.memory_space<vmem>> -> memref<1x128xi32, #tpu.memory_space<vmem>>
    %dma_wait3A_98 = tpu.memref_squeeze %dma_wait3A_97 : memref<1x128xi32, #tpu.memory_space<vmem>> -> memref<128xi32, #tpu.memory_space<vmem>>
    %dma_wait3A_99 = arith.constant 0 : i32
    %dma_wait3A_100 = arith.constant 0 : i32
    %dma_wait3A_101 = tpu.memref_slice %arg24[%dma_wait3A_99, %dma_wait3A_100] : memref<12288x64xf32, #tpu.memory_space<vmem_shared>> -> memref<12288x64xf32, #tpu.memory_space<vmem_shared>>
    tpu.wait_indirect_dma semaphore(%arg37 : memref<!tpu.dma_semaphore, #tpu.memory_space<semaphore_mem>>) src(%arg18 : memref<128x64xf32, #tpu.memory_space<vmem>>) dst(%dma_wait3A_101 : memref<12288x64xf32, #tpu.memory_space<vmem_shared>>)
    %dma_wait3A_102 = arith.constant 1 : i32
    %dma_wait3A_103 = arith.constant 0 : i32
    %dma_wait3A_104 = tpu.memref_slice %arg7[%dma_wait3A_102, %dma_wait3A_103] : memref<2x128xi32, #tpu.memory_space<vmem>> -> memref<1x128xi32, #tpu.memory_space<vmem>>
    %dma_wait3A_105 = tpu.memref_squeeze %dma_wait3A_104 : memref<1x128xi32, #tpu.memory_space<vmem>> -> memref<128xi32, #tpu.memory_space<vmem>>
    %dma_wait3A_106 = arith.constant 0 : i32
    %dma_wait3A_107 = arith.constant 0 : i32
    %dma_wait3A_108 = tpu.memref_slice %arg24[%dma_wait3A_106, %dma_wait3A_107] : memref<12288x64xf32, #tpu.memory_space<vmem_shared>> -> memref<12288x64xf32, #tpu.memory_space<vmem_shared>>
    tpu.wait_indirect_dma semaphore(%arg38 : memref<!tpu.dma_semaphore, #tpu.memory_space<semaphore_mem>>) src(%arg19 : memref<128x64xf32, #tpu.memory_space<vmem>>) dst(%dma_wait3A_108 : memref<12288x64xf32, #tpu.memory_space<vmem_shared>>)
    %dma_wait3A_109 = arith.constant 1 : i32
    %dma_wait3A_110 = arith.constant 0 : i32
    %dma_wait3A_111 = tpu.memref_slice %arg8[%dma_wait3A_109, %dma_wait3A_110] : memref<2x128xi32, #tpu.memory_space<vmem>> -> memref<1x128xi32, #tpu.memory_space<vmem>>
    %dma_wait3A_112 = tpu.memref_squeeze %dma_wait3A_111 : memref<1x128xi32, #tpu.memory_space<vmem>> -> memref<128xi32, #tpu.memory_space<vmem>>
    %dma_wait3A_113 = arith.constant 0 : i32
    %dma_wait3A_114 = arith.constant 0 : i32
    %dma_wait3A_115 = tpu.memref_slice %arg24[%dma_wait3A_113, %dma_wait3A_114] : memref<12288x64xf32, #tpu.memory_space<vmem_shared>> -> memref<12288x64xf32, #tpu.memory_space<vmem_shared>>
    tpu.wait_indirect_dma semaphore(%arg39 : memref<!tpu.dma_semaphore, #tpu.memory_space<semaphore_mem>>) src(%arg20 : memref<128x64xf32, #tpu.memory_space<vmem>>) dst(%dma_wait3A_115 : memref<12288x64xf32, #tpu.memory_space<vmem_shared>>)
    %dma_wait3A_116 = arith.constant 1 : i32
    %dma_wait3A_117 = arith.constant 0 : i32
    %dma_wait3A_118 = tpu.memref_slice %arg9[%dma_wait3A_116, %dma_wait3A_117] : memref<2x128xi32, #tpu.memory_space<vmem>> -> memref<1x128xi32, #tpu.memory_space<vmem>>
    %dma_wait3A_119 = tpu.memref_squeeze %dma_wait3A_118 : memref<1x128xi32, #tpu.memory_space<vmem>> -> memref<128xi32, #tpu.memory_space<vmem>>
    %dma_wait3A_120 = arith.constant 0 : i32
    %dma_wait3A_121 = arith.constant 0 : i32
    %dma_wait3A_122 = tpu.memref_slice %arg24[%dma_wait3A_120, %dma_wait3A_121] : memref<12288x64xf32, #tpu.memory_space<vmem_shared>> -> memref<12288x64xf32, #tpu.memory_space<vmem_shared>>
    tpu.wait_indirect_dma semaphore(%arg40 : memref<!tpu.dma_semaphore, #tpu.memory_space<semaphore_mem>>) src(%arg21 : memref<128x64xf32, #tpu.memory_space<vmem>>) dst(%dma_wait3A_122 : memref<12288x64xf32, #tpu.memory_space<vmem_shared>>)
    %dma_wait3A_123 = arith.constant 1 : i32
    %dma_wait3A_124 = arith.constant 0 : i32
    %dma_wait3A_125 = tpu.memref_slice %arg10[%dma_wait3A_123, %dma_wait3A_124] : memref<2x128xi32, #tpu.memory_space<vmem>> -> memref<1x128xi32, #tpu.memory_space<vmem>>
    %dma_wait3A_126 = tpu.memref_squeeze %dma_wait3A_125 : memref<1x128xi32, #tpu.memory_space<vmem>> -> memref<128xi32, #tpu.memory_space<vmem>>
    %dma_wait3A_127 = arith.constant 0 : i32
    %dma_wait3A_128 = arith.constant 0 : i32
    %dma_wait3A_129 = tpu.memref_slice %arg24[%dma_wait3A_127, %dma_wait3A_128] : memref<12288x64xf32, #tpu.memory_space<vmem_shared>> -> memref<12288x64xf32, #tpu.memory_space<vmem_shared>>
    tpu.wait_indirect_dma semaphore(%arg41 : memref<!tpu.dma_semaphore, #tpu.memory_space<semaphore_mem>>) src(%arg22 : memref<128x64xf32, #tpu.memory_space<vmem>>) dst(%dma_wait3A_129 : memref<12288x64xf32, #tpu.memory_space<vmem_shared>>)
    %dma_wait3A_130 = arith.constant 1 : i32
    %dma_wait3A_131 = arith.constant 0 : i32
    %dma_wait3A_132 = tpu.memref_slice %arg11[%dma_wait3A_130, %dma_wait3A_131] : memref<2x128xi32, #tpu.memory_space<vmem>> -> memref<1x128xi32, #tpu.memory_space<vmem>>
    %dma_wait3A_133 = tpu.memref_squeeze %dma_wait3A_132 : memref<1x128xi32, #tpu.memory_space<vmem>> -> memref<128xi32, #tpu.memory_space<vmem>>
    %dma_wait3A_134 = arith.constant 0 : i32
    %dma_wait3A_135 = arith.constant 0 : i32
    %dma_wait3A_136 = tpu.memref_slice %arg24[%dma_wait3A_134, %dma_wait3A_135] : memref<12288x64xf32, #tpu.memory_space<vmem_shared>> -> memref<12288x64xf32, #tpu.memory_space<vmem_shared>>
    tpu.wait_indirect_dma semaphore(%arg42 : memref<!tpu.dma_semaphore, #tpu.memory_space<semaphore_mem>>) src(%arg23 : memref<128x64xf32, #tpu.memory_space<vmem>>) dst(%dma_wait3A_136 : memref<12288x64xf32, #tpu.memory_space<vmem_shared>>)
    %barrier3A_137 = arith.constant 0 : index
    tpu.barrier barrier_id(%barrier3A_137)
    %mul3A_138 = arith.constant 12288 : i32
    %mul3A_139 = arith.muli %arg0, %mul3A_138 : i32
    %add3A_140 = arith.addi %mul3A_139, %mul3A_2 : i32
    "tpu.region"() ({
      %run_scoped3A = tpu.sem_alloc : memref<!tpu.dma_semaphore, #tpu.memory_space<semaphore_mem>>
      %dma_start3A_141 = arith.constant 0 : i32
      %dma_start3A_142 = tpu.memref_slice %arg5[%add3A_140, %dma_start3A_141] : memref<24576x64xf32, #tpu.memory_space<hbm>> -> memref<768x64xf32, #tpu.memory_space<hbm>>
      %dma_start3A_143 = arith.constant 0 : i32
      %dma_start3A_144 = tpu.memref_slice %arg24[%mul3A_2, %dma_start3A_143] : memref<12288x64xf32, #tpu.memory_space<vmem_shared>> -> memref<768x64xf32, #tpu.memory_space<vmem_shared>>
      tpu.enqueue_dma source(%dma_start3A_144 : memref<768x64xf32, #tpu.memory_space<vmem_shared>>) target(%dma_start3A_142 : memref<768x64xf32, #tpu.memory_space<hbm>>) target_semaphore(%run_scoped3A : memref<!tpu.dma_semaphore, #tpu.memory_space<semaphore_mem>>)
      %dma_wait3A_145 = arith.constant 0 : i32
      %dma_wait3A_146 = tpu.memref_slice %arg5[%add3A_140, %dma_wait3A_145] : memref<24576x64xf32, #tpu.memory_space<hbm>> -> memref<768x64xf32, #tpu.memory_space<hbm>>
      %dma_wait3A_147 = arith.constant 0 : i32
      %dma_wait3A_148 = tpu.memref_slice %arg24[%mul3A_2, %dma_wait3A_147] : memref<12288x64xf32, #tpu.memory_space<vmem_shared>> -> memref<768x64xf32, #tpu.memory_space<vmem_shared>>
      tpu.wait_dma2 semaphore(%run_scoped3A : memref<!tpu.dma_semaphore, #tpu.memory_space<semaphore_mem>>) src(%dma_wait3A_148 : memref<768x64xf32, #tpu.memory_space<vmem_shared>>) dst(%dma_wait3A_146 : memref<768x64xf32, #tpu.memory_space<hbm>>)
      tpu.yield
    }) : () -> ()
    return
  }
}

#map = affine_map<(d0, d1) -> (0, 0)>
#map1 = affine_map<(d0, d1) -> (0, 0, 0)>
module attributes {stable_mosaic.version = 14 : i64} {
  func.func @body(%arg0: i32, %arg1: i32, %arg2: memref<2560x128xi32, #tpu.memory_space<hbm>>, %arg3: memref<768x8xf32, #tpu.memory_space<hbm>>, %arg4: memref<128x8xf32, #tpu.memory_space<hbm>>, %arg5: memref<2x12288x8xf32, #tpu.memory_space<hbm>>, %arg6: memref<80x128xi32, #tpu.memory_space<vmem>>, %arg7: memref<128x8xf32, #tpu.memory_space<vmem>>, %arg8: memref<12288x8xf32, #tpu.memory_space<vmem_shared>>) attributes {dimension_semantics = [#tpu.dimension_semantics<core_parallel>, #tpu.dimension_semantics<subcore_parallel>], iteration_bounds = array<i64: 2, 16>, scalar_prefetch = 0 : i64, scratch_operands = 3 : i64, tpu.core_type = #tpu.core_type<sc_vector_subcore>, window_params = [{transform_indices = #map}, {transform_indices = #map}, {transform_indices = #map}, {transform_indices = #map1}]} {
    %mul3A = arith.constant 16 : i32
    %mul3A_0 = arith.muli %arg0, %mul3A : i32
    %add3A = arith.addi %mul3A_0, %arg1 : i32
    %mul3A_1 = arith.constant 80 : i32
    %mul3A_2 = arith.muli %add3A, %mul3A_1 : i32
    %mul3A_3 = arith.constant 768 : i32
    %mul3A_4 = arith.muli %arg1, %mul3A_3 : i32
    "tpu.region"() ({
      %run_scoped3A = tpu.sem_alloc : memref<!tpu.dma_semaphore, #tpu.memory_space<semaphore_mem>>
      %dma_start3A = arith.constant 0 : i32
      %dma_start3A_10 = tpu.memref_slice %arg2[%mul3A_2, %dma_start3A] : memref<2560x128xi32, #tpu.memory_space<hbm>> -> memref<80x128xi32, #tpu.memory_space<hbm>>
      %dma_start3A_11 = arith.constant 0 : i32
      %dma_start3A_12 = tpu.memref_slice %arg2[%mul3A_2, %dma_start3A_11] : memref<2560x128xi32, #tpu.memory_space<hbm>> -> memref<80x128xi32, #tpu.memory_space<hbm>>
      tpu.enqueue_dma source(%dma_start3A_12 : memref<80x128xi32, #tpu.memory_space<hbm>>) target(%arg6 : memref<80x128xi32, #tpu.memory_space<vmem>>) target_semaphore(%run_scoped3A : memref<!tpu.dma_semaphore, #tpu.memory_space<semaphore_mem>>)
      %dma_wait3A = arith.constant 0 : i32
      %dma_wait3A_13 = tpu.memref_slice %arg2[%mul3A_2, %dma_wait3A] : memref<2560x128xi32, #tpu.memory_space<hbm>> -> memref<80x128xi32, #tpu.memory_space<hbm>>
      %dma_wait3A_14 = arith.constant 0 : i32
      %dma_wait3A_15 = tpu.memref_slice %arg2[%mul3A_2, %dma_wait3A_14] : memref<2560x128xi32, #tpu.memory_space<hbm>> -> memref<80x128xi32, #tpu.memory_space<hbm>>
      tpu.wait_dma2 semaphore(%run_scoped3A : memref<!tpu.dma_semaphore, #tpu.memory_space<semaphore_mem>>) src(%dma_wait3A_15 : memref<80x128xi32, #tpu.memory_space<hbm>>) dst(%arg6 : memref<80x128xi32, #tpu.memory_space<vmem>>)
      tpu.yield
    }) : () -> ()
    "tpu.region"() ({
      %run_scoped3A = tpu.sem_alloc : memref<!tpu.dma_semaphore, #tpu.memory_space<semaphore_mem>>
      tpu.enqueue_dma source(%arg4 : memref<128x8xf32, #tpu.memory_space<hbm>>) target(%arg7 : memref<128x8xf32, #tpu.memory_space<vmem>>) target_semaphore(%run_scoped3A : memref<!tpu.dma_semaphore, #tpu.memory_space<semaphore_mem>>)
      tpu.wait_dma2 semaphore(%run_scoped3A : memref<!tpu.dma_semaphore, #tpu.memory_space<semaphore_mem>>) src(%arg4 : memref<128x8xf32, #tpu.memory_space<hbm>>) dst(%arg7 : memref<128x8xf32, #tpu.memory_space<vmem>>)
      tpu.yield
    }) : () -> ()
    "tpu.region"() ({
      %run_scoped3A = tpu.sem_alloc : memref<!tpu.dma_semaphore, #tpu.memory_space<semaphore_mem>>
      %dma_start3A = arith.constant 0 : i32
      %dma_start3A_10 = tpu.memref_slice %arg8[%mul3A_4, %dma_start3A] : memref<12288x8xf32, #tpu.memory_space<vmem_shared>> -> memref<768x8xf32, #tpu.memory_space<vmem_shared>>
      tpu.enqueue_dma source(%arg3 : memref<768x8xf32, #tpu.memory_space<hbm>>) target(%dma_start3A_10 : memref<768x8xf32, #tpu.memory_space<vmem_shared>>) target_semaphore(%run_scoped3A : memref<!tpu.dma_semaphore, #tpu.memory_space<semaphore_mem>>)
      %dma_wait3A = arith.constant 0 : i32
      %dma_wait3A_11 = tpu.memref_slice %arg8[%mul3A_4, %dma_wait3A] : memref<12288x8xf32, #tpu.memory_space<vmem_shared>> -> memref<768x8xf32, #tpu.memory_space<vmem_shared>>
      tpu.wait_dma2 semaphore(%run_scoped3A : memref<!tpu.dma_semaphore, #tpu.memory_space<semaphore_mem>>) src(%arg3 : memref<768x8xf32, #tpu.memory_space<hbm>>) dst(%dma_wait3A_11 : memref<768x8xf32, #tpu.memory_space<vmem_shared>>)
      tpu.yield
    }) : () -> ()
    %barrier3A = arith.constant 0 : index
    tpu.barrier barrier_id(%barrier3A)
    %scan3A = arith.constant 0 : i32
    %scan3A_5 = arith.constant 80 : i32
    %scan3A_6 = arith.addi %scan3A, %scan3A_5 : i32
    %scan3A_7 = arith.constant 1 : i32
    scf.for %scan3A_10 = %scan3A to %scan3A_6 step %scan3A_7  : i32 {
      %mul3A_11 = arith.constant 1 : i32
      %mul3A_12 = arith.muli %scan3A_10, %mul3A_11 : i32
      %add3A_13 = arith.constant 0 : i32
      %add3A_14 = arith.addi %add3A_13, %mul3A_12 : i32
      "tpu.region"() ({
        %run_scoped3A = tpu.sem_alloc : memref<!tpu.dma_semaphore, #tpu.memory_space<semaphore_mem>>
        %dma_start3A = arith.constant 0 : i32
        %dma_start3A_15 = tpu.memref_slice %arg6[%add3A_14, %dma_start3A] : memref<80x128xi32, #tpu.memory_space<vmem>> -> memref<1x128xi32, #tpu.memory_space<vmem>>
        %dma_start3A_16 = tpu.memref_squeeze %dma_start3A_15 : memref<1x128xi32, #tpu.memory_space<vmem>> -> memref<128xi32, #tpu.memory_space<vmem>>
        %dma_start3A_17 = arith.constant 0 : i32
        %dma_start3A_18 = arith.constant 0 : i32
        %dma_start3A_19 = tpu.memref_slice %arg8[%dma_start3A_17, %dma_start3A_18] : memref<12288x8xf32, #tpu.memory_space<vmem_shared>> -> memref<12288x8xf32, #tpu.memory_space<vmem_shared>>
        tpu.enqueue_indirect_dma source(%arg7 : memref<128x8xf32, #tpu.memory_space<vmem>>) target(%dma_start3A_19 : memref<12288x8xf32, #tpu.memory_space<vmem_shared>>) offsets(%dma_start3A_16 : memref<128xi32, #tpu.memory_space<vmem>>) semaphore(%run_scoped3A : memref<!tpu.dma_semaphore, #tpu.memory_space<semaphore_mem>>) {add = true}
        %dma_wait3A = arith.constant 0 : i32
        %dma_wait3A_20 = tpu.memref_slice %arg6[%add3A_14, %dma_wait3A] : memref<80x128xi32, #tpu.memory_space<vmem>> -> memref<1x128xi32, #tpu.memory_space<vmem>>
        %dma_wait3A_21 = tpu.memref_squeeze %dma_wait3A_20 : memref<1x128xi32, #tpu.memory_space<vmem>> -> memref<128xi32, #tpu.memory_space<vmem>>
        %dma_wait3A_22 = arith.constant 0 : i32
        %dma_wait3A_23 = arith.constant 0 : i32
        %dma_wait3A_24 = tpu.memref_slice %arg8[%dma_wait3A_22, %dma_wait3A_23] : memref<12288x8xf32, #tpu.memory_space<vmem_shared>> -> memref<12288x8xf32, #tpu.memory_space<vmem_shared>>
        tpu.wait_indirect_dma semaphore(%run_scoped3A : memref<!tpu.dma_semaphore, #tpu.memory_space<semaphore_mem>>) src(%arg7 : memref<128x8xf32, #tpu.memory_space<vmem>>) dst(%dma_wait3A_24 : memref<12288x8xf32, #tpu.memory_space<vmem_shared>>)
        tpu.yield
      }) : () -> ()
    }
    %scan3A_8 = arith.constant 80 : i32
    %barrier3A_9 = arith.constant 0 : index
    tpu.barrier barrier_id(%barrier3A_9)
    "tpu.region"() ({
      %run_scoped3A = tpu.sem_alloc : memref<!tpu.dma_semaphore, #tpu.memory_space<semaphore_mem>>
      %dma_start3A = arith.constant 0 : i32
      %dma_start3A_10 = tpu.memref_slice %arg5[%arg0, %mul3A_4, %dma_start3A] : memref<2x12288x8xf32, #tpu.memory_space<hbm>> -> memref<1x768x8xf32, #tpu.memory_space<hbm>>
      %dma_start3A_11 = tpu.memref_squeeze %dma_start3A_10 : memref<1x768x8xf32, #tpu.memory_space<hbm>> -> memref<768x8xf32, #tpu.memory_space<hbm>>
      %dma_start3A_12 = arith.constant 0 : i32
      %dma_start3A_13 = tpu.memref_slice %arg8[%mul3A_4, %dma_start3A_12] : memref<12288x8xf32, #tpu.memory_space<vmem_shared>> -> memref<768x8xf32, #tpu.memory_space<vmem_shared>>
      tpu.enqueue_dma source(%dma_start3A_13 : memref<768x8xf32, #tpu.memory_space<vmem_shared>>) target(%dma_start3A_11 : memref<768x8xf32, #tpu.memory_space<hbm>>) target_semaphore(%run_scoped3A : memref<!tpu.dma_semaphore, #tpu.memory_space<semaphore_mem>>)
      %dma_wait3A = arith.constant 0 : i32
      %dma_wait3A_14 = tpu.memref_slice %arg5[%arg0, %mul3A_4, %dma_wait3A] : memref<2x12288x8xf32, #tpu.memory_space<hbm>> -> memref<1x768x8xf32, #tpu.memory_space<hbm>>
      %dma_wait3A_15 = tpu.memref_squeeze %dma_wait3A_14 : memref<1x768x8xf32, #tpu.memory_space<hbm>> -> memref<768x8xf32, #tpu.memory_space<hbm>>
      %dma_wait3A_16 = arith.constant 0 : i32
      %dma_wait3A_17 = tpu.memref_slice %arg8[%mul3A_4, %dma_wait3A_16] : memref<12288x8xf32, #tpu.memory_space<vmem_shared>> -> memref<768x8xf32, #tpu.memory_space<vmem_shared>>
      tpu.wait_dma2 semaphore(%run_scoped3A : memref<!tpu.dma_semaphore, #tpu.memory_space<semaphore_mem>>) src(%dma_wait3A_17 : memref<768x8xf32, #tpu.memory_space<vmem_shared>>) dst(%dma_wait3A_15 : memref<768x8xf32, #tpu.memory_space<hbm>>)
      tpu.yield
    }) : () -> ()
    return
  }
}

module attributes {stable_mosaic.version = 14 : i64} {
  func.func @body(%arg0: i32, %arg1: i32, %arg2: memref<512x64xf32, #tpu.memory_space<vmem>>, %arg3: memref<512x64xf32, #tpu.memory_space<vmem>>, %arg4: memref<512x64xf32, #tpu.memory_space<vmem>>, %arg5: memref<512x64xf32, #tpu.memory_space<vmem>>, %arg6: memref<2x512x8xf32, #tpu.memory_space<vmem>>, %arg7: memref<128x64xf32, #tpu.memory_space<vmem>>, %arg8: memref<128x64xf32, #tpu.memory_space<vmem>>, %arg9: memref<8x64xf32, #tpu.memory_space<vmem>>, %arg10: memref<512x64xf32, #tpu.memory_space<vmem>>) attributes {dimension_semantics = [#tpu.dimension_semantics<arbitrary>, #tpu.dimension_semantics<arbitrary>], iteration_bounds = array<i64: 24, 2>, scalar_prefetch = 0 : i64, scratch_operands = 0 : i64, tpu.core_type = #tpu.core_type<tc>, window_params = [{transform_indices = @transform_0, window_bounds = array<i64: 512, 64>}, {transform_indices = @transform_1, window_bounds = array<i64: 512, 64>}, {transform_indices = @transform_2, window_bounds = array<i64: 512, 64>}, {transform_indices = @transform_3, window_bounds = array<i64: 512, 64>}, {transform_indices = @transform_4, window_bounds = array<i64: 2, 512, 8>}, {transform_indices = @transform_5, window_bounds = array<i64: 128, 64>}, {transform_indices = @transform_6, window_bounds = array<i64: 128, 64>}, {transform_indices = @transform_7, window_bounds = array<i64: 8, 64>}, {transform_indices = @transform_8, window_bounds = array<i64: 512, 64>}]} {
    %get3A = arith.constant 0 : index
    %get3A_0 = arith.constant 0 : index
    %get3A_1 = vector.load %arg2[%get3A, %get3A_0] : memref<512x64xf32, #tpu.memory_space<vmem>>, vector<512x64xf32>
    %get3A_2 = arith.constant 0 : index
    %get3A_3 = arith.constant 0 : index
    %get3A_4 = vector.load %arg3[%get3A_2, %get3A_3] : memref<512x64xf32, #tpu.memory_space<vmem>>, vector<512x64xf32>
    %concatenate3A = tpu.concatenate %get3A_1, %get3A_4 in 1 : vector<512x64xf32>, vector<512x64xf32> -> vector<512x128xf32>
    %get3A_5 = arith.constant 0 : index
    %get3A_6 = arith.constant 0 : index
    %get3A_7 = vector.load %arg4[%get3A_5, %get3A_6] : memref<512x64xf32, #tpu.memory_space<vmem>>, vector<512x64xf32>
    %get3A_8 = arith.constant 0 : index
    %get3A_9 = arith.constant 0 : index
    %get3A_10 = vector.load %arg5[%get3A_8, %get3A_9] : memref<512x64xf32, #tpu.memory_space<vmem>>, vector<512x64xf32>
    %concatenate3A_11 = tpu.concatenate %get3A_7, %get3A_10 in 1 : vector<512x64xf32>, vector<512x64xf32> -> vector<512x128xf32>
    %get3A_12 = arith.constant 0 : index
    %get3A_13 = arith.constant 0 : index
    %get3A_14 = arith.constant 0 : index
    %get3A_15 = vector.load %arg6[%get3A_12, %get3A_13, %get3A_14] : memref<2x512x8xf32, #tpu.memory_space<vmem>>, vector<1x512x1xf32>
    %get3A_16 = vector.shape_cast %get3A_15 : vector<1x512x1xf32> to vector<512x1xf32>
    %get3A_17 = arith.constant 1 : index
    %get3A_18 = arith.constant 0 : index
    %get3A_19 = arith.constant 0 : index
    %get3A_20 = vector.load %arg6[%get3A_17, %get3A_18, %get3A_19] : memref<2x512x8xf32, #tpu.memory_space<vmem>>, vector<1x512x1xf32>
    %get3A_21 = vector.shape_cast %get3A_20 : vector<1x512x1xf32> to vector<512x1xf32>
    %add3A = arith.addf %get3A_16, %get3A_21 : vector<512x1xf32>
    %max3A = arith.constant 1.000000e+00 : f32
    %max3A_22 = vector.broadcast %max3A : f32 to vector<512x1xf32>
    %max3A_23 = arith.maximumf %add3A, %max3A_22 : vector<512x1xf32>
    %div3A = vector.broadcast %max3A_23 : vector<512x1xf32> to vector<512x128xf32>
    %div3A_24 = arith.divf %concatenate3A, %div3A : vector<512x128xf32>
    %get3A_25 = arith.constant 0 : index
    %get3A_26 = arith.constant 0 : index
    %get3A_27 = vector.load %arg7[%get3A_25, %get3A_26] : memref<128x64xf32, #tpu.memory_space<vmem>>, vector<128x64xf32>
    %dot_general3A = arith.constant dense<0.000000e+00> : vector<512x64xf32>
    %dot_general3A_28 = tpu.matmul %div3A_24, %get3A_27, %dot_general3A {dimension_numbers = #tpu.dot_dimension_numbers<[1], [0], [0], [1], [0, 0, 1, 1], [], []>, transpose_lhs_hint = false} : vector<512x128xf32>, vector<128x64xf32>, vector<512x64xf32> -> vector<512x64xf32>
    %get3A_29 = arith.constant 0 : index
    %get3A_30 = arith.constant 0 : index
    %get3A_31 = vector.load %arg8[%get3A_29, %get3A_30] : memref<128x64xf32, #tpu.memory_space<vmem>>, vector<128x64xf32>
    %dot_general3A_32 = arith.constant dense<0.000000e+00> : vector<512x64xf32>
    %dot_general3A_33 = tpu.matmul %concatenate3A_11, %get3A_31, %dot_general3A_32 {dimension_numbers = #tpu.dot_dimension_numbers<[1], [0], [0], [1], [0, 0, 1, 1], [], []>, transpose_lhs_hint = false} : vector<512x128xf32>, vector<128x64xf32>, vector<512x64xf32> -> vector<512x64xf32>
    %add3A_34 = arith.addf %dot_general3A_28, %dot_general3A_33 : vector<512x64xf32>
    %get3A_35 = arith.constant 0 : index
    %get3A_36 = arith.constant 0 : index
    %get3A_37 = vector.load %arg9[%get3A_35, %get3A_36] : memref<8x64xf32, #tpu.memory_space<vmem>>, vector<1x64xf32>
    %add3A_38 = vector.broadcast %get3A_37 : vector<1x64xf32> to vector<512x64xf32>
    %add3A_39 = arith.addf %add3A_34, %add3A_38 : vector<512x64xf32>
    %max3A_40 = arith.constant 0.000000e+00 : f32
    %max3A_41 = vector.broadcast %max3A_40 : f32 to vector<512x64xf32>
    %max3A_42 = arith.maximumf %add3A_39, %max3A_41 : vector<512x64xf32>
    %swap3A = arith.constant 0 : index
    %swap3A_43 = arith.constant 0 : index
    %swap3A_44 = vector.load %arg10[%swap3A, %swap3A_43] : memref<512x64xf32, #tpu.memory_space<vmem>>, vector<512x64xf32>
    tpu.vector_store %arg10[%swap3A, %swap3A_43], %max3A_42 {strides = array<i32>} : memref<512x64xf32, #tpu.memory_space<vmem>>, vector<512x64xf32>,
    return
  }
  func.func @transform_0(%arg0: i32, %arg1: i32) -> (i32, i32) {
    %c0_i32 = arith.constant 0 : i32
    %c0_i32_0 = arith.constant 0 : i32
    return %arg0, %c0_i32 : i32, i32
  }
  func.func @transform_1(%arg0: i32, %arg1: i32) -> (i32, i32) {
    %add3A = arith.constant 24 : i32
    %add3A_0 = arith.addi %add3A, %arg0 : i32
    %c0_i32 = arith.constant 0 : i32
    %c0_i32_1 = arith.constant 0 : i32
    return %add3A_0, %c0_i32 : i32, i32
  }
  func.func @transform_2(%arg0: i32, %arg1: i32) -> (i32, i32) {
    %c0_i32 = arith.constant 0 : i32
    %c0_i32_0 = arith.constant 0 : i32
    return %arg0, %c0_i32 : i32, i32
  }
  func.func @transform_3(%arg0: i32, %arg1: i32) -> (i32, i32) {
    %add3A = arith.constant 24 : i32
    %add3A_0 = arith.addi %add3A, %arg0 : i32
    %c0_i32 = arith.constant 0 : i32
    %c0_i32_1 = arith.constant 0 : i32
    return %add3A_0, %c0_i32 : i32, i32
  }
  func.func @transform_4(%arg0: i32, %arg1: i32) -> (i32, i32, i32) {
    %c0_i32 = arith.constant 0 : i32
    %c0_i32_0 = arith.constant 0 : i32
    %c0_i32_1 = arith.constant 0 : i32
    return %c0_i32, %arg0, %c0_i32_0 : i32, i32, i32
  }
  func.func @transform_5(%arg0: i32, %arg1: i32) -> (i32, i32) {
    %c0_i32 = arith.constant 0 : i32
    %c0_i32_0 = arith.constant 0 : i32
    return %arg1, %c0_i32 : i32, i32
  }
  func.func @transform_6(%arg0: i32, %arg1: i32) -> (i32, i32) {
    %c0_i32 = arith.constant 0 : i32
    %c0_i32_0 = arith.constant 0 : i32
    return %arg1, %c0_i32 : i32, i32
  }
  func.func @transform_7(%arg0: i32, %arg1: i32) -> (i32, i32) {
    %c0_i32 = arith.constant 0 : i32
    %c0_i32_0 = arith.constant 0 : i32
    return %arg1, %c0_i32 : i32, i32
  }
  func.func @transform_8(%arg0: i32, %arg1: i32) -> (i32, i32) {
    %mul3A = arith.constant 24 : i32
    %mul3A_0 = arith.muli %arg1, %mul3A : i32
    %add3A = arith.addi %mul3A_0, %arg0 : i32
    %c0_i32 = arith.constant 0 : i32
    %c0_i32_1 = arith.constant 0 : i32
    return %add3A, %c0_i32 : i32, i32
  }
}

</mosaic_0001>

<sc_bundles>
// kernel: kernel.10.cloned.1.call-start
scs
__scs_entry_jumppad:
0x0: {  	(pc) =	sbr.rel $0x88, $3  }
0x1: {  	(tag) =	ssettag $0x0;
	lr =	simm.s32 $0x1  }
0x2: {  	[smem:$0x3F99] =	sst lr;
	_ =	strace $0xD0000000  }
0x3: {  	_ = 	snop  }
0x4: {  	_ = 	snop  }
0x5: {  	_ = 	snop  }
0x6: {  	_ = 	snop  }
0x7: {  	_ = 	snop  }
__scs_overlays_trampoline_lowered:
0x8: {  	[smem:$0x3FA8] =	sst s0  }
0x9: {  	[smem:$0x3FA9] =	sst s1  }
0xa: {  	[smem:$0x3FAA] =	sst s2  }
0xb: {  	[smem:$0x3FAB] =	sst s3  }
0xc: {  	[smem:$0x3FAC] =	sst s4  }
0xd: {  	[smem:$0x3FAD] =	sst s5  }
0xe: {  	[smem:$0x3FAE] =	sst s6  }
0xf: {  	[smem:$0x3FAF] =	sst s7  }
0x10: {  	[smem:$0x3FB0] =	sst s8  }
0x11: {  	[smem:$0x3FB1] =	sst s9;
	s0 =	simm.s32 @!p0 $0x0  }
0x12: {  	s1 =	sld [smem:$0x3F97];
	s0 =	simm.s32 @p0 $0x1  }
0x13: {  	[smem:$0x3FB2] =	sst s0;
	s0 =	simm.s32 @!p1 $0x0  }
0x14: {  	s2 =	sld [smem:$0x3F96];
	s0 =	simm.s32 @p1 $0x1  }
0x15: {  	[smem:$0x3FB3] =	sst s0;
	s0 =	simm.s32 @!p2 $0x0  }
0x16: {  	s3 =	sld [smem:$0x3FDB];
	s0 =	simm.s32 @p2 $0x1  }
0x17: {  	s4 =	simm.s32 $0x1BF5;
	[smem:$0x3FB5] =	sst s0  }
0x18: {  	s0 =	sld [smem:$0x3F98];
	_ =	swait.ge [sflag:s4], $0x0  }
0x19: {  	s7 =	sld [smem:$0x3F99]  }
0x1a: {  	s8 =	sadd.s32 $0xFFFFE003, lr  }
0x1b: {  	s9 =	sadd.s32 $0xFFFFFEF7, lr;
	s5 =	simm.s32 $0xFFFFFFFF;
	p2 =	slt.u32 s8, $0xFFFFF086  }
0x1c: {  	p1 =	slt.u32 s9, $0xF7A;
	s5 =	simm.s32 @!p2 $0x0  }
0x1d: {  	s5 =	simm.s32 @p1 $0x1;
	p0 =	seq.s32 s7, s2  }
0x1e: {  	s7 =	smul.u32 @!p0 $0xF7A, s2;
	p2 =	seq.s32 @!p0 s5, $0x0  }
0x1f: {  	s9 =	smul.u32 $0xF7A, s1;
	s8 =	simm.s32 @!p0 $0x1BF5;
	p2 =	por !p2, p0  }
0x20: {  	[sflag:s8] =	ssyncset.s32 @!p0 $0xFFFFF086;
	s6 =	sadd.s32 @!p0 s3, s7;
	s7 =	simm.s32 @!p0 $0x108  }
0x21: {  	s3 =	sadd.s32 s3, s9;
	s6 =	sadd.s32 @!p0 $0x88, s6;
	s7 =	simm.s32 @p2 $0x1082  }
0x22: {  	[simem:s7], [sflag:s8] =	dma.local @!p0 [hbm:s6], $0xF7A  }
0x23: {  	s9 =	sor.u32 $0xD0000000, s2;
	s6 =	simm.s32 $0x108;
	_ =	swait.ge @!p0 [sflag:s8], $0x0  }
0x24: {  	s3 =	sadd.s32 $0x88, s3;
	s6 =	simm.s32 @!p1 $0x1082;
	[sflag:s4] =	ssyncset.s32 $0xFFFFF086  }
0x25: {  	[simem:s6], [sflag:s4] =	dma.local [hbm:s3], $0xF7A  }
0x26: {  	[smem:$0x3F99] =	sst s1;
	(tag) =	ssettag s2;
	_ =	strace s9  }
0x27: {  	s1 =	sld [smem:$0x3FA9]  }
0x28: {  	s2 =	sld [smem:$0x3FAA]  }
0x29: {  	s4 =	sld [smem:$0x3FAC]  }
0x2a: {  	p0 =	seq.s32 s5, $0x0;
	s5 =	sld [smem:$0x3FAD]  }
0x2b: {  	s6 =	sld [smem:$0x3FAE]  }
0x2c: {  	s7 =	sld [smem:$0x3FAF]  }
0x2d: {  	s3 =	simm.s32 $0x108;
	s8 =	sld [smem:$0x3FB0]  }
0x2e: {  	s3 =	simm.s32 @!p0 $0x1082;
	s9 =	sld [smem:$0x3FB1]  }
0x2f: {  	lr =	sadd.s32 s0, s3;
	s0 =	sld [smem:$0x3FA8]  }
0x30: {  	s3 =	sld [smem:$0x3FAB]  }
0x31: {  	[smem:$0x3FB4] =	sst s10  }
0x32: {  	s10 =	sld [smem:$0x3FB2];
	_ =	sdelay $0x3  }
0x33: {  	p0 =	seq.s32 s10, $0x1;
	s10 =	sld [smem:$0x3FB4];
	_ =	sdelay $0x3  }
0x34: {  	[smem:$0x3FB4] =	sst s10  }
0x35: {  	s10 =	sld [smem:$0x3FB3];
	_ =	sdelay $0x3  }
0x36: {  	p1 =	seq.s32 s10, $0x1;
	s10 =	sld [smem:$0x3FB4];
	_ =	sdelay $0x3  }
0x37: {  	[smem:$0x3FB4] =	sst s10  }
0x38: {  	s10 =	sld [smem:$0x3FB5]  }
0x39: {  	_ = 	snop;
	(pc) =	sbr.ind lr, $3  }
0x3a: {  	_ = 	snop  }
0x3b: {  	_ = 	snop  }
0x3c: {  	p2 =	seq.s32 s10, $0x1;
	s10 =	sld [smem:$0x3FB4]  }
0x3d: {  	_ =	shalt  }
0x3e: {  	_ =	shalt  }
0x3f: {  	_ =	shalt  }
0x40: {  	_ =	shalt  }
0x41: {  	_ =	shalt  }
0x42: {  	_ =	shalt  }
0x43: {  	_ =	shalt  }
0x44: {  	_ =	shalt  }
0x45: {  	_ =	shalt  }
0x46: {  	_ =	shalt  }
0x47: {  	_ =	shalt  }
0x48: {  	_ =	shalt  }
0x49: {  	_ =	shalt  }
0x4a: {  	_ =	shalt  }
0x4b: {  	_ =	shalt  }
0x4c: {  	_ =	shalt  }
0x4d: {  	_ =	shalt  }
0x4e: {  	_ =	shalt  }
0x4f: {  	_ =	shalt  }
0x50: {  	_ =	shalt  }
0x51: {  	_ =	shalt  }
0x52: {  	_ =	shalt  }
0x53: {  	_ =	shalt  }
0x54: {  	_ =	shalt  }
0x55: {  	_ =	shalt  }
0x56: {  	_ =	shalt  }
0x57: {  	_ =	shalt  }
0x58: {  	_ =	shalt  }
0x59: {  	_ =	shalt  }
0x5a: {  	_ =	shalt  }
0x5b: {  	_ =	shalt  }
0x5c: {  	_ =	shalt  }
0x5d: {  	_ =	shalt  }
0x5e: {  	_ =	shalt  }
0x5f: {  	_ =	shalt  }
0x60: {  	_ =	shalt  }
0x61: {  	_ =	shalt  }
0x62: {  	_ =	shalt  }
0x63: {  	_ =	shalt  }
0x64: {  	_ =	shalt  }
0x65: {  	_ =	shalt  }
0x66: {  	_ =	shalt  }
0x67: {  	_ =	shalt  }
0x68: {  	_ =	shalt  }
0x69: {  	_ =	shalt  }
0x6a: {  	_ =	shalt  }
0x6b: {  	_ =	shalt  }
0x6c: {  	_ =	shalt  }
0x6d: {  	_ =	shalt  }
0x6e: {  	_ =	shalt  }
0x6f: {  	_ =	shalt  }
0x70: {  	_ =	shalt  }
0x71: {  	_ =	shalt  }
0x72: {  	_ =	shalt  }
0x73: {  	_ =	shalt  }
0x74: {  	_ =	shalt  }
0x75: {  	_ =	shalt  }
0x76: {  	_ =	shalt  }
0x77: {  	_ =	shalt  }
0x78: {  	_ =	shalt  }
0x79: {  	_ =	shalt  }
0x7a: {  	_ =	shalt  }
0x7b: {  	_ =	shalt  }
0x7c: {  	_ =	shalt  }
0x7d: {  	_ =	shalt  }
0x7e: {  	_ =	shalt  }
0x7f: {  	_ =	shalt  }
0x80: {  	_ =	shalt  }
0x81: {  	_ =	shalt  }
0x82: {  	_ =	shalt  }
0x83: {  	_ =	shalt  }
0x84: {  	_ =	shalt  }
0x85: {  	_ =	shalt  }
0x86: {  	_ =	shalt  }
0x87: {  	_ =	shalt  }
.Lfunc_end0:
.L_simem_size_0:
called_computation.1_lowered:
.L_overlay_start_0:
0x88: {  	s2 =	sld [smem:$0x3FD9]  }
0x89: {  	s3 =	sld [smem:$0x3FFE];
	_ =	sdelay $0x1  }
0x8a: {  	s1 =	srdreg.scid  }
0x8b: {  	s0 =	sand.u32 $0x1, s1  }
0x8c: {  	s17 =	sshll.u32 s0, $0xA;
	s2 =	sadd.s32 s3, s2  }
0x8d: {  	s2 =	sadd.s32 s2, s17  }
0x8e: {  	[smem:$0x3FC0] =	sst s2  }
0x8f: {  	_ = 	snop  }
0x90: {  	s2 =	sld [smem:$0x3FD0];
	(tm) =	ssettm $0x1  }
0x91: {  	s18 =	sld [smem:$0x3FFB];
	_ =	sdelay $0x3  }
0x92: {  	_ =	strace s18  }
0x93: {  	s3 =	sld [smem:$0x3FFC];
	_ =	sdelay $0x3  }
0x94: {  	_ =	strace s3  }
0x95: {  	s3 =	sld [smem:$0x3FFD];
	_ =	sdelay $0x3  }
0x96: {  	_ =	strace s3  }
0x97: {  	_ =	strace $0x8FFFFFFF  }
0x98: {  	s19 =	sld [smem:$0x3FDB];
	_ =	sdelay $0x1  }
0x99: {  	s4 =	simm.s32 $_scs_section_size  }
0x9a: {  	s5 =	simm.s32 $_size__tile_overlayer_lowered;
	s6 =	simm.s32 $_tile_overlayer_lowered  }
0x9b: {  	s22 =	simm.s32 $0x1BFF;
	s21 =	sshll.u32 s6, $0x1;
	s3 =	sadd.s32 s4, s19  }
0x9c: {  	s7 =	simm.s32 $0x0;
	s20 =	sshll.u32 s5, $0x1;
	s5 =	sadd.s32 s21, s3  }
0x9d: {  	[timem:s7], [sflag:s22] =	dma.local [hbm:s5], s20  }
0x9e: {  	_ =	swait.ge [sflag:s22], s20  }
0x9f: {  	s4 =	ssub.s32 $0x0, s20;
	[sflag:s22] =	ssyncset.done $0x0  }
0xa0: {  	[sflag:s22] =	ssyncadd.s32 s4;
	_ =	sdelay $0x1  }
0xa1: {  	s23 =	simm.s32 $0x1B8B  }
0xa2: {  	_ =	swait.ge [sflag:s23], $0x1  }
0xa3: {  	[sflag:s23] =	ssyncset.done $0x0  }
0xa4: {  	s25 =	simm.s32 $0x1B8E;
	s24 =	sld [smem:$0x3FFE];
	[sflag:s23] =	ssyncadd.s32 $0xFFFFFFFF  }
0xa5: {  	s26 =	simm.s32 $execute0_lowered;
	[smem:$0x3FD2] =	sst s25  }
0xa6: {  	s5 =	sshll.u32 s26, $0x1;
	_ =	strace $0x80000046;
	[dreg:$0x1] =	wrdreg $0xFFFFFFFF  }
0xa7: {  	s28 =	simm.s32 $_size_execute0_lowered;
	s3 =	sadd.s32 s3, s5;
	[dreg:$0x0] =	wrdreg $0x0  }
0xa8: {  	s5 =	sshll.u32 s28, $0x1;
	[dreg:$0x2] =	wrdreg s3  }
0xa9: {  	[dreg:$0x3] =	wrdreg s5  }
0xaa: {  	[dreg:$0x4] =	wrdreg $0xC0  }
0xab: {  	_ =	task [dreg:s7], $0x5FFFF  }
0xac: {  	[dreg:$0x1] =	wrdreg $0xFFFFFFFF  }
0xad: {  	[dreg:$0x0] =	wrdreg $0x60  }
0xae: {  	[dreg:$0x2] =	wrdreg s2  }
0xaf: {  	[dreg:$0x3] =	wrdreg s24  }
0xb0: {  	[dreg:$0x4] =	wrdreg $0x126000  }
0xb1: {  	[dreg:$0x5] =	wrdreg $0xA  }
0xb2: {  	_ =	task.clear_ibuf [dreg:s7], $0x6FFFF;
	_ =	strace $0x90000046  }
0xb3: {  	s29 =	simm.s32 $0xA;
	_ =	strace $0x80000048  }
0xb4: {  	_ =	swait.ge [sflag:s29], $0x1  }
0xb5: {  	[sflag:s29] =	ssyncadd.s32 $0xFFFFFFFF  }
0xb6: {  	_ =	strace $0x90000048  }
0xb7: {  	_ =	sfence  }
0xb8: {  	s30 =	sld [smem:$0x0];
	_ =	sdelay $0x2  }
0xb9: {  	s31 =	sshll.u32 s1, $0xD;
	s1 =	sshrl.u32 s1, $0x2  }
0xba: {  	s3 =	sand.u32 $0x4000, s31;
	s1 =	sadd.s32 s1, s30  }
0xbb: {  	s0 =	sor.u32 s3, s0;
	s1 =	sshll.u32 s1, $0x11  }
0xbc: {  	s0 =	sor.u32 s1, s0  }
0xbd: {  	s0 =	sadd.s32 $0x8F2B, s0  }
0xbe: {  	[sflag:s0] =	ssyncadd.remote.s32 $0x1  }
0xbf: {  	_ =	sfence.sel $0xFFFF  }
0xc0: {  	[dreg:$0x0] =	wrdreg $0xFFFFFFFF;
	(pc) =	sbr.abs _section_cstart, $3  }
0xc1: {  	[dreg:$0x1] =	wrdreg $0xFFFFFFFF  }
0xc2: {  	_ =	task.clear_ibuf [dreg:s7], $0x2FFFF;
	_ =	strace $0x9FFFFFFF  }
0xc3: {  	(tm) =	ssettm $0x7FFFFFFF  }
tec
execute0_lowered:
.L_overlay_start_1:
0x0: {  	(tag) =	ssettag $0x1  }
0x1: {  	s1 =	rddreg [dreg:$0x0]  }
0x2: {  	s0 =	rddreg [dreg:$0x1]  }
0x3: {  	s3 =	rddreg [dreg:$0x2]  }
0x4: {  	s2 =	srdreg.scid;
	s11 =	stileid.u32  }
0x5: {  	s4 =	simm.s32 $0x0;
	s28 =	simm.s32 $0x80;
	s6 =	smul.u32 $0x1800, s11  }
0x6: {  	s30 =	simm.s32 $0x2;
	s29 =	simm.s32 $0x400;
	s9 =	smul.u32 $0x30000, s11  }
0x7: {  	s31 =	simm.s32 $0xA;
	s2 =	sand.u32 $0x1, s2;
	s13 =	smul.u32 $0xA000, s11  }
0x8: {  	[smem:$0x7FF] =	sst s4;
	s5 =	sadd.s32 $0x6CC00, s0;
	s18 =	smul.u32 $0xA0, s11  }
0x9: {  	s7 =	sadd.s32 $0x94C00, s0;
	s19 =	sshll.u32 s11, $0x6;
	s8 =	smul.u32 $0x18000, s2  }
0xa: {  	_ =	strace $0x80000047;
	[dreg:$0x4] =	wrdreg s7;
	s10 =	ssub.s32 $0x2, s2  }
0xb: {  	s7 =	smul.u32 $0xA0000, s2;
	s12 =	sshrl.u32 s10, $0x1;
	s9 =	sshrl.u32 s9, $0x2  }
0xc: {  	s24 =	sor.u32 $0x4, s18;
	s25 =	sor.u32 $0x5, s18;
	s15 =	sor.u32 $0x6, s18  }
0xd: {  	s16 =	sor.u32 $0x7, s18;
	s17 =	sor.u32 $0x8, s18;
	s18 =	sor.u32 $0x9, s18  }
0xe: {  	s8 =	sadd.s32 s6, s8;
	s14 =	ssub.s32 s10, s12;
	[dreg:$0xa] =	wrdreg s24  }
0xf: {  	s9 =	sadd.s32 s9, s3;
	s12 =	sor.u32 $0x1C13, s19;
	[dreg:$0xb] =	wrdreg s25  }
0x10: {  	s24 =	simm.s32 $0x200;
	s25 =	simm.s32 $0x300;
	s6 =	simm.s32 $0x4  }
0x11: {  	s19 =	simm.s32 $0x5;
	s0 =	sadd.s32 s8, s0;
	s8 =	sadd.s32 s13, s7  }
0x12: {  	s26 =	smax.u32 s14, $0x1;
	s9 =	sshrl.u32 s9, $0x3;
	s13 =	simm.s32 $0x0  }
0x13: {  	s20 =	sshrl.u32 s8, $0x3;
	s21 =	sor.u32 $0x100, s8;
	s22 =	sor.u32 $0x200, s8  }
0x14: {  	s8 =	sor.u32 $0x300, s8;
	s0 =	sadd.s32 $0x96400, s0;
	[dreg:$0xd] =	wrdreg s26  }
0x15: {  	s26 =	simm.s32 $0x8;
	[dreg:$0xe] =	wrdreg s9;
	s10 =	sadd.s32 s5, s20  }
0x16: {  	s11 =	sshrl.u32 s22, $0x3;
	s8 =	sshrl.u32 s8, $0x3;
	[dreg:$0xc] =	wrdreg s0  }
0x17: {  	s0 =	simm.s32 $0x3;
	s22 =	simm.s32 $0x9;
	s20 =	simm.s32 $0xC  }
.Ltmp0:
0x18: {  	[dreg:$0x6] =	wrdreg s10;
	s23 =	sadd.s32 s5, s11;
	(pc) =	sbr.rel .LBB2_1-.Ltmp0, $4  }
0x19: {  	s10 =	sshrl.u32 s21, $0x3;
	s8 =	sadd.s32 s5, s8;
	[dreg:$0x8] =	wrdreg s23  }
0x1a: {  	s11 =	simm.s32 $0xF;
	s10 =	sadd.s32 s5, s10;
	[dreg:$0x9] =	wrdreg s8  }
0x1b: {  	s8 =	smov.u32 s12;
	s23 =	simm.s32 $0x10;
	[dreg:$0x7] =	wrdreg s10  }
0x1c: {  	s12 =	simm.s32 $0xB;
	s10 =	simm.s32 $0x7;
	[dreg:$0x5] =	wrdreg s8  }
.LBB2_24:
0x1d: {  	s2 =	simm.s32 $0xD  }
0x1e: {  	_ =	swait.ge [sflag:s2], $0x2000  }
0x1f: {  	[sflag:s2] =	ssyncset.done $0x0  }
0x20: {  	s8 =	simm.s32 $0xE;
	[sflag:s2] =	ssyncadd.s32 $0xFFFFE000  }
0x21: {  	_ =	swait.ge [sflag:s8], $0x2000  }
0x22: {  	[sflag:s8] =	ssyncset.done $0x0  }
0x23: {  	[sflag:s8] =	ssyncadd.s32 $0xFFFFE000  }
0x24: {  	_ =	swait.ge [sflag:s11], $0x2000  }
0x25: {  	[sflag:s11] =	ssyncset.done $0x0  }
0x26: {  	[sflag:s11] =	ssyncadd.s32 $0xFFFFE000  }
0x27: {  	_ =	swait.ge [sflag:s23], $0x2000  }
0x28: {  	[sflag:s23] =	ssyncset.done $0x0  }
0x29: {  	s9 =	simm.s32 $0x11;
	[sflag:s23] =	ssyncadd.s32 $0xFFFFE000  }
0x2a: {  	_ =	swait.ge [sflag:s9], $0x2000  }
0x2b: {  	[sflag:s9] =	ssyncset.done $0x0  }
0x2c: {  	s13 =	simm.s32 $0x12;
	[sflag:s9] =	ssyncadd.s32 $0xFFFFE000  }
0x2d: {  	_ =	swait.ge [sflag:s13], $0x2000  }
0x2e: {  	[sflag:s13] =	ssyncset.done $0x0  }
0x2f: {  	[sflag:s13] =	ssyncadd.s32 $0xFFFFE000  }
0x30: {  	[bflag:$0x0] =	sbarrier.arrive $0xFFFF  }
0x31: {  	s8 =	rddreg [dreg:$0x5]  }
0x32: {  	s14 =	rddreg [dreg:$0xc]  }
0x33: {  	s21 =	simm.s32 $0x13;
	s9 =	rddreg [dreg:$0xe]  }
0x34: {  	[hbm:s14], [sflag:s8] =	dma.local [spmem:s9], $0x1800  }
0x35: {  	_ =	swait.ge [sflag:s21], $0x1800  }
0x36: {  	s13 =	rddreg [dreg:$0xf]  }
0x37: {  	s14 =	rddreg [dreg:$0xd];
	s13 =	sadd.s32 $0x1, s13  }
0x38: {  	p0 =	sne.s32 s13, s14  }
.Ltmp1:
0x39: {  	_ = 	snop;
	(pc) =	sbr.rel @!p0 .LBB2_25-.Ltmp1, $3  }
0x3a: {  	_ =	sdelay $0x1  }
0x3b: {  	[sflag:s21] =	ssyncset.done $0x0;
	s21 =	simm.s32 $0x13  }
0x3c: {  	[sflag:s21] =	ssyncadd.s32 $0xFFFFE800  }
.LBB2_1:
0x3d: {  	[dreg:$0xf] =	wrdreg s13  }
0x3e: {  	s21 =	simm.s32 $0x13;
	s2 =	rddreg [dreg:$0x4]  }
0x3f: {  	[spmem:s9], [sflag:s8] =	dma.local [hbm:s2], $0x1800  }
0x40: {  	_ =	swait.ge [sflag:s21], $0x1800  }
0x41: {  	[sflag:s21] =	ssyncset.done $0x0  }
0x42: {  	s9 =	rddreg [dreg:$0x6];
	[sflag:s21] =	ssyncadd.s32 $0xFFFFE800  }
0x43: {  	[tilespmem:s4], [sflag:$0x1] =	stream.linear.gather [hbm4b:s9+s4], $0x100, $0x38;
	[tilespmem:$0x1E600] =	vst v63  }
0x44: {  	s8 =	simm.s32 $0x100;
	s13 =	rddreg [dreg:$0x7]  }
0x45: {  	[tilespmem:s8], [sflag:$0x2] =	stream.linear.gather [hbm4b:s13+s4], $0x100, $0x38;
	[tilespmem:$0x1E600] =	vst v63  }
0x46: {  	s14 =	rddreg [dreg:$0x8]  }
0x47: {  	[tilespmem:s24], [sflag:$0x3] =	stream.linear.gather [hbm4b:s14+s4], $0x100, $0x38;
	[tilespmem:$0x1E600] =	vst v63  }
0x48: {  	s21 =	rddreg [dreg:$0x9];
	s9 =	simm.s32 $0x1  }
0x49: {  	[tilespmem:s25], [sflag:$0x4] =	stream.linear.gather [hbm4b:s21+s4], $0x100, $0x38;
	[tilespmem:$0x1E600] =	vst v63  }
0x4a: {  	_ =	swait.ge [sflag:s9], $0x100  }
0x4b: {  	[sflag:s9] =	ssyncset.done $0x0  }
0x4c: {  	s13 =	simm.s32 $0x600;
	[sflag:s9] =	ssyncadd.s32 $0xFFFFFF00  }
0x4d: {  	[tilespmem:s13], [sflag:$0x7] =	stream.indirect.gather [hbm4b:s1+s28], $0x20, s4, s28, $0xb8;
	[tilespmem:$0x1E600] =	vst v63  }
0x4e: {  	_ =	swait.ge [sflag:s30], $0x100  }
0x4f: {  	[sflag:s30] =	ssyncset.done $0x0  }
0x50: {  	s14 =	simm.s32 $0x1600;
	[sflag:s30] =	ssyncadd.s32 $0xFFFFFF00  }
0x51: {  	[tilespmem:s14], [sflag:$0x8] =	stream.indirect.gather [hbm4b:s1+s28], $0x20, s8, s28, $0xb8;
	[tilespmem:$0x1E600] =	vst v63  }
0x52: {  	_ =	swait.ge [sflag:s0], $0x100  }
0x53: {  	[sflag:s0] =	ssyncset.done $0x0  }
0x54: {  	s21 =	simm.s32 $0x2600;
	[sflag:s0] =	ssyncadd.s32 $0xFFFFFF00  }
0x55: {  	[tilespmem:s21], [sflag:$0x9] =	stream.indirect.gather [hbm4b:s1+s28], $0x20, s24, s28, $0xb8;
	[tilespmem:$0x1E600] =	vst v63  }
0x56: {  	s2 =	simm.s32 $0x0;
	[bflag:$0x0] =	sbarrier.arrive $0xFFFF  }
.LBB2_2:
0x57: {  	p0 =	seq.s32 s2, $0x0  }
.Ltmp2:
0x58: {  	_ = 	snop;
	(pc) =	sbr.rel @p0 .LBB2_5-.Ltmp2, $2  }
0x59: {  	_ =	sdelay $0x2  }
0x5a: {  	s9 =	smul.u32 $0x6, s2  }
0x5b: {  	p1 =	seq.s32 s2, $0x1A  }
.Ltmp3:
0x5c: {  	_ = 	snop;
	(pc) =	sbr.rel @p1 .LBB2_6-.Ltmp3, $1  }
0x5d: {  	_ =	sdelay $0x3  }
0x5e: {  	s8 =	simm.s32 $0x11  }
0x5f: {  	_ =	swait.ge [sflag:s8], $0x2000  }
0x60: {  	[sflag:s8] =	ssyncset.done $0x0  }
0x61: {  	[sflag:s8] =	ssyncadd.s32 $0xFFFFE000  }
.LBB2_5:
0x62: {  	s8 =	rddreg [dreg:$0xa]  }
0x63: {  	s8 =	sadd.s32 s9, s8  }
0x64: {  	s8 =	sshll.u32 s8, $0x8  }
0x65: {  	s8 =	sadd.s32 s7, s8  }
0x66: {  	s8 =	sshrl.u32 s8, $0x3  }
0x67: {  	s8 =	sadd.s32 s5, s8  }
0x68: {  	[tilespmem:s29], [sflag:$0x5] =	stream.linear.gather [hbm4b:s8+s4], $0x100, $0x38;
	[tilespmem:$0x1E600] =	vst v63  }
.LBB2_6:
0x69: {  	_ =	swait.ge [sflag:s6], $0x100  }
0x6a: {  	[sflag:s6] =	ssyncset.done $0x0  }
0x6b: {  	s8 =	simm.s32 $0x3600;
	[sflag:s6] =	ssyncadd.s32 $0xFFFFFF00  }
0x6c: {  	[tilespmem:s8], [sflag:$0xA] =	stream.indirect.gather [hbm4b:s1+s28], $0x20, s25, s28, $0xb8;
	[tilespmem:$0x1E600] =	vst v63  }
0x6d: {  	_ =	swait.ge [sflag:s10], $0x1000  }
0x6e: {  	[sflag:s10] =	ssyncset.done $0x0  }
0x6f: {  	s21 =	simm.s32 $0x0;
	[sflag:s10] =	ssyncadd.s32 $0xFFFFF000  }
0x70: {  	v0 =	vld [tilespmem:s21+$0x600];
	_ =	sdelay $0x4  }
0x71: {  	s8 =	simm.s32 $0x6620;
	v1 =	vshll.u32 v0, $0x10  }
0x72: {  	v0 =	vand.u32 $0xFFFF0000, v0;
	[tilespmem:s8+$0xFFFFFFE0] =	vst v1  }
0x73: {  	[tilespmem:s8+$0xFFFFFFF0] =	vst v0  }
0x74: {  	s13 =	simm.s32 $0x80;
	v0 =	vld [tilespmem:s21+$0x610];
	s21 =	simm.s32 $0x6620  }
.LBB2_7:
0x75: {  	_ =	sdelay $0x2  }
0x76: {  	p1 =	sne.s32 s13, $0x3F80  }
0x77: {  	s8 =	sadd.s32 $0x40, s8;
	s14 =	smov.u32 s13;
	s13 =	sadd.s32 $0x80, s13;
	v1 =	vshll.u32 v0, $0x10;
	v0 =	vand.u32 $0xFFFF0000, v0  }
0x78: {  	[tilespmem:s21+$0x0] =	vst v1  }
0x79: {  	s14 =	sshra.s32 s14, $0x2;
	[tilespmem:s21+$0x10] =	vst v0;
	s21 =	smov.u32 s8  }
0x7a: {  	v0 =	vld [tilespmem:s14+$0x600];
	_ =	sdelay $0x3  }
.Ltmp4:
0x7b: {  	(pc) =	sbr.rel @p1 .LBB2_7-.Ltmp4, $4  }
0x7c: {  	v1 =	vshll.u32 v0, $0x10;
	v0 =	vand.u32 $0xFFFF0000, v0  }
0x7d: {  	[tilespmem:s8+$0xFFFFFFE0] =	vst v1  }
0x7e: {  	[tilespmem:s8+$0xFFFFFFF0] =	vst v0  }
0x7f: {  	v0 =	vld [tilespmem:s14+$0x610]  }
0x80: {  	_ =	sdelay $0x2  }
.Ltmp5:
0x81: {  	_ = 	snop;
	(pc) =	sbr.rel @p0 .LBB2_11-.Ltmp5, $4  }
0x82: {  	v1 =	vshll.u32 v0, $0x10  }
0x83: {  	v63 =	vand.u32 $0xFFFF0000, v0;
	[tilespmem:s21+$0x0] =	vst v1  }
0x84: {  	s8 =	simm.s32 $0x6600;
	[tilespmem:s21+$0x10] =	vst v63  }
0x85: {  	[spmem:s3] =	stream.indirect.scatter.add.f32 [tilespmem:s8], [sflag:$0xD], $0x40, s28, s28, $0xb8;
	[tilespmem:$0x1E600] =	vst v63  }
0x86: {  	p0 =	seq.s32 s2, $0x1A  }
.Ltmp6:
0x87: {  	_ = 	snop;
	(pc) =	sbr.rel @p0 .LBB2_12-.Ltmp6, $1  }
0x88: {  	_ =	sdelay $0x3  }
0x89: {  	s8 =	simm.s32 $0x12  }
0x8a: {  	_ =	swait.ge [sflag:s8], $0x2000  }
0x8b: {  	[sflag:s8] =	ssyncset.done $0x0  }
0x8c: {  	[sflag:s8] =	ssyncadd.s32 $0xFFFFE000  }
.LBB2_11:
0x8d: {  	s8 =	rddreg [dreg:$0xb]  }
0x8e: {  	s8 =	sadd.s32 s9, s8  }
0x8f: {  	s8 =	sshll.u32 s8, $0x8  }
0x90: {  	s8 =	sadd.s32 s7, s8  }
0x91: {  	s8 =	sshrl.u32 s8, $0x3  }
0x92: {  	s13 =	simm.s32 $0x500;
	s8 =	sadd.s32 s5, s8  }
0x93: {  	[tilespmem:s13], [sflag:$0x6] =	stream.linear.gather [hbm4b:s8+s4], $0x100, $0x38;
	[tilespmem:$0x1E600] =	vst v63  }
0x94: {  	_ =	swait.ge [sflag:s19], $0x100  }
0x95: {  	[sflag:s19] =	ssyncset.done $0x0  }
0x96: {  	s21 =	simm.s32 $0x4600;
	[sflag:s19] =	ssyncadd.s32 $0xFFFFFF00  }
0x97: {  	[tilespmem:s21], [sflag:$0xB] =	stream.indirect.gather [hbm4b:s1+s28], $0x20, s29, s28, $0xb8;
	[tilespmem:$0x1E600] =	vst v63  }
.LBB2_12:
0x98: {  	_ =	swait.ge [sflag:s26], $0x1000  }
0x99: {  	[sflag:s26] =	ssyncset.done $0x0  }
0x9a: {  	s14 =	simm.s32 $0x0;
	[sflag:s26] =	ssyncadd.s32 $0xFFFFF000  }
0x9b: {  	v0 =	vld [tilespmem:s14+$0x1600];
	_ =	sdelay $0x4  }
0x9c: {  	s8 =	simm.s32 $0x8620;
	v1 =	vshll.u32 v0, $0x10  }
0x9d: {  	v0 =	vand.u32 $0xFFFF0000, v0;
	[tilespmem:s8+$0xFFFFFFE0] =	vst v1  }
0x9e: {  	[tilespmem:s8+$0xFFFFFFF0] =	vst v0  }
0x9f: {  	s13 =	simm.s32 $0x80;
	s21 =	simm.s32 $0x8620;
	v0 =	vld [tilespmem:s14+$0x1610]  }
.LBB2_13:
0xa0: {  	_ =	sdelay $0x2  }
0xa1: {  	p0 =	sne.s32 s13, $0x3F80  }
0xa2: {  	s8 =	sadd.s32 $0x40, s8;
	s14 =	smov.u32 s13;
	s13 =	sadd.s32 $0x80, s13;
	v1 =	vshll.u32 v0, $0x10;
	v0 =	vand.u32 $0xFFFF0000, v0  }
0xa3: {  	[tilespmem:s21+$0x0] =	vst v1  }
0xa4: {  	s14 =	sshra.s32 s14, $0x2;
	[tilespmem:s21+$0x10] =	vst v0;
	s21 =	smov.u32 s8  }
0xa5: {  	v0 =	vld [tilespmem:s14+$0x1600];
	_ =	sdelay $0x3  }
.Ltmp7:
0xa6: {  	(pc) =	sbr.rel @p0 .LBB2_13-.Ltmp7, $4  }
0xa7: {  	v1 =	vshll.u32 v0, $0x10;
	v0 =	vand.u32 $0xFFFF0000, v0  }
0xa8: {  	[tilespmem:s8+$0xFFFFFFE0] =	vst v1  }
0xa9: {  	[tilespmem:s8+$0xFFFFFFF0] =	vst v0  }
0xaa: {  	v0 =	vld [tilespmem:s14+$0x1610]  }
0xab: {  	_ =	sdelay $0x3  }
0xac: {  	v1 =	vshll.u32 v0, $0x10  }
0xad: {  	v0 =	vand.u32 $0xFFFF0000, v0;
	[tilespmem:s21+$0x0] =	vst v1  }
0xae: {  	p0 =	seq.s32 s2, $0x1A;
	s8 =	simm.s32 $0x180;
	s13 =	simm.s32 $0x8600;
	[tilespmem:s21+$0x10] =	vst v0  }
0xaf: {  	[spmem:s3] =	stream.indirect.scatter.add.f32 [tilespmem:s13], [sflag:$0xE], $0x40, s8, s28, $0xb8;
	[tilespmem:$0x1E600] =	vst v63  }
0xb0: {  	s8 =	sadd.s32 @!p0 s9, s15  }
0xb1: {  	s13 =	simm.s32 @!p0 $0xD;
	s8 =	sshll.u32 @!p0 s8, $0x8  }
0xb2: {  	_ =	swait.ge @!p0 [sflag:s13], $0x2000;
	s8 =	sadd.s32 @!p0 s7, s8  }
0xb3: {  	[sflag:s13] =	ssyncset.done @!p0 $0x0;
	s8 =	sshrl.u32 @!p0 s8, $0x3  }
0xb4: {  	[sflag:s13] =	ssyncadd.s32 @!p0 $0xFFFFE000;
	s13 =	simm.s32 @!p0 $0x0;
	s8 =	sadd.s32 @!p0 s5, s8  }
0xb5: {  	[tilespmem:s13], [sflag:$0x1] =	stream.linear.gather @!p0 [hbm4b:s8+s13], $0x100, $0x38;
	[tilespmem:$0x1E600] =	vst v63  }
0xb6: {  	s8 =	simm.s32 @!p0 $0x6  }
0xb7: {  	_ =	swait.ge @!p0 [sflag:s8], $0x100  }
0xb8: {  	s14 =	simm.s32 @!p0 $0x5600;
	[sflag:s8] =	ssyncset.done @!p0 $0x0  }
0xb9: {  	s13 =	simm.s32 @!p0 $0x500;
	[sflag:s8] =	ssyncadd.s32 @!p0 $0xFFFFFF00;
	s8 =	simm.s32 @!p0 $0x80  }
0xba: {  	[tilespmem:s14], [sflag:$0xC] =	stream.indirect.gather @!p0 [hbm4b:s1+s8], $0x20, s13, s8, $0xb8;
	[tilespmem:$0x1E600] =	vst v63  }
0xbb: {  	_ =	swait.ge [sflag:s22], $0x1000  }
0xbc: {  	[sflag:s22] =	ssyncset.done $0x0  }
0xbd: {  	s21 =	simm.s32 $0x0;
	[sflag:s22] =	ssyncadd.s32 $0xFFFFF000  }
0xbe: {  	v0 =	vld [tilespmem:s21+$0x2600];
	_ =	sdelay $0x4  }
0xbf: {  	s8 =	simm.s32 $0xA620;
	v1 =	vshll.u32 v0, $0x10  }
0xc0: {  	v0 =	vand.u32 $0xFFFF0000, v0;
	[tilespmem:s8+$0xFFFFFFE0] =	vst v1  }
0xc1: {  	[tilespmem:s8+$0xFFFFFFF0] =	vst v0  }
0xc2: {  	s13 =	simm.s32 $0x80;
	v0 =	vld [tilespmem:s21+$0x2610];
	s21 =	simm.s32 $0xA620  }
.LBB2_15:
0xc3: {  	_ =	sdelay $0x2  }
0xc4: {  	p1 =	sne.s32 s13, $0x3F80  }
0xc5: {  	s8 =	sadd.s32 $0x40, s8;
	s14 =	smov.u32 s13;
	s13 =	sadd.s32 $0x80, s13;
	v1 =	vshll.u32 v0, $0x10;
	v0 =	vand.u32 $0xFFFF0000, v0  }
0xc6: {  	[tilespmem:s21+$0x0] =	vst v1  }
0xc7: {  	s14 =	sshra.s32 s14, $0x2;
	[tilespmem:s21+$0x10] =	vst v0;
	s21 =	smov.u32 s8  }
0xc8: {  	v0 =	vld [tilespmem:s14+$0x2600];
	_ =	sdelay $0x3  }
.Ltmp8:
0xc9: {  	(pc) =	sbr.rel @p1 .LBB2_15-.Ltmp8, $4  }
0xca: {  	v1 =	vshll.u32 v0, $0x10;
	v0 =	vand.u32 $0xFFFF0000, v0  }
0xcb: {  	[tilespmem:s8+$0xFFFFFFE0] =	vst v1  }
0xcc: {  	[tilespmem:s8+$0xFFFFFFF0] =	vst v0  }
0xcd: {  	v0 =	vld [tilespmem:s14+$0x2610]  }
0xce: {  	_ =	sdelay $0x3  }
0xcf: {  	v1 =	vshll.u32 v0, $0x10  }
0xd0: {  	v0 =	vand.u32 $0xFFFF0000, v0;
	[tilespmem:s21+$0x0] =	vst v1  }
0xd1: {  	s8 =	simm.s32 $0x280;
	s13 =	simm.s32 $0xA600;
	[tilespmem:s21+$0x10] =	vst v0  }
0xd2: {  	[spmem:s3] =	stream.indirect.scatter.add.f32 [tilespmem:s13], [sflag:$0xF], $0x40, s8, s28, $0xb8;
	[tilespmem:$0x1E600] =	vst v63  }
0xd3: {  	s8 =	simm.s32 @!p0 $0xE;
	s13 =	sadd.s32 @!p0 s9, s16  }
0xd4: {  	_ =	swait.ge @!p0 [sflag:s8], $0x2000;
	s13 =	sshll.u32 @!p0 s13, $0x8  }
0xd5: {  	[sflag:s8] =	ssyncset.done @!p0 $0x0;
	s13 =	sadd.s32 @!p0 s7, s13  }
0xd6: {  	[sflag:s8] =	ssyncadd.s32 @!p0 $0xFFFFE000;
	s8 =	sshrl.u32 @!p0 s13, $0x3  }
0xd7: {  	s14 =	simm.s32 @!p0 $0x100;
	s13 =	simm.s32 @!p0 $0x0;
	s8 =	sadd.s32 @!p0 s5, s8  }
0xd8: {  	[tilespmem:s14], [sflag:$0x2] =	stream.linear.gather @!p0 [hbm4b:s8+s13], $0x100, $0x38;
	[tilespmem:$0x1E600] =	vst v63  }
0xd9: {  	s8 =	simm.s32 @!p0 $0x1  }
0xda: {  	_ =	swait.ge @!p0 [sflag:s8], $0x100  }
0xdb: {  	[sflag:s8] =	ssyncset.done @!p0 $0x0  }
0xdc: {  	s14 =	simm.s32 @!p0 $0x600;
	[sflag:s8] =	ssyncadd.s32 @!p0 $0xFFFFFF00;
	s8 =	simm.s32 @!p0 $0x80  }
0xdd: {  	[tilespmem:s14], [sflag:$0x7] =	stream.indirect.gather @!p0 [hbm4b:s1+s8], $0x20, s13, s8, $0xb8;
	[tilespmem:$0x1E600] =	vst v63  }
0xde: {  	_ =	swait.ge [sflag:s31], $0x1000  }
0xdf: {  	[sflag:s31] =	ssyncset.done $0x0  }
0xe0: {  	s21 =	simm.s32 $0x0;
	[sflag:s31] =	ssyncadd.s32 $0xFFFFF000  }
0xe1: {  	v0 =	vld [tilespmem:s21+$0x3600];
	_ =	sdelay $0x4  }
0xe2: {  	s8 =	simm.s32 $0xC620;
	v1 =	vshll.u32 v0, $0x10  }
0xe3: {  	v0 =	vand.u32 $0xFFFF0000, v0;
	[tilespmem:s8+$0xFFFFFFE0] =	vst v1  }
0xe4: {  	[tilespmem:s8+$0xFFFFFFF0] =	vst v0  }
0xe5: {  	s13 =	simm.s32 $0x80;
	v0 =	vld [tilespmem:s21+$0x3610];
	s21 =	simm.s32 $0xC620  }
.LBB2_17:
0xe6: {  	_ =	sdelay $0x2  }
0xe7: {  	p1 =	sne.s32 s13, $0x3F80  }
0xe8: {  	s8 =	sadd.s32 $0x40, s8;
	s14 =	smov.u32 s13;
	s13 =	sadd.s32 $0x80, s13;
	v1 =	vshll.u32 v0, $0x10;
	v0 =	vand.u32 $0xFFFF0000, v0  }
0xe9: {  	[tilespmem:s21+$0x0] =	vst v1  }
0xea: {  	s14 =	sshra.s32 s14, $0x2;
	[tilespmem:s21+$0x10] =	vst v0;
	s21 =	smov.u32 s8  }
0xeb: {  	v0 =	vld [tilespmem:s14+$0x3600];
	_ =	sdelay $0x3  }
.Ltmp9:
0xec: {  	(pc) =	sbr.rel @p1 .LBB2_17-.Ltmp9, $4  }
0xed: {  	v1 =	vshll.u32 v0, $0x10;
	v0 =	vand.u32 $0xFFFF0000, v0  }
0xee: {  	[tilespmem:s8+$0xFFFFFFE0] =	vst v1  }
0xef: {  	[tilespmem:s8+$0xFFFFFFF0] =	vst v0  }
0xf0: {  	v0 =	vld [tilespmem:s14+$0x3610]  }
0xf1: {  	_ =	sdelay $0x2  }
.Ltmp10:
0xf2: {  	_ = 	snop;
	(pc) =	sbr.rel @p0 .LBB2_24-.Ltmp10, $4  }
0xf3: {  	v1 =	vshll.u32 v0, $0x10  }
0xf4: {  	v63 =	vand.u32 $0xFFFF0000, v0;
	[tilespmem:s21+$0x0] =	vst v1  }
0xf5: {  	s8 =	simm.s32 $0x380;
	s13 =	simm.s32 $0xC600;
	[tilespmem:s21+$0x10] =	vst v63  }
0xf6: {  	[spmem:s3] =	stream.indirect.scatter.add.f32 [tilespmem:s13], [sflag:$0x10], $0x40, s8, s28, $0xb8;
	[tilespmem:$0x1E600] =	vst v63  }
0xf7: {  	s8 =	sadd.s32 s9, s17  }
0xf8: {  	s8 =	sshll.u32 s8, $0x8  }
0xf9: {  	_ =	swait.ge [sflag:s11], $0x2000;
	s8 =	sadd.s32 s7, s8  }
0xfa: {  	[sflag:s11] =	ssyncset.done $0x0;
	s8 =	sshrl.u32 s8, $0x3  }
0xfb: {  	s13 =	simm.s32 $0x0;
	[sflag:s11] =	ssyncadd.s32 $0xFFFFE000;
	s8 =	sadd.s32 s5, s8  }
0xfc: {  	[tilespmem:s24], [sflag:$0x3] =	stream.linear.gather [hbm4b:s8+s13], $0x100, $0x38;
	[tilespmem:$0x1E600] =	vst v63  }
0xfd: {  	_ =	swait.ge [sflag:s30], $0x100  }
0xfe: {  	[sflag:s30] =	ssyncset.done $0x0  }
0xff: {  	s14 =	simm.s32 $0x100;
	s21 =	simm.s32 $0x1600;
	[sflag:s30] =	ssyncadd.s32 $0xFFFFFF00  }
0x100: {  	[tilespmem:s21], [sflag:$0x8] =	stream.indirect.gather [hbm4b:s1+s28], $0x20, s14, s28, $0xb8;
	[tilespmem:$0x1E600] =	vst v63  }
0x101: {  	_ =	swait.ge [sflag:s12], $0x1000  }
0x102: {  	[sflag:s12] =	ssyncset.done $0x0  }
0x103: {  	s14 =	simm.s32 $0x0;
	[sflag:s12] =	ssyncadd.s32 $0xFFFFF000  }
0x104: {  	v0 =	vld [tilespmem:s14+$0x4600];
	_ =	sdelay $0x4  }
0x105: {  	s8 =	simm.s32 $0xE620;
	v1 =	vshll.u32 v0, $0x10  }
0x106: {  	v0 =	vand.u32 $0xFFFF0000, v0;
	[tilespmem:s8+$0xFFFFFFE0] =	vst v1  }
0x107: {  	[tilespmem:s8+$0xFFFFFFF0] =	vst v0  }
0x108: {  	s13 =	simm.s32 $0x80;
	s21 =	simm.s32 $0xE620;
	v0 =	vld [tilespmem:s14+$0x4610]  }
.LBB2_20:
0x109: {  	_ =	sdelay $0x2  }
0x10a: {  	p0 =	sne.s32 s13, $0x3F80  }
0x10b: {  	s8 =	sadd.s32 $0x40, s8;
	s14 =	smov.u32 s13;
	s13 =	sadd.s32 $0x80, s13;
	v1 =	vshll.u32 v0, $0x10;
	v0 =	vand.u32 $0xFFFF0000, v0  }
0x10c: {  	[tilespmem:s21+$0x0] =	vst v1  }
0x10d: {  	s14 =	sshra.s32 s14, $0x2;
	[tilespmem:s21+$0x10] =	vst v0;
	s21 =	smov.u32 s8  }
0x10e: {  	v0 =	vld [tilespmem:s14+$0x4600];
	_ =	sdelay $0x3  }
.Ltmp11:
0x10f: {  	(pc) =	sbr.rel @p0 .LBB2_20-.Ltmp11, $4  }
0x110: {  	v1 =	vshll.u32 v0, $0x10;
	v0 =	vand.u32 $0xFFFF0000, v0  }
0x111: {  	[tilespmem:s8+$0xFFFFFFE0] =	vst v1  }
0x112: {  	[tilespmem:s8+$0xFFFFFFF0] =	vst v0  }
0x113: {  	v0 =	vld [tilespmem:s14+$0x4610]  }
0x114: {  	_ =	sdelay $0x3  }
0x115: {  	v1 =	vshll.u32 v0, $0x10  }
0x116: {  	v0 =	vand.u32 $0xFFFF0000, v0;
	[tilespmem:s21+$0x0] =	vst v1  }
0x117: {  	s8 =	simm.s32 $0x480;
	s13 =	simm.s32 $0xE600;
	s9 =	sadd.s32 s9, s18;
	[tilespmem:s21+$0x10] =	vst v0  }
0x118: {  	[spmem:s3] =	stream.indirect.scatter.add.f32 [tilespmem:s13], [sflag:$0x11], $0x40, s8, s28, $0xb8;
	[tilespmem:$0x1E600] =	vst v63  }
0x119: {  	s8 =	sshll.u32 s9, $0x8  }
0x11a: {  	_ =	swait.ge [sflag:s23], $0x2000;
	s8 =	sadd.s32 s7, s8  }
0x11b: {  	[sflag:s23] =	ssyncset.done $0x0;
	s8 =	sshrl.u32 s8, $0x3  }
0x11c: {  	s13 =	simm.s32 $0x0;
	[sflag:s23] =	ssyncadd.s32 $0xFFFFE000;
	s8 =	sadd.s32 s5, s8  }
0x11d: {  	[tilespmem:s25], [sflag:$0x4] =	stream.linear.gather [hbm4b:s8+s13], $0x100, $0x38;
	[tilespmem:$0x1E600] =	vst v63  }
0x11e: {  	_ =	swait.ge [sflag:s0], $0x100  }
0x11f: {  	[sflag:s0] =	ssyncset.done $0x0  }
0x120: {  	s14 =	simm.s32 $0x2600;
	[sflag:s0] =	ssyncadd.s32 $0xFFFFFF00  }
0x121: {  	[tilespmem:s14], [sflag:$0x9] =	stream.indirect.gather [hbm4b:s1+s28], $0x20, s24, s28, $0xb8;
	[tilespmem:$0x1E600] =	vst v63  }
0x122: {  	_ =	swait.ge [sflag:s20], $0x1000  }
0x123: {  	[sflag:s20] =	ssyncset.done $0x0  }
0x124: {  	s21 =	simm.s32 $0x0;
	[sflag:s20] =	ssyncadd.s32 $0xFFFFF000  }
0x125: {  	v0 =	vld [tilespmem:s21+$0x5600];
	_ =	sdelay $0x4  }
0x126: {  	s8 =	simm.s32 $0x10620;
	v1 =	vshll.u32 v0, $0x10  }
0x127: {  	v0 =	vand.u32 $0xFFFF0000, v0;
	[tilespmem:s8+$0xFFFFFFE0] =	vst v1  }
0x128: {  	[tilespmem:s8+$0xFFFFFFF0] =	vst v0  }
0x129: {  	s9 =	simm.s32 $0x10620;
	s13 =	simm.s32 $0x80;
	v0 =	vld [tilespmem:s21+$0x5610]  }
.LBB2_22:
0x12a: {  	_ =	sdelay $0x2  }
0x12b: {  	p0 =	sne.s32 s13, $0x3F80  }
0x12c: {  	s8 =	sadd.s32 $0x40, s8;
	s14 =	smov.u32 s13;
	s13 =	sadd.s32 $0x80, s13;
	v1 =	vshll.u32 v0, $0x10;
	v0 =	vand.u32 $0xFFFF0000, v0  }
0x12d: {  	[tilespmem:s9+$0x0] =	vst v1  }
0x12e: {  	s14 =	sshra.s32 s14, $0x2;
	[tilespmem:s9+$0x10] =	vst v0;
	s9 =	smov.u32 s8  }
0x12f: {  	v0 =	vld [tilespmem:s14+$0x5600];
	_ =	sdelay $0x3  }
.Ltmp12:
0x130: {  	(pc) =	sbr.rel @p0 .LBB2_22-.Ltmp12, $4  }
0x131: {  	v1 =	vshll.u32 v0, $0x10;
	v0 =	vand.u32 $0xFFFF0000, v0  }
0x132: {  	[tilespmem:s8+$0xFFFFFFE0] =	vst v1  }
0x133: {  	[tilespmem:s8+$0xFFFFFFF0] =	vst v0  }
0x134: {  	v0 =	vld [tilespmem:s14+$0x5610]  }
0x135: {  	_ =	sdelay $0x2  }
.Ltmp13:
0x136: {  	_ = 	snop;
	(pc) =	sbr.rel .LBB2_2-.Ltmp13, $4  }
0x137: {  	v1 =	vshll.u32 v0, $0x10  }
0x138: {  	v63 =	vand.u32 $0xFFFF0000, v0;
	[tilespmem:s9+$0x0] =	vst v1  }
0x139: {  	s8 =	simm.s32 $0x580;
	s21 =	simm.s32 $0x10600;
	s2 =	sadd.s32 $0x1, s2;
	[tilespmem:s9+$0x10] =	vst v63  }
0x13a: {  	[spmem:s3] =	stream.indirect.scatter.add.f32 [tilespmem:s21], [sflag:$0x12], $0x40, s8, s28, $0xb8;
	[tilespmem:$0x1E600] =	vst v63  }
.LBB2_25:
0x13b: {  	_ =	sfence.sel $0x180000  }
0x13c: {  	[bflag:$0x0] =	sbarrier.arrive $0xFFFF  }
0x13d: {  	_ =	strace $0x90000047  }
0x13e: {  	s0 =	stileid.u32;
	[bflag:$0x2] =	sbarrier.arrive $0xFFFF  }
0x13f: {  	p0 =	sne.s32 s0, $0x0;
	s0 =	rddreg [dreg:$0x3]  }
0x140: {  	s0 =	sadd.s32 @!p0 $0x100000, s0  }
0x141: {  	[sflag:s0] =	ssyncadd.tile.s32 @!p0 $0x1;
	_ =	shalt  }
.Lfunc_end2:
_tile_overlayer_lowered:
.L_overlay_start_2:
0x142: {  	(tag) =	ssettag $0x2  }
0x143: {  	s0 =	rddreg [dreg:$0x0];
	s2 =	stileid.u32  }
0x144: {  	s1 =	rddreg [dreg:$0x1];
	p0 =	sne.s32 s2, $0x0  }
0x145: {  	s3 =	rddreg [dreg:$0x2];
	[bflag:$0x3] =	sbarrier.arrive $0xFFFF;
	s2 =	simm.s32 @!p0 $0x1C13  }
0x146: {  	[timem:s3], [sflag:s2] =	dma.local @!p0 [hbm:s0], s1  }
0x147: {  	s0 =	simm.s32 @!p0 $0x13  }
0x148: {  	_ =	swait.ge @!p0 [sflag:s0], s1  }
0x149: {  	s1 =	ssub.s32 @!p0 $0x0, s1;
	[sflag:s0] =	ssyncset.done @!p0 $0x0  }
0x14a: {  	[sflag:s0] =	ssyncadd.s32 @!p0 s1  }
0x14b: {  	[bflag:$0x3] =	sbarrier.arrive $0xFFFF  }
0x14c: {  	_ =	shalt  }

// kernel: kernel.13.cloned.1.call-start
scs
__scs_entry_jumppad:
0x0: {  	(pc) =	sbr.rel $0x88, $3  }
0x1: {  	(tag) =	ssettag $0x0;
	lr =	simm.s32 $0x1  }
0x2: {  	[smem:$0x3F99] =	sst lr;
	_ =	strace $0xD0000000  }
0x3: {  	_ = 	snop  }
0x4: {  	_ = 	snop  }
0x5: {  	_ = 	snop  }
0x6: {  	_ = 	snop  }
0x7: {  	_ = 	snop  }
__scs_overlays_trampoline_lowered:
0x8: {  	[smem:$0x3FA8] =	sst s0  }
0x9: {  	[smem:$0x3FA9] =	sst s1  }
0xa: {  	[smem:$0x3FAA] =	sst s2  }
0xb: {  	[smem:$0x3FAB] =	sst s3  }
0xc: {  	[smem:$0x3FAC] =	sst s4  }
0xd: {  	[smem:$0x3FAD] =	sst s5  }
0xe: {  	[smem:$0x3FAE] =	sst s6  }
0xf: {  	[smem:$0x3FAF] =	sst s7  }
0x10: {  	[smem:$0x3FB0] =	sst s8  }
0x11: {  	[smem:$0x3FB1] =	sst s9;
	s0 =	simm.s32 @!p0 $0x0  }
0x12: {  	s1 =	sld [smem:$0x3F97];
	s0 =	simm.s32 @p0 $0x1  }
0x13: {  	[smem:$0x3FB2] =	sst s0;
	s0 =	simm.s32 @!p1 $0x0  }
0x14: {  	s2 =	sld [smem:$0x3F96];
	s0 =	simm.s32 @p1 $0x1  }
0x15: {  	[smem:$0x3FB3] =	sst s0;
	s0 =	simm.s32 @!p2 $0x0  }
0x16: {  	s3 =	sld [smem:$0x3FDB];
	s0 =	simm.s32 @p2 $0x1  }
0x17: {  	s4 =	simm.s32 $0x1BF5;
	[smem:$0x3FB5] =	sst s0  }
0x18: {  	s0 =	sld [smem:$0x3F98];
	_ =	swait.ge [sflag:s4], $0x0  }
0x19: {  	s7 =	sld [smem:$0x3F99]  }
0x1a: {  	s8 =	sadd.s32 $0xFFFFE003, lr  }
0x1b: {  	s9 =	sadd.s32 $0xFFFFFEF7, lr;
	s5 =	simm.s32 $0xFFFFFFFF;
	p2 =	slt.u32 s8, $0xFFFFF086  }
0x1c: {  	p1 =	slt.u32 s9, $0xF7A;
	s5 =	simm.s32 @!p2 $0x0  }
0x1d: {  	s5 =	simm.s32 @p1 $0x1;
	p0 =	seq.s32 s7, s2  }
0x1e: {  	s7 =	smul.u32 @!p0 $0xF7A, s2;
	p2 =	seq.s32 @!p0 s5, $0x0  }
0x1f: {  	s9 =	smul.u32 $0xF7A, s1;
	s8 =	simm.s32 @!p0 $0x1BF5;
	p2 =	por !p2, p0  }
0x20: {  	[sflag:s8] =	ssyncset.s32 @!p0 $0xFFFFF086;
	s6 =	sadd.s32 @!p0 s3, s7;
	s7 =	simm.s32 @!p0 $0x108  }
0x21: {  	s3 =	sadd.s32 s3, s9;
	s6 =	sadd.s32 @!p0 $0x88, s6;
	s7 =	simm.s32 @p2 $0x1082  }
0x22: {  	[simem:s7], [sflag:s8] =	dma.local @!p0 [hbm:s6], $0xF7A  }
0x23: {  	s9 =	sor.u32 $0xD0000000, s2;
	s6 =	simm.s32 $0x108;
	_ =	swait.ge @!p0 [sflag:s8], $0x0  }
0x24: {  	s3 =	sadd.s32 $0x88, s3;
	s6 =	simm.s32 @!p1 $0x1082;
	[sflag:s4] =	ssyncset.s32 $0xFFFFF086  }
0x25: {  	[simem:s6], [sflag:s4] =	dma.local [hbm:s3], $0xF7A  }
0x26: {  	[smem:$0x3F99] =	sst s1;
	(tag) =	ssettag s2;
	_ =	strace s9  }
0x27: {  	s1 =	sld [smem:$0x3FA9]  }
0x28: {  	s2 =	sld [smem:$0x3FAA]  }
0x29: {  	s4 =	sld [smem:$0x3FAC]  }
0x2a: {  	p0 =	seq.s32 s5, $0x0;
	s5 =	sld [smem:$0x3FAD]  }
0x2b: {  	s6 =	sld [smem:$0x3FAE]  }
0x2c: {  	s7 =	sld [smem:$0x3FAF]  }
0x2d: {  	s3 =	simm.s32 $0x108;
	s8 =	sld [smem:$0x3FB0]  }
0x2e: {  	s3 =	simm.s32 @!p0 $0x1082;
	s9 =	sld [smem:$0x3FB1]  }
0x2f: {  	lr =	sadd.s32 s0, s3;
	s0 =	sld [smem:$0x3FA8]  }
0x30: {  	s3 =	sld [smem:$0x3FAB]  }
0x31: {  	[smem:$0x3FB4] =	sst s10  }
0x32: {  	s10 =	sld [smem:$0x3FB2];
	_ =	sdelay $0x3  }
0x33: {  	p0 =	seq.s32 s10, $0x1;
	s10 =	sld [smem:$0x3FB4];
	_ =	sdelay $0x3  }
0x34: {  	[smem:$0x3FB4] =	sst s10  }
0x35: {  	s10 =	sld [smem:$0x3FB3];
	_ =	sdelay $0x3  }
0x36: {  	p1 =	seq.s32 s10, $0x1;
	s10 =	sld [smem:$0x3FB4];
	_ =	sdelay $0x3  }
0x37: {  	[smem:$0x3FB4] =	sst s10  }
0x38: {  	s10 =	sld [smem:$0x3FB5]  }
0x39: {  	_ = 	snop;
	(pc) =	sbr.ind lr, $3  }
0x3a: {  	_ = 	snop  }
0x3b: {  	_ = 	snop  }
0x3c: {  	p2 =	seq.s32 s10, $0x1;
	s10 =	sld [smem:$0x3FB4]  }
0x3d: {  	_ =	shalt  }
0x3e: {  	_ =	shalt  }
0x3f: {  	_ =	shalt  }
0x40: {  	_ =	shalt  }
0x41: {  	_ =	shalt  }
0x42: {  	_ =	shalt  }
0x43: {  	_ =	shalt  }
0x44: {  	_ =	shalt  }
0x45: {  	_ =	shalt  }
0x46: {  	_ =	shalt  }
0x47: {  	_ =	shalt  }
0x48: {  	_ =	shalt  }
0x49: {  	_ =	shalt  }
0x4a: {  	_ =	shalt  }
0x4b: {  	_ =	shalt  }
0x4c: {  	_ =	shalt  }
0x4d: {  	_ =	shalt  }
0x4e: {  	_ =	shalt  }
0x4f: {  	_ =	shalt  }
0x50: {  	_ =	shalt  }
0x51: {  	_ =	shalt  }
0x52: {  	_ =	shalt  }
0x53: {  	_ =	shalt  }
0x54: {  	_ =	shalt  }
0x55: {  	_ =	shalt  }
0x56: {  	_ =	shalt  }
0x57: {  	_ =	shalt  }
0x58: {  	_ =	shalt  }
0x59: {  	_ =	shalt  }
0x5a: {  	_ =	shalt  }
0x5b: {  	_ =	shalt  }
0x5c: {  	_ =	shalt  }
0x5d: {  	_ =	shalt  }
0x5e: {  	_ =	shalt  }
0x5f: {  	_ =	shalt  }
0x60: {  	_ =	shalt  }
0x61: {  	_ =	shalt  }
0x62: {  	_ =	shalt  }
0x63: {  	_ =	shalt  }
0x64: {  	_ =	shalt  }
0x65: {  	_ =	shalt  }
0x66: {  	_ =	shalt  }
0x67: {  	_ =	shalt  }
0x68: {  	_ =	shalt  }
0x69: {  	_ =	shalt  }
0x6a: {  	_ =	shalt  }
0x6b: {  	_ =	shalt  }
0x6c: {  	_ =	shalt  }
0x6d: {  	_ =	shalt  }
0x6e: {  	_ =	shalt  }
0x6f: {  	_ =	shalt  }
0x70: {  	_ =	shalt  }
0x71: {  	_ =	shalt  }
0x72: {  	_ =	shalt  }
0x73: {  	_ =	shalt  }
0x74: {  	_ =	shalt  }
0x75: {  	_ =	shalt  }
0x76: {  	_ =	shalt  }
0x77: {  	_ =	shalt  }
0x78: {  	_ =	shalt  }
0x79: {  	_ =	shalt  }
0x7a: {  	_ =	shalt  }
0x7b: {  	_ =	shalt  }
0x7c: {  	_ =	shalt  }
0x7d: {  	_ =	shalt  }
0x7e: {  	_ =	shalt  }
0x7f: {  	_ =	shalt  }
0x80: {  	_ =	shalt  }
0x81: {  	_ =	shalt  }
0x82: {  	_ =	shalt  }
0x83: {  	_ =	shalt  }
0x84: {  	_ =	shalt  }
0x85: {  	_ =	shalt  }
0x86: {  	_ =	shalt  }
0x87: {  	_ =	shalt  }
.Lfunc_end0:
.L_simem_size_0:
called_computation.2_lowered:
.L_overlay_start_0:
0x88: {  	s2 =	sld [smem:$0x3FD9]  }
0x89: {  	s3 =	sld [smem:$0x3FFE];
	_ =	sdelay $0x1  }
0x8a: {  	s1 =	srdreg.scid  }
0x8b: {  	s0 =	sand.u32 $0x1, s1  }
0x8c: {  	s17 =	sshll.u32 s0, $0xA;
	s2 =	sadd.s32 s3, s2  }
0x8d: {  	s2 =	sadd.s32 s2, s17  }
0x8e: {  	[smem:$0x3FC0] =	sst s2  }
0x8f: {  	_ = 	snop  }
0x90: {  	s2 =	sld [smem:$0x3FD0];
	(tm) =	ssettm $0x1  }
0x91: {  	s18 =	sld [smem:$0x3FFB];
	_ =	sdelay $0x3  }
0x92: {  	_ =	strace s18  }
0x93: {  	s3 =	sld [smem:$0x3FFC];
	_ =	sdelay $0x3  }
0x94: {  	_ =	strace s3  }
0x95: {  	s3 =	sld [smem:$0x3FFD];
	_ =	sdelay $0x3  }
0x96: {  	_ =	strace s3  }
0x97: {  	_ =	strace $0x8FFFFFFF  }
0x98: {  	s19 =	sld [smem:$0x3FDB];
	_ =	sdelay $0x1  }
0x99: {  	s4 =	simm.s32 $_scs_section_size  }
0x9a: {  	s5 =	simm.s32 $_size__tile_overlayer_lowered;
	s6 =	simm.s32 $_tile_overlayer_lowered  }
0x9b: {  	s22 =	simm.s32 $0x1BFF;
	s21 =	sshll.u32 s6, $0x1;
	s3 =	sadd.s32 s4, s19  }
0x9c: {  	s7 =	simm.s32 $0x0;
	s20 =	sshll.u32 s5, $0x1;
	s5 =	sadd.s32 s21, s3  }
0x9d: {  	[timem:s7], [sflag:s22] =	dma.local [hbm:s5], s20  }
0x9e: {  	_ =	swait.ge [sflag:s22], s20  }
0x9f: {  	s4 =	ssub.s32 $0x0, s20;
	[sflag:s22] =	ssyncset.done $0x0  }
0xa0: {  	[sflag:s22] =	ssyncadd.s32 s4;
	_ =	sdelay $0x1  }
0xa1: {  	s23 =	simm.s32 $0x1B8B  }
0xa2: {  	_ =	swait.ge [sflag:s23], $0x1  }
0xa3: {  	[sflag:s23] =	ssyncset.done $0x0  }
0xa4: {  	s25 =	simm.s32 $0x1B8E;
	s24 =	sld [smem:$0x3FFE];
	[sflag:s23] =	ssyncadd.s32 $0xFFFFFFFF  }
0xa5: {  	s26 =	simm.s32 $execute0_lowered;
	[smem:$0x3FD2] =	sst s25  }
0xa6: {  	s5 =	sshll.u32 s26, $0x1;
	_ =	strace $0x8000004C;
	[dreg:$0x1] =	wrdreg $0xFFFFFFFF  }
0xa7: {  	s28 =	simm.s32 $_size_execute0_lowered;
	s3 =	sadd.s32 s3, s5;
	[dreg:$0x0] =	wrdreg $0x0  }
0xa8: {  	s5 =	sshll.u32 s28, $0x1;
	[dreg:$0x2] =	wrdreg s3  }
0xa9: {  	[dreg:$0x3] =	wrdreg s5  }
0xaa: {  	[dreg:$0x4] =	wrdreg $0xC0  }
0xab: {  	_ =	task [dreg:s7], $0x5FFFF  }
0xac: {  	[dreg:$0x1] =	wrdreg $0xFFFFFFFF  }
0xad: {  	[dreg:$0x0] =	wrdreg $0x60  }
0xae: {  	[dreg:$0x2] =	wrdreg s2  }
0xaf: {  	[dreg:$0x3] =	wrdreg s24  }
0xb0: {  	[dreg:$0x4] =	wrdreg $0x126000  }
0xb1: {  	[dreg:$0x5] =	wrdreg $0x9  }
0xb2: {  	_ =	task.clear_ibuf [dreg:s7], $0x6FFFF;
	_ =	strace $0x9000004C  }
0xb3: {  	s29 =	simm.s32 $0x9;
	_ =	strace $0x8000004E  }
0xb4: {  	_ =	swait.ge [sflag:s29], $0x1  }
0xb5: {  	[sflag:s29] =	ssyncadd.s32 $0xFFFFFFFF  }
0xb6: {  	_ =	strace $0x9000004E  }
0xb7: {  	_ =	sfence  }
0xb8: {  	s30 =	sld [smem:$0x0];
	_ =	sdelay $0x2  }
0xb9: {  	s31 =	sshll.u32 s1, $0xD;
	s1 =	sshrl.u32 s1, $0x2  }
0xba: {  	s3 =	sand.u32 $0x4000, s31;
	s1 =	sadd.s32 s1, s30  }
0xbb: {  	s0 =	sor.u32 s3, s0;
	s1 =	sshll.u32 s1, $0x11  }
0xbc: {  	s0 =	sor.u32 s1, s0  }
0xbd: {  	s0 =	sadd.s32 $0x8F2B, s0  }
0xbe: {  	[sflag:s0] =	ssyncadd.remote.s32 $0x1  }
0xbf: {  	_ =	sfence.sel $0xFFFF  }
0xc0: {  	[dreg:$0x0] =	wrdreg $0xFFFFFFFF;
	(pc) =	sbr.abs _section_cstart, $3  }
0xc1: {  	[dreg:$0x1] =	wrdreg $0xFFFFFFFF  }
0xc2: {  	_ =	task.clear_ibuf [dreg:s7], $0x2FFFF;
	_ =	strace $0x9FFFFFFF  }
0xc3: {  	(tm) =	ssettm $0x7FFFFFFF  }
tec
execute0_lowered:
.L_overlay_start_1:
0x0: {  	(tag) =	ssettag $0x1  }
0x1: {  	s1 =	rddreg [dreg:$0x0]  }
0x2: {  	s0 =	rddreg [dreg:$0x1]  }
0x3: {  	s3 =	rddreg [dreg:$0x2]  }
0x4: {  	s2 =	srdreg.scid;
	s11 =	stileid.u32  }
0x5: {  	s4 =	simm.s32 $0x0;
	s28 =	simm.s32 $0x80;
	s6 =	smul.u32 $0x1800, s11  }
0x6: {  	s30 =	simm.s32 $0x2;
	s29 =	simm.s32 $0x400;
	s9 =	smul.u32 $0x30000, s11  }
0x7: {  	s31 =	simm.s32 $0xA;
	s2 =	sand.u32 $0x1, s2;
	s13 =	smul.u32 $0xA000, s11  }
0x8: {  	[smem:$0x7FF] =	sst s4;
	s5 =	sadd.s32 $0x6CC00, s0;
	s18 =	smul.u32 $0xA0, s11  }
0x9: {  	s7 =	sadd.s32 $0x94C00, s0;
	s19 =	sshll.u32 s11, $0x6;
	s8 =	smul.u32 $0x18000, s2  }
0xa: {  	_ =	strace $0x8000004D;
	[dreg:$0x4] =	wrdreg s7;
	s10 =	ssub.s32 $0x2, s2  }
0xb: {  	s7 =	smul.u32 $0xA0000, s2;
	s12 =	sshrl.u32 s10, $0x1;
	s9 =	sshrl.u32 s9, $0x2  }
0xc: {  	s24 =	sor.u32 $0x4, s18;
	s25 =	sor.u32 $0x5, s18;
	s15 =	sor.u32 $0x6, s18  }
0xd: {  	s16 =	sor.u32 $0x7, s18;
	s17 =	sor.u32 $0x8, s18;
	s18 =	sor.u32 $0x9, s18  }
0xe: {  	s8 =	sadd.s32 s6, s8;
	s14 =	ssub.s32 s10, s12;
	[dreg:$0xa] =	wrdreg s24  }
0xf: {  	s9 =	sadd.s32 s9, s3;
	s12 =	sor.u32 $0x1C13, s19;
	[dreg:$0xb] =	wrdreg s25  }
0x10: {  	s24 =	simm.s32 $0x200;
	s25 =	simm.s32 $0x300;
	s6 =	simm.s32 $0x4  }
0x11: {  	s19 =	simm.s32 $0x5;
	s0 =	sadd.s32 s8, s0;
	s8 =	sadd.s32 s13, s7  }
0x12: {  	s26 =	smax.u32 s14, $0x1;
	s9 =	sshrl.u32 s9, $0x3;
	s13 =	simm.s32 $0x0  }
0x13: {  	s20 =	sshrl.u32 s8, $0x3;
	s21 =	sor.u32 $0x100, s8;
	s22 =	sor.u32 $0x200, s8  }
0x14: {  	s8 =	sor.u32 $0x300, s8;
	s0 =	sadd.s32 $0x96400, s0;
	[dreg:$0xd] =	wrdreg s26  }
0x15: {  	s26 =	simm.s32 $0x8;
	[dreg:$0xe] =	wrdreg s9;
	s10 =	sadd.s32 s5, s20  }
0x16: {  	s11 =	sshrl.u32 s22, $0x3;
	s8 =	sshrl.u32 s8, $0x3;
	[dreg:$0xc] =	wrdreg s0  }
0x17: {  	s0 =	simm.s32 $0x3;
	s22 =	simm.s32 $0x9;
	s20 =	simm.s32 $0xC  }
.Ltmp0:
0x18: {  	[dreg:$0x6] =	wrdreg s10;
	s23 =	sadd.s32 s5, s11;
	(pc) =	sbr.rel .LBB2_1-.Ltmp0, $4  }
0x19: {  	s10 =	sshrl.u32 s21, $0x3;
	s8 =	sadd.s32 s5, s8;
	[dreg:$0x8] =	wrdreg s23  }
0x1a: {  	s11 =	simm.s32 $0xF;
	s10 =	sadd.s32 s5, s10;
	[dreg:$0x9] =	wrdreg s8  }
0x1b: {  	s8 =	smov.u32 s12;
	s23 =	simm.s32 $0x10;
	[dreg:$0x7] =	wrdreg s10  }
0x1c: {  	s12 =	simm.s32 $0xB;
	s10 =	simm.s32 $0x7;
	[dreg:$0x5] =	wrdreg s8  }
.LBB2_24:
0x1d: {  	s2 =	simm.s32 $0xD  }
0x1e: {  	_ =	swait.ge [sflag:s2], $0x2000  }
0x1f: {  	[sflag:s2] =	ssyncset.done $0x0  }
0x20: {  	s8 =	simm.s32 $0xE;
	[sflag:s2] =	ssyncadd.s32 $0xFFFFE000  }
0x21: {  	_ =	swait.ge [sflag:s8], $0x2000  }
0x22: {  	[sflag:s8] =	ssyncset.done $0x0  }
0x23: {  	[sflag:s8] =	ssyncadd.s32 $0xFFFFE000  }
0x24: {  	_ =	swait.ge [sflag:s11], $0x2000  }
0x25: {  	[sflag:s11] =	ssyncset.done $0x0  }
0x26: {  	[sflag:s11] =	ssyncadd.s32 $0xFFFFE000  }
0x27: {  	_ =	swait.ge [sflag:s23], $0x2000  }
0x28: {  	[sflag:s23] =	ssyncset.done $0x0  }
0x29: {  	s9 =	simm.s32 $0x11;
	[sflag:s23] =	ssyncadd.s32 $0xFFFFE000  }
0x2a: {  	_ =	swait.ge [sflag:s9], $0x2000  }
0x2b: {  	[sflag:s9] =	ssyncset.done $0x0  }
0x2c: {  	s13 =	simm.s32 $0x12;
	[sflag:s9] =	ssyncadd.s32 $0xFFFFE000  }
0x2d: {  	_ =	swait.ge [sflag:s13], $0x2000  }
0x2e: {  	[sflag:s13] =	ssyncset.done $0x0  }
0x2f: {  	[sflag:s13] =	ssyncadd.s32 $0xFFFFE000  }
0x30: {  	[bflag:$0x0] =	sbarrier.arrive $0xFFFF  }
0x31: {  	s8 =	rddreg [dreg:$0x5]  }
0x32: {  	s14 =	rddreg [dreg:$0xc]  }
0x33: {  	s21 =	simm.s32 $0x13;
	s9 =	rddreg [dreg:$0xe]  }
0x34: {  	[hbm:s14], [sflag:s8] =	dma.local [spmem:s9], $0x1800  }
0x35: {  	_ =	swait.ge [sflag:s21], $0x1800  }
0x36: {  	s13 =	rddreg [dreg:$0xf]  }
0x37: {  	s14 =	rddreg [dreg:$0xd];
	s13 =	sadd.s32 $0x1, s13  }
0x38: {  	p0 =	sne.s32 s13, s14  }
.Ltmp1:
0x39: {  	_ = 	snop;
	(pc) =	sbr.rel @!p0 .LBB2_25-.Ltmp1, $3  }
0x3a: {  	_ =	sdelay $0x1  }
0x3b: {  	[sflag:s21] =	ssyncset.done $0x0;
	s21 =	simm.s32 $0x13  }
0x3c: {  	[sflag:s21] =	ssyncadd.s32 $0xFFFFE800  }
.LBB2_1:
0x3d: {  	[dreg:$0xf] =	wrdreg s13  }
0x3e: {  	s21 =	simm.s32 $0x13;
	s2 =	rddreg [dreg:$0x4]  }
0x3f: {  	[spmem:s9], [sflag:s8] =	dma.local [hbm:s2], $0x1800  }
0x40: {  	_ =	swait.ge [sflag:s21], $0x1800  }
0x41: {  	[sflag:s21] =	ssyncset.done $0x0  }
0x42: {  	s9 =	rddreg [dreg:$0x6];
	[sflag:s21] =	ssyncadd.s32 $0xFFFFE800  }
0x43: {  	[tilespmem:s4], [sflag:$0x1] =	stream.linear.gather [hbm4b:s9+s4], $0x100, $0x38;
	[tilespmem:$0x1E600] =	vst v63  }
0x44: {  	s8 =	simm.s32 $0x100;
	s13 =	rddreg [dreg:$0x7]  }
0x45: {  	[tilespmem:s8], [sflag:$0x2] =	stream.linear.gather [hbm4b:s13+s4], $0x100, $0x38;
	[tilespmem:$0x1E600] =	vst v63  }
0x46: {  	s14 =	rddreg [dreg:$0x8]  }
0x47: {  	[tilespmem:s24], [sflag:$0x3] =	stream.linear.gather [hbm4b:s14+s4], $0x100, $0x38;
	[tilespmem:$0x1E600] =	vst v63  }
0x48: {  	s21 =	rddreg [dreg:$0x9];
	s9 =	simm.s32 $0x1  }
0x49: {  	[tilespmem:s25], [sflag:$0x4] =	stream.linear.gather [hbm4b:s21+s4], $0x100, $0x38;
	[tilespmem:$0x1E600] =	vst v63  }
0x4a: {  	_ =	swait.ge [sflag:s9], $0x100  }
0x4b: {  	[sflag:s9] =	ssyncset.done $0x0  }
0x4c: {  	s13 =	simm.s32 $0x600;
	[sflag:s9] =	ssyncadd.s32 $0xFFFFFF00  }
0x4d: {  	[tilespmem:s13], [sflag:$0x7] =	stream.indirect.gather [hbm4b:s1+s28], $0x20, s4, s28, $0xb8;
	[tilespmem:$0x1E600] =	vst v63  }
0x4e: {  	_ =	swait.ge [sflag:s30], $0x100  }
0x4f: {  	[sflag:s30] =	ssyncset.done $0x0  }
0x50: {  	s14 =	simm.s32 $0x1600;
	[sflag:s30] =	ssyncadd.s32 $0xFFFFFF00  }
0x51: {  	[tilespmem:s14], [sflag:$0x8] =	stream.indirect.gather [hbm4b:s1+s28], $0x20, s8, s28, $0xb8;
	[tilespmem:$0x1E600] =	vst v63  }
0x52: {  	_ =	swait.ge [sflag:s0], $0x100  }
0x53: {  	[sflag:s0] =	ssyncset.done $0x0  }
0x54: {  	s21 =	simm.s32 $0x2600;
	[sflag:s0] =	ssyncadd.s32 $0xFFFFFF00  }
0x55: {  	[tilespmem:s21], [sflag:$0x9] =	stream.indirect.gather [hbm4b:s1+s28], $0x20, s24, s28, $0xb8;
	[tilespmem:$0x1E600] =	vst v63  }
0x56: {  	s2 =	simm.s32 $0x0;
	[bflag:$0x0] =	sbarrier.arrive $0xFFFF  }
.LBB2_2:
0x57: {  	p0 =	seq.s32 s2, $0x0  }
.Ltmp2:
0x58: {  	_ = 	snop;
	(pc) =	sbr.rel @p0 .LBB2_5-.Ltmp2, $2  }
0x59: {  	_ =	sdelay $0x2  }
0x5a: {  	s9 =	smul.u32 $0x6, s2  }
0x5b: {  	p1 =	seq.s32 s2, $0x1A  }
.Ltmp3:
0x5c: {  	_ = 	snop;
	(pc) =	sbr.rel @p1 .LBB2_6-.Ltmp3, $1  }
0x5d: {  	_ =	sdelay $0x3  }
0x5e: {  	s8 =	simm.s32 $0x11  }
0x5f: {  	_ =	swait.ge [sflag:s8], $0x2000  }
0x60: {  	[sflag:s8] =	ssyncset.done $0x0  }
0x61: {  	[sflag:s8] =	ssyncadd.s32 $0xFFFFE000  }
.LBB2_5:
0x62: {  	s8 =	rddreg [dreg:$0xa]  }
0x63: {  	s8 =	sadd.s32 s9, s8  }
0x64: {  	s8 =	sshll.u32 s8, $0x8  }
0x65: {  	s8 =	sadd.s32 s7, s8  }
0x66: {  	s8 =	sshrl.u32 s8, $0x3  }
0x67: {  	s8 =	sadd.s32 s5, s8  }
0x68: {  	[tilespmem:s29], [sflag:$0x5] =	stream.linear.gather [hbm4b:s8+s4], $0x100, $0x38;
	[tilespmem:$0x1E600] =	vst v63  }
.LBB2_6:
0x69: {  	_ =	swait.ge [sflag:s6], $0x100  }
0x6a: {  	[sflag:s6] =	ssyncset.done $0x0  }
0x6b: {  	s8 =	simm.s32 $0x3600;
	[sflag:s6] =	ssyncadd.s32 $0xFFFFFF00  }
0x6c: {  	[tilespmem:s8], [sflag:$0xA] =	stream.indirect.gather [hbm4b:s1+s28], $0x20, s25, s28, $0xb8;
	[tilespmem:$0x1E600] =	vst v63  }
0x6d: {  	_ =	swait.ge [sflag:s10], $0x1000  }
0x6e: {  	[sflag:s10] =	ssyncset.done $0x0  }
0x6f: {  	s21 =	simm.s32 $0x0;
	[sflag:s10] =	ssyncadd.s32 $0xFFFFF000  }
0x70: {  	v0 =	vld [tilespmem:s21+$0x600];
	_ =	sdelay $0x4  }
0x71: {  	s8 =	simm.s32 $0x6620;
	v1 =	vshll.u32 v0, $0x10  }
0x72: {  	v0 =	vand.u32 $0xFFFF0000, v0;
	[tilespmem:s8+$0xFFFFFFE0] =	vst v1  }
0x73: {  	[tilespmem:s8+$0xFFFFFFF0] =	vst v0  }
0x74: {  	s13 =	simm.s32 $0x80;
	v0 =	vld [tilespmem:s21+$0x610];
	s21 =	simm.s32 $0x6620  }
.LBB2_7:
0x75: {  	_ =	sdelay $0x2  }
0x76: {  	p1 =	sne.s32 s13, $0x3F80  }
0x77: {  	s8 =	sadd.s32 $0x40, s8;
	s14 =	smov.u32 s13;
	s13 =	sadd.s32 $0x80, s13;
	v1 =	vshll.u32 v0, $0x10;
	v0 =	vand.u32 $0xFFFF0000, v0  }
0x78: {  	[tilespmem:s21+$0x0] =	vst v1  }
0x79: {  	s14 =	sshra.s32 s14, $0x2;
	[tilespmem:s21+$0x10] =	vst v0;
	s21 =	smov.u32 s8  }
0x7a: {  	v0 =	vld [tilespmem:s14+$0x600];
	_ =	sdelay $0x3  }
.Ltmp4:
0x7b: {  	(pc) =	sbr.rel @p1 .LBB2_7-.Ltmp4, $4  }
0x7c: {  	v1 =	vshll.u32 v0, $0x10;
	v0 =	vand.u32 $0xFFFF0000, v0  }
0x7d: {  	[tilespmem:s8+$0xFFFFFFE0] =	vst v1  }
0x7e: {  	[tilespmem:s8+$0xFFFFFFF0] =	vst v0  }
0x7f: {  	v0 =	vld [tilespmem:s14+$0x610]  }
0x80: {  	_ =	sdelay $0x2  }
.Ltmp5:
0x81: {  	_ = 	snop;
	(pc) =	sbr.rel @p0 .LBB2_11-.Ltmp5, $4  }
0x82: {  	v1 =	vshll.u32 v0, $0x10  }
0x83: {  	v63 =	vand.u32 $0xFFFF0000, v0;
	[tilespmem:s21+$0x0] =	vst v1  }
0x84: {  	s8 =	simm.s32 $0x6600;
	[tilespmem:s21+$0x10] =	vst v63  }
0x85: {  	[spmem:s3] =	stream.indirect.scatter.add.f32 [tilespmem:s8], [sflag:$0xD], $0x40, s28, s28, $0xb8;
	[tilespmem:$0x1E600] =	vst v63  }
0x86: {  	p0 =	seq.s32 s2, $0x1A  }
.Ltmp6:
0x87: {  	_ = 	snop;
	(pc) =	sbr.rel @p0 .LBB2_12-.Ltmp6, $1  }
0x88: {  	_ =	sdelay $0x3  }
0x89: {  	s8 =	simm.s32 $0x12  }
0x8a: {  	_ =	swait.ge [sflag:s8], $0x2000  }
0x8b: {  	[sflag:s8] =	ssyncset.done $0x0  }
0x8c: {  	[sflag:s8] =	ssyncadd.s32 $0xFFFFE000  }
.LBB2_11:
0x8d: {  	s8 =	rddreg [dreg:$0xb]  }
0x8e: {  	s8 =	sadd.s32 s9, s8  }
0x8f: {  	s8 =	sshll.u32 s8, $0x8  }
0x90: {  	s8 =	sadd.s32 s7, s8  }
0x91: {  	s8 =	sshrl.u32 s8, $0x3  }
0x92: {  	s13 =	simm.s32 $0x500;
	s8 =	sadd.s32 s5, s8  }
0x93: {  	[tilespmem:s13], [sflag:$0x6] =	stream.linear.gather [hbm4b:s8+s4], $0x100, $0x38;
	[tilespmem:$0x1E600] =	vst v63  }
0x94: {  	_ =	swait.ge [sflag:s19], $0x100  }
0x95: {  	[sflag:s19] =	ssyncset.done $0x0  }
0x96: {  	s21 =	simm.s32 $0x4600;
	[sflag:s19] =	ssyncadd.s32 $0xFFFFFF00  }
0x97: {  	[tilespmem:s21], [sflag:$0xB] =	stream.indirect.gather [hbm4b:s1+s28], $0x20, s29, s28, $0xb8;
	[tilespmem:$0x1E600] =	vst v63  }
.LBB2_12:
0x98: {  	_ =	swait.ge [sflag:s26], $0x1000  }
0x99: {  	[sflag:s26] =	ssyncset.done $0x0  }
0x9a: {  	s14 =	simm.s32 $0x0;
	[sflag:s26] =	ssyncadd.s32 $0xFFFFF000  }
0x9b: {  	v0 =	vld [tilespmem:s14+$0x1600];
	_ =	sdelay $0x4  }
0x9c: {  	s8 =	simm.s32 $0x8620;
	v1 =	vshll.u32 v0, $0x10  }
0x9d: {  	v0 =	vand.u32 $0xFFFF0000, v0;
	[tilespmem:s8+$0xFFFFFFE0] =	vst v1  }
0x9e: {  	[tilespmem:s8+$0xFFFFFFF0] =	vst v0  }
0x9f: {  	s13 =	simm.s32 $0x80;
	s21 =	simm.s32 $0x8620;
	v0 =	vld [tilespmem:s14+$0x1610]  }
.LBB2_13:
0xa0: {  	_ =	sdelay $0x2  }
0xa1: {  	p0 =	sne.s32 s13, $0x3F80  }
0xa2: {  	s8 =	sadd.s32 $0x40, s8;
	s14 =	smov.u32 s13;
	s13 =	sadd.s32 $0x80, s13;
	v1 =	vshll.u32 v0, $0x10;
	v0 =	vand.u32 $0xFFFF0000, v0  }
0xa3: {  	[tilespmem:s21+$0x0] =	vst v1  }
0xa4: {  	s14 =	sshra.s32 s14, $0x2;
	[tilespmem:s21+$0x10] =	vst v0;
	s21 =	smov.u32 s8  }
0xa5: {  	v0 =	vld [tilespmem:s14+$0x1600];
	_ =	sdelay $0x3  }
.Ltmp7:
0xa6: {  	(pc) =	sbr.rel @p0 .LBB2_13-.Ltmp7, $4  }
0xa7: {  	v1 =	vshll.u32 v0, $0x10;
	v0 =	vand.u32 $0xFFFF0000, v0  }
0xa8: {  	[tilespmem:s8+$0xFFFFFFE0] =	vst v1  }
0xa9: {  	[tilespmem:s8+$0xFFFFFFF0] =	vst v0  }
0xaa: {  	v0 =	vld [tilespmem:s14+$0x1610]  }
0xab: {  	_ =	sdelay $0x3  }
0xac: {  	v1 =	vshll.u32 v0, $0x10  }
0xad: {  	v0 =	vand.u32 $0xFFFF0000, v0;
	[tilespmem:s21+$0x0] =	vst v1  }
0xae: {  	p0 =	seq.s32 s2, $0x1A;
	s8 =	simm.s32 $0x180;
	s13 =	simm.s32 $0x8600;
	[tilespmem:s21+$0x10] =	vst v0  }
0xaf: {  	[spmem:s3] =	stream.indirect.scatter.add.f32 [tilespmem:s13], [sflag:$0xE], $0x40, s8, s28, $0xb8;
	[tilespmem:$0x1E600] =	vst v63  }
0xb0: {  	s8 =	sadd.s32 @!p0 s9, s15  }
0xb1: {  	s13 =	simm.s32 @!p0 $0xD;
	s8 =	sshll.u32 @!p0 s8, $0x8  }
0xb2: {  	_ =	swait.ge @!p0 [sflag:s13], $0x2000;
	s8 =	sadd.s32 @!p0 s7, s8  }
0xb3: {  	[sflag:s13] =	ssyncset.done @!p0 $0x0;
	s8 =	sshrl.u32 @!p0 s8, $0x3  }
0xb4: {  	[sflag:s13] =	ssyncadd.s32 @!p0 $0xFFFFE000;
	s13 =	simm.s32 @!p0 $0x0;
	s8 =	sadd.s32 @!p0 s5, s8  }
0xb5: {  	[tilespmem:s13], [sflag:$0x1] =	stream.linear.gather @!p0 [hbm4b:s8+s13], $0x100, $0x38;
	[tilespmem:$0x1E600] =	vst v63  }
0xb6: {  	s8 =	simm.s32 @!p0 $0x6  }
0xb7: {  	_ =	swait.ge @!p0 [sflag:s8], $0x100  }
0xb8: {  	s14 =	simm.s32 @!p0 $0x5600;
	[sflag:s8] =	ssyncset.done @!p0 $0x0  }
0xb9: {  	s13 =	simm.s32 @!p0 $0x500;
	[sflag:s8] =	ssyncadd.s32 @!p0 $0xFFFFFF00;
	s8 =	simm.s32 @!p0 $0x80  }
0xba: {  	[tilespmem:s14], [sflag:$0xC] =	stream.indirect.gather @!p0 [hbm4b:s1+s8], $0x20, s13, s8, $0xb8;
	[tilespmem:$0x1E600] =	vst v63  }
0xbb: {  	_ =	swait.ge [sflag:s22], $0x1000  }
0xbc: {  	[sflag:s22] =	ssyncset.done $0x0  }
0xbd: {  	s21 =	simm.s32 $0x0;
	[sflag:s22] =	ssyncadd.s32 $0xFFFFF000  }
0xbe: {  	v0 =	vld [tilespmem:s21+$0x2600];
	_ =	sdelay $0x4  }
0xbf: {  	s8 =	simm.s32 $0xA620;
	v1 =	vshll.u32 v0, $0x10  }
0xc0: {  	v0 =	vand.u32 $0xFFFF0000, v0;
	[tilespmem:s8+$0xFFFFFFE0] =	vst v1  }
0xc1: {  	[tilespmem:s8+$0xFFFFFFF0] =	vst v0  }
0xc2: {  	s13 =	simm.s32 $0x80;
	v0 =	vld [tilespmem:s21+$0x2610];
	s21 =	simm.s32 $0xA620  }
.LBB2_15:
0xc3: {  	_ =	sdelay $0x2  }
0xc4: {  	p1 =	sne.s32 s13, $0x3F80  }
0xc5: {  	s8 =	sadd.s32 $0x40, s8;
	s14 =	smov.u32 s13;
	s13 =	sadd.s32 $0x80, s13;
	v1 =	vshll.u32 v0, $0x10;
	v0 =	vand.u32 $0xFFFF0000, v0  }
0xc6: {  	[tilespmem:s21+$0x0] =	vst v1  }
0xc7: {  	s14 =	sshra.s32 s14, $0x2;
	[tilespmem:s21+$0x10] =	vst v0;
	s21 =	smov.u32 s8  }
0xc8: {  	v0 =	vld [tilespmem:s14+$0x2600];
	_ =	sdelay $0x3  }
.Ltmp8:
0xc9: {  	(pc) =	sbr.rel @p1 .LBB2_15-.Ltmp8, $4  }
0xca: {  	v1 =	vshll.u32 v0, $0x10;
	v0 =	vand.u32 $0xFFFF0000, v0  }
0xcb: {  	[tilespmem:s8+$0xFFFFFFE0] =	vst v1  }
0xcc: {  	[tilespmem:s8+$0xFFFFFFF0] =	vst v0  }
0xcd: {  	v0 =	vld [tilespmem:s14+$0x2610]  }
0xce: {  	_ =	sdelay $0x3  }
0xcf: {  	v1 =	vshll.u32 v0, $0x10  }
0xd0: {  	v0 =	vand.u32 $0xFFFF0000, v0;
	[tilespmem:s21+$0x0] =	vst v1  }
0xd1: {  	s8 =	simm.s32 $0x280;
	s13 =	simm.s32 $0xA600;
	[tilespmem:s21+$0x10] =	vst v0  }
0xd2: {  	[spmem:s3] =	stream.indirect.scatter.add.f32 [tilespmem:s13], [sflag:$0xF], $0x40, s8, s28, $0xb8;
	[tilespmem:$0x1E600] =	vst v63  }
0xd3: {  	s8 =	simm.s32 @!p0 $0xE;
	s13 =	sadd.s32 @!p0 s9, s16  }
0xd4: {  	_ =	swait.ge @!p0 [sflag:s8], $0x2000;
	s13 =	sshll.u32 @!p0 s13, $0x8  }
0xd5: {  	[sflag:s8] =	ssyncset.done @!p0 $0x0;
	s13 =	sadd.s32 @!p0 s7, s13  }
0xd6: {  	[sflag:s8] =	ssyncadd.s32 @!p0 $0xFFFFE000;
	s8 =	sshrl.u32 @!p0 s13, $0x3  }
0xd7: {  	s14 =	simm.s32 @!p0 $0x100;
	s13 =	simm.s32 @!p0 $0x0;
	s8 =	sadd.s32 @!p0 s5, s8  }
0xd8: {  	[tilespmem:s14], [sflag:$0x2] =	stream.linear.gather @!p0 [hbm4b:s8+s13], $0x100, $0x38;
	[tilespmem:$0x1E600] =	vst v63  }
0xd9: {  	s8 =	simm.s32 @!p0 $0x1  }
0xda: {  	_ =	swait.ge @!p0 [sflag:s8], $0x100  }
0xdb: {  	[sflag:s8] =	ssyncset.done @!p0 $0x0  }
0xdc: {  	s14 =	simm.s32 @!p0 $0x600;
	[sflag:s8] =	ssyncadd.s32 @!p0 $0xFFFFFF00;
	s8 =	simm.s32 @!p0 $0x80  }
0xdd: {  	[tilespmem:s14], [sflag:$0x7] =	stream.indirect.gather @!p0 [hbm4b:s1+s8], $0x20, s13, s8, $0xb8;
	[tilespmem:$0x1E600] =	vst v63  }
0xde: {  	_ =	swait.ge [sflag:s31], $0x1000  }
0xdf: {  	[sflag:s31] =	ssyncset.done $0x0  }
0xe0: {  	s21 =	simm.s32 $0x0;
	[sflag:s31] =	ssyncadd.s32 $0xFFFFF000  }
0xe1: {  	v0 =	vld [tilespmem:s21+$0x3600];
	_ =	sdelay $0x4  }
0xe2: {  	s8 =	simm.s32 $0xC620;
	v1 =	vshll.u32 v0, $0x10  }
0xe3: {  	v0 =	vand.u32 $0xFFFF0000, v0;
	[tilespmem:s8+$0xFFFFFFE0] =	vst v1  }
0xe4: {  	[tilespmem:s8+$0xFFFFFFF0] =	vst v0  }
0xe5: {  	s13 =	simm.s32 $0x80;
	v0 =	vld [tilespmem:s21+$0x3610];
	s21 =	simm.s32 $0xC620  }
.LBB2_17:
0xe6: {  	_ =	sdelay $0x2  }
0xe7: {  	p1 =	sne.s32 s13, $0x3F80  }
0xe8: {  	s8 =	sadd.s32 $0x40, s8;
	s14 =	smov.u32 s13;
	s13 =	sadd.s32 $0x80, s13;
	v1 =	vshll.u32 v0, $0x10;
	v0 =	vand.u32 $0xFFFF0000, v0  }
0xe9: {  	[tilespmem:s21+$0x0] =	vst v1  }
0xea: {  	s14 =	sshra.s32 s14, $0x2;
	[tilespmem:s21+$0x10] =	vst v0;
	s21 =	smov.u32 s8  }
0xeb: {  	v0 =	vld [tilespmem:s14+$0x3600];
	_ =	sdelay $0x3  }
.Ltmp9:
0xec: {  	(pc) =	sbr.rel @p1 .LBB2_17-.Ltmp9, $4  }
0xed: {  	v1 =	vshll.u32 v0, $0x10;
	v0 =	vand.u32 $0xFFFF0000, v0  }
0xee: {  	[tilespmem:s8+$0xFFFFFFE0] =	vst v1  }
0xef: {  	[tilespmem:s8+$0xFFFFFFF0] =	vst v0  }
0xf0: {  	v0 =	vld [tilespmem:s14+$0x3610]  }
0xf1: {  	_ =	sdelay $0x2  }
.Ltmp10:
0xf2: {  	_ = 	snop;
	(pc) =	sbr.rel @p0 .LBB2_24-.Ltmp10, $4  }
0xf3: {  	v1 =	vshll.u32 v0, $0x10  }
0xf4: {  	v63 =	vand.u32 $0xFFFF0000, v0;
	[tilespmem:s21+$0x0] =	vst v1  }
0xf5: {  	s8 =	simm.s32 $0x380;
	s13 =	simm.s32 $0xC600;
	[tilespmem:s21+$0x10] =	vst v63  }
0xf6: {  	[spmem:s3] =	stream.indirect.scatter.add.f32 [tilespmem:s13], [sflag:$0x10], $0x40, s8, s28, $0xb8;
	[tilespmem:$0x1E600] =	vst v63  }
0xf7: {  	s8 =	sadd.s32 s9, s17  }
0xf8: {  	s8 =	sshll.u32 s8, $0x8  }
0xf9: {  	_ =	swait.ge [sflag:s11], $0x2000;
	s8 =	sadd.s32 s7, s8  }
0xfa: {  	[sflag:s11] =	ssyncset.done $0x0;
	s8 =	sshrl.u32 s8, $0x3  }
0xfb: {  	s13 =	simm.s32 $0x0;
	[sflag:s11] =	ssyncadd.s32 $0xFFFFE000;
	s8 =	sadd.s32 s5, s8  }
0xfc: {  	[tilespmem:s24], [sflag:$0x3] =	stream.linear.gather [hbm4b:s8+s13], $0x100, $0x38;
	[tilespmem:$0x1E600] =	vst v63  }
0xfd: {  	_ =	swait.ge [sflag:s30], $0x100  }
0xfe: {  	[sflag:s30] =	ssyncset.done $0x0  }
0xff: {  	s14 =	simm.s32 $0x100;
	s21 =	simm.s32 $0x1600;
	[sflag:s30] =	ssyncadd.s32 $0xFFFFFF00  }
0x100: {  	[tilespmem:s21], [sflag:$0x8] =	stream.indirect.gather [hbm4b:s1+s28], $0x20, s14, s28, $0xb8;
	[tilespmem:$0x1E600] =	vst v63  }
0x101: {  	_ =	swait.ge [sflag:s12], $0x1000  }
0x102: {  	[sflag:s12] =	ssyncset.done $0x0  }
0x103: {  	s14 =	simm.s32 $0x0;
	[sflag:s12] =	ssyncadd.s32 $0xFFFFF000  }
0x104: {  	v0 =	vld [tilespmem:s14+$0x4600];
	_ =	sdelay $0x4  }
0x105: {  	s8 =	simm.s32 $0xE620;
	v1 =	vshll.u32 v0, $0x10  }
0x106: {  	v0 =	vand.u32 $0xFFFF0000, v0;
	[tilespmem:s8+$0xFFFFFFE0] =	vst v1  }
0x107: {  	[tilespmem:s8+$0xFFFFFFF0] =	vst v0  }
0x108: {  	s13 =	simm.s32 $0x80;
	s21 =	simm.s32 $0xE620;
	v0 =	vld [tilespmem:s14+$0x4610]  }
.LBB2_20:
0x109: {  	_ =	sdelay $0x2  }
0x10a: {  	p0 =	sne.s32 s13, $0x3F80  }
0x10b: {  	s8 =	sadd.s32 $0x40, s8;
	s14 =	smov.u32 s13;
	s13 =	sadd.s32 $0x80, s13;
	v1 =	vshll.u32 v0, $0x10;
	v0 =	vand.u32 $0xFFFF0000, v0  }
0x10c: {  	[tilespmem:s21+$0x0] =	vst v1  }
0x10d: {  	s14 =	sshra.s32 s14, $0x2;
	[tilespmem:s21+$0x10] =	vst v0;
	s21 =	smov.u32 s8  }
0x10e: {  	v0 =	vld [tilespmem:s14+$0x4600];
	_ =	sdelay $0x3  }
.Ltmp11:
0x10f: {  	(pc) =	sbr.rel @p0 .LBB2_20-.Ltmp11, $4  }
0x110: {  	v1 =	vshll.u32 v0, $0x10;
	v0 =	vand.u32 $0xFFFF0000, v0  }
0x111: {  	[tilespmem:s8+$0xFFFFFFE0] =	vst v1  }
0x112: {  	[tilespmem:s8+$0xFFFFFFF0] =	vst v0  }
0x113: {  	v0 =	vld [tilespmem:s14+$0x4610]  }
0x114: {  	_ =	sdelay $0x3  }
0x115: {  	v1 =	vshll.u32 v0, $0x10  }
0x116: {  	v0 =	vand.u32 $0xFFFF0000, v0;
	[tilespmem:s21+$0x0] =	vst v1  }
0x117: {  	s8 =	simm.s32 $0x480;
	s13 =	simm.s32 $0xE600;
	s9 =	sadd.s32 s9, s18;
	[tilespmem:s21+$0x10] =	vst v0  }
0x118: {  	[spmem:s3] =	stream.indirect.scatter.add.f32 [tilespmem:s13], [sflag:$0x11], $0x40, s8, s28, $0xb8;
	[tilespmem:$0x1E600] =	vst v63  }
0x119: {  	s8 =	sshll.u32 s9, $0x8  }
0x11a: {  	_ =	swait.ge [sflag:s23], $0x2000;
	s8 =	sadd.s32 s7, s8  }
0x11b: {  	[sflag:s23] =	ssyncset.done $0x0;
	s8 =	sshrl.u32 s8, $0x3  }
0x11c: {  	s13 =	simm.s32 $0x0;
	[sflag:s23] =	ssyncadd.s32 $0xFFFFE000;
	s8 =	sadd.s32 s5, s8  }
0x11d: {  	[tilespmem:s25], [sflag:$0x4] =	stream.linear.gather [hbm4b:s8+s13], $0x100, $0x38;
	[tilespmem:$0x1E600] =	vst v63  }
0x11e: {  	_ =	swait.ge [sflag:s0], $0x100  }
0x11f: {  	[sflag:s0] =	ssyncset.done $0x0  }
0x120: {  	s14 =	simm.s32 $0x2600;
	[sflag:s0] =	ssyncadd.s32 $0xFFFFFF00  }
0x121: {  	[tilespmem:s14], [sflag:$0x9] =	stream.indirect.gather [hbm4b:s1+s28], $0x20, s24, s28, $0xb8;
	[tilespmem:$0x1E600] =	vst v63  }
0x122: {  	_ =	swait.ge [sflag:s20], $0x1000  }
0x123: {  	[sflag:s20] =	ssyncset.done $0x0  }
0x124: {  	s21 =	simm.s32 $0x0;
	[sflag:s20] =	ssyncadd.s32 $0xFFFFF000  }
0x125: {  	v0 =	vld [tilespmem:s21+$0x5600];
	_ =	sdelay $0x4  }
0x126: {  	s8 =	simm.s32 $0x10620;
	v1 =	vshll.u32 v0, $0x10  }
0x127: {  	v0 =	vand.u32 $0xFFFF0000, v0;
	[tilespmem:s8+$0xFFFFFFE0] =	vst v1  }
0x128: {  	[tilespmem:s8+$0xFFFFFFF0] =	vst v0  }
0x129: {  	s9 =	simm.s32 $0x10620;
	s13 =	simm.s32 $0x80;
	v0 =	vld [tilespmem:s21+$0x5610]  }
.LBB2_22:
0x12a: {  	_ =	sdelay $0x2  }
0x12b: {  	p0 =	sne.s32 s13, $0x3F80  }
0x12c: {  	s8 =	sadd.s32 $0x40, s8;
	s14 =	smov.u32 s13;
	s13 =	sadd.s32 $0x80, s13;
	v1 =	vshll.u32 v0, $0x10;
	v0 =	vand.u32 $0xFFFF0000, v0  }
0x12d: {  	[tilespmem:s9+$0x0] =	vst v1  }
0x12e: {  	s14 =	sshra.s32 s14, $0x2;
	[tilespmem:s9+$0x10] =	vst v0;
	s9 =	smov.u32 s8  }
0x12f: {  	v0 =	vld [tilespmem:s14+$0x5600];
	_ =	sdelay $0x3  }
.Ltmp12:
0x130: {  	(pc) =	sbr.rel @p0 .LBB2_22-.Ltmp12, $4  }
0x131: {  	v1 =	vshll.u32 v0, $0x10;
	v0 =	vand.u32 $0xFFFF0000, v0  }
0x132: {  	[tilespmem:s8+$0xFFFFFFE0] =	vst v1  }
0x133: {  	[tilespmem:s8+$0xFFFFFFF0] =	vst v0  }
0x134: {  	v0 =	vld [tilespmem:s14+$0x5610]  }
0x135: {  	_ =	sdelay $0x2  }
.Ltmp13:
0x136: {  	_ = 	snop;
	(pc) =	sbr.rel .LBB2_2-.Ltmp13, $4  }
0x137: {  	v1 =	vshll.u32 v0, $0x10  }
0x138: {  	v63 =	vand.u32 $0xFFFF0000, v0;
	[tilespmem:s9+$0x0] =	vst v1  }
0x139: {  	s8 =	simm.s32 $0x580;
	s21 =	simm.s32 $0x10600;
	s2 =	sadd.s32 $0x1, s2;
	[tilespmem:s9+$0x10] =	vst v63  }
0x13a: {  	[spmem:s3] =	stream.indirect.scatter.add.f32 [tilespmem:s21], [sflag:$0x12], $0x40, s8, s28, $0xb8;
	[tilespmem:$0x1E600] =	vst v63  }
.LBB2_25:
0x13b: {  	_ =	sfence.sel $0x180000  }
0x13c: {  	[bflag:$0x0] =	sbarrier.arrive $0xFFFF  }
0x13d: {  	_ =	strace $0x9000004D  }
0x13e: {  	s0 =	stileid.u32;
	[bflag:$0x2] =	sbarrier.arrive $0xFFFF  }
0x13f: {  	p0 =	sne.s32 s0, $0x0;
	s0 =	rddreg [dreg:$0x3]  }
0x140: {  	s0 =	sadd.s32 @!p0 $0x100000, s0  }
0x141: {  	[sflag:s0] =	ssyncadd.tile.s32 @!p0 $0x1;
	_ =	shalt  }
.Lfunc_end2:
_tile_overlayer_lowered:
.L_overlay_start_2:
0x142: {  	(tag) =	ssettag $0x2  }
0x143: {  	s0 =	rddreg [dreg:$0x0];
	s2 =	stileid.u32  }
0x144: {  	s1 =	rddreg [dreg:$0x1];
	p0 =	sne.s32 s2, $0x0  }
0x145: {  	s3 =	rddreg [dreg:$0x2];
	[bflag:$0x3] =	sbarrier.arrive $0xFFFF;
	s2 =	simm.s32 @!p0 $0x1C13  }
0x146: {  	[timem:s3], [sflag:s2] =	dma.local @!p0 [hbm:s0], s1  }
0x147: {  	s0 =	simm.s32 @!p0 $0x13  }
0x148: {  	_ =	swait.ge @!p0 [sflag:s0], s1  }
0x149: {  	s1 =	ssub.s32 @!p0 $0x0, s1;
	[sflag:s0] =	ssyncset.done @!p0 $0x0  }
0x14a: {  	[sflag:s0] =	ssyncadd.s32 @!p0 s1  }
0x14b: {  	[bflag:$0x3] =	sbarrier.arrive $0xFFFF  }
0x14c: {  	_ =	shalt  }

// kernel: kernel.7.cloned.1.call-start
scs
__scs_entry_jumppad:
0x0: {  	(pc) =	sbr.rel $0x88, $3  }
0x1: {  	(tag) =	ssettag $0x0;
	lr =	simm.s32 $0x1  }
0x2: {  	[smem:$0x3F99] =	sst lr;
	_ =	strace $0xD0000000  }
0x3: {  	_ = 	snop  }
0x4: {  	_ = 	snop  }
0x5: {  	_ = 	snop  }
0x6: {  	_ = 	snop  }
0x7: {  	_ = 	snop  }
__scs_overlays_trampoline_lowered:
0x8: {  	[smem:$0x3FA8] =	sst s0  }
0x9: {  	[smem:$0x3FA9] =	sst s1  }
0xa: {  	[smem:$0x3FAA] =	sst s2  }
0xb: {  	[smem:$0x3FAB] =	sst s3  }
0xc: {  	[smem:$0x3FAC] =	sst s4  }
0xd: {  	[smem:$0x3FAD] =	sst s5  }
0xe: {  	[smem:$0x3FAE] =	sst s6  }
0xf: {  	[smem:$0x3FAF] =	sst s7  }
0x10: {  	[smem:$0x3FB0] =	sst s8  }
0x11: {  	[smem:$0x3FB1] =	sst s9;
	s0 =	simm.s32 @!p0 $0x0  }
0x12: {  	s1 =	sld [smem:$0x3F97];
	s0 =	simm.s32 @p0 $0x1  }
0x13: {  	[smem:$0x3FB2] =	sst s0;
	s0 =	simm.s32 @!p1 $0x0  }
0x14: {  	s2 =	sld [smem:$0x3F96];
	s0 =	simm.s32 @p1 $0x1  }
0x15: {  	[smem:$0x3FB3] =	sst s0;
	s0 =	simm.s32 @!p2 $0x0  }
0x16: {  	s3 =	sld [smem:$0x3FDB];
	s0 =	simm.s32 @p2 $0x1  }
0x17: {  	s4 =	simm.s32 $0x1BF5;
	[smem:$0x3FB5] =	sst s0  }
0x18: {  	s0 =	sld [smem:$0x3F98];
	_ =	swait.ge [sflag:s4], $0x0  }
0x19: {  	s7 =	sld [smem:$0x3F99]  }
0x1a: {  	s8 =	sadd.s32 $0xFFFFE003, lr  }
0x1b: {  	s9 =	sadd.s32 $0xFFFFFEF7, lr;
	s5 =	simm.s32 $0xFFFFFFFF;
	p2 =	slt.u32 s8, $0xFFFFF086  }
0x1c: {  	p1 =	slt.u32 s9, $0xF7A;
	s5 =	simm.s32 @!p2 $0x0  }
0x1d: {  	s5 =	simm.s32 @p1 $0x1;
	p0 =	seq.s32 s7, s2  }
0x1e: {  	s7 =	smul.u32 @!p0 $0xF7A, s2;
	p2 =	seq.s32 @!p0 s5, $0x0  }
0x1f: {  	s9 =	smul.u32 $0xF7A, s1;
	s8 =	simm.s32 @!p0 $0x1BF5;
	p2 =	por !p2, p0  }
0x20: {  	[sflag:s8] =	ssyncset.s32 @!p0 $0xFFFFF086;
	s6 =	sadd.s32 @!p0 s3, s7;
	s7 =	simm.s32 @!p0 $0x108  }
0x21: {  	s3 =	sadd.s32 s3, s9;
	s6 =	sadd.s32 @!p0 $0x88, s6;
	s7 =	simm.s32 @p2 $0x1082  }
0x22: {  	[simem:s7], [sflag:s8] =	dma.local @!p0 [hbm:s6], $0xF7A  }
0x23: {  	s9 =	sor.u32 $0xD0000000, s2;
	s6 =	simm.s32 $0x108;
	_ =	swait.ge @!p0 [sflag:s8], $0x0  }
0x24: {  	s3 =	sadd.s32 $0x88, s3;
	s6 =	simm.s32 @!p1 $0x1082;
	[sflag:s4] =	ssyncset.s32 $0xFFFFF086  }
0x25: {  	[simem:s6], [sflag:s4] =	dma.local [hbm:s3], $0xF7A  }
0x26: {  	[smem:$0x3F99] =	sst s1;
	(tag) =	ssettag s2;
	_ =	strace s9  }
0x27: {  	s1 =	sld [smem:$0x3FA9]  }
0x28: {  	s2 =	sld [smem:$0x3FAA]  }
0x29: {  	s4 =	sld [smem:$0x3FAC]  }
0x2a: {  	p0 =	seq.s32 s5, $0x0;
	s5 =	sld [smem:$0x3FAD]  }
0x2b: {  	s6 =	sld [smem:$0x3FAE]  }
0x2c: {  	s7 =	sld [smem:$0x3FAF]  }
0x2d: {  	s3 =	simm.s32 $0x108;
	s8 =	sld [smem:$0x3FB0]  }
0x2e: {  	s3 =	simm.s32 @!p0 $0x1082;
	s9 =	sld [smem:$0x3FB1]  }
0x2f: {  	lr =	sadd.s32 s0, s3;
	s0 =	sld [smem:$0x3FA8]  }
0x30: {  	s3 =	sld [smem:$0x3FAB]  }
0x31: {  	[smem:$0x3FB4] =	sst s10  }
0x32: {  	s10 =	sld [smem:$0x3FB2];
	_ =	sdelay $0x3  }
0x33: {  	p0 =	seq.s32 s10, $0x1;
	s10 =	sld [smem:$0x3FB4];
	_ =	sdelay $0x3  }
0x34: {  	[smem:$0x3FB4] =	sst s10  }
0x35: {  	s10 =	sld [smem:$0x3FB3];
	_ =	sdelay $0x3  }
0x36: {  	p1 =	seq.s32 s10, $0x1;
	s10 =	sld [smem:$0x3FB4];
	_ =	sdelay $0x3  }
0x37: {  	[smem:$0x3FB4] =	sst s10  }
0x38: {  	s10 =	sld [smem:$0x3FB5]  }
0x39: {  	_ = 	snop;
	(pc) =	sbr.ind lr, $3  }
0x3a: {  	_ = 	snop  }
0x3b: {  	_ = 	snop  }
0x3c: {  	p2 =	seq.s32 s10, $0x1;
	s10 =	sld [smem:$0x3FB4]  }
0x3d: {  	_ =	shalt  }
0x3e: {  	_ =	shalt  }
0x3f: {  	_ =	shalt  }
0x40: {  	_ =	shalt  }
0x41: {  	_ =	shalt  }
0x42: {  	_ =	shalt  }
0x43: {  	_ =	shalt  }
0x44: {  	_ =	shalt  }
0x45: {  	_ =	shalt  }
0x46: {  	_ =	shalt  }
0x47: {  	_ =	shalt  }
0x48: {  	_ =	shalt  }
0x49: {  	_ =	shalt  }
0x4a: {  	_ =	shalt  }
0x4b: {  	_ =	shalt  }
0x4c: {  	_ =	shalt  }
0x4d: {  	_ =	shalt  }
0x4e: {  	_ =	shalt  }
0x4f: {  	_ =	shalt  }
0x50: {  	_ =	shalt  }
0x51: {  	_ =	shalt  }
0x52: {  	_ =	shalt  }
0x53: {  	_ =	shalt  }
0x54: {  	_ =	shalt  }
0x55: {  	_ =	shalt  }
0x56: {  	_ =	shalt  }
0x57: {  	_ =	shalt  }
0x58: {  	_ =	shalt  }
0x59: {  	_ =	shalt  }
0x5a: {  	_ =	shalt  }
0x5b: {  	_ =	shalt  }
0x5c: {  	_ =	shalt  }
0x5d: {  	_ =	shalt  }
0x5e: {  	_ =	shalt  }
0x5f: {  	_ =	shalt  }
0x60: {  	_ =	shalt  }
0x61: {  	_ =	shalt  }
0x62: {  	_ =	shalt  }
0x63: {  	_ =	shalt  }
0x64: {  	_ =	shalt  }
0x65: {  	_ =	shalt  }
0x66: {  	_ =	shalt  }
0x67: {  	_ =	shalt  }
0x68: {  	_ =	shalt  }
0x69: {  	_ =	shalt  }
0x6a: {  	_ =	shalt  }
0x6b: {  	_ =	shalt  }
0x6c: {  	_ =	shalt  }
0x6d: {  	_ =	shalt  }
0x6e: {  	_ =	shalt  }
0x6f: {  	_ =	shalt  }
0x70: {  	_ =	shalt  }
0x71: {  	_ =	shalt  }
0x72: {  	_ =	shalt  }
0x73: {  	_ =	shalt  }
0x74: {  	_ =	shalt  }
0x75: {  	_ =	shalt  }
0x76: {  	_ =	shalt  }
0x77: {  	_ =	shalt  }
0x78: {  	_ =	shalt  }
0x79: {  	_ =	shalt  }
0x7a: {  	_ =	shalt  }
0x7b: {  	_ =	shalt  }
0x7c: {  	_ =	shalt  }
0x7d: {  	_ =	shalt  }
0x7e: {  	_ =	shalt  }
0x7f: {  	_ =	shalt  }
0x80: {  	_ =	shalt  }
0x81: {  	_ =	shalt  }
0x82: {  	_ =	shalt  }
0x83: {  	_ =	shalt  }
0x84: {  	_ =	shalt  }
0x85: {  	_ =	shalt  }
0x86: {  	_ =	shalt  }
0x87: {  	_ =	shalt  }
.Lfunc_end0:
.L_simem_size_0:
called_computation_lowered:
.L_overlay_start_0:
0x88: {  	s2 =	sld [smem:$0x3FD9]  }
0x89: {  	s3 =	sld [smem:$0x3FFE];
	_ =	sdelay $0x1  }
0x8a: {  	s1 =	srdreg.scid  }
0x8b: {  	s0 =	sand.u32 $0x1, s1  }
0x8c: {  	s17 =	sshll.u32 s0, $0xA;
	s2 =	sadd.s32 s3, s2  }
0x8d: {  	s2 =	sadd.s32 s2, s17  }
0x8e: {  	[smem:$0x3FC0] =	sst s2  }
0x8f: {  	_ = 	snop  }
0x90: {  	(tm) =	ssettm $0x1  }
0x91: {  	s18 =	sld [smem:$0x3FFB];
	_ =	sdelay $0x3  }
0x92: {  	_ =	strace s18  }
0x93: {  	s2 =	sld [smem:$0x3FFC];
	_ =	sdelay $0x3  }
0x94: {  	_ =	strace s2  }
0x95: {  	s2 =	sld [smem:$0x3FFD];
	_ =	sdelay $0x3  }
0x96: {  	_ =	strace s2  }
0x97: {  	_ =	strace $0x8FFFFFFF  }
0x98: {  	s19 =	sld [smem:$0x3FDB];
	_ =	sdelay $0x1  }
0x99: {  	s20 =	simm.s32 $_scs_section_size  }
0x9a: {  	s4 =	simm.s32 $_size__tile_overlayer_lowered;
	s5 =	simm.s32 $_tile_overlayer_lowered  }
0x9b: {  	s6 =	simm.s32 $0x1BFF;
	s21 =	sshll.u32 s5, $0x1;
	s3 =	sadd.s32 s20, s19  }
0x9c: {  	s22 =	simm.s32 $0x0;
	s4 =	sshll.u32 s4, $0x1;
	s5 =	sadd.s32 s21, s3  }
0x9d: {  	[timem:s22], [sflag:s6] =	dma.local [hbm:s5], s4  }
0x9e: {  	_ =	swait.ge [sflag:s6], s4  }
0x9f: {  	s4 =	ssub.s32 $0x0, s4;
	[sflag:s6] =	ssyncset.done $0x0  }
0xa0: {  	[sflag:s6] =	ssyncadd.s32 s4;
	_ =	sdelay $0x1  }
0xa1: {  	s23 =	simm.s32 $0x1B8B  }
0xa2: {  	_ =	swait.ge [sflag:s23], $0x1  }
0xa3: {  	[sflag:s23] =	ssyncset.done $0x0  }
0xa4: {  	[sflag:s23] =	ssyncadd.s32 $0xFFFFFFFF  }
0xa5: {  	s4 =	sld [smem:$0x0]  }
0xa6: {  	s5 =	sand.u32 $0xFFFFFFFE, s1  }
0xa7: {  	p0 =	sne.s32 s1, s5  }
0xa8: {  	s5 =	sshll.u32 @p0 s5, $0xE  }
0xa9: {  	s5 =	sadd.s32 @p0 $0x11B8D, s5;
	s6 =	sshll.u32 @p0 s4, $0x11  }
0xaa: {  	s5 =	sor.u32 @p0 s6, s5  }
0xab: {  	[sflag:s5] =	ssyncadd.remote.s32 @p0 $0x1;
	_ =	sdelay $0x1  }
0xac: {  	s5 =	simm.s32 @p0 $0x1B8D  }
0xad: {  	_ =	swait.eq @p0 [sflag:s5], $0x1  }
0xae: {  	[sflag:s5] =	ssyncadd.s32 @p0 $0xFFFFFFFF  }
0xaf: {  	s6 =	sshll.u32 @!p0 s1, $0xE  }
0xb0: {  	s6 =	sor.u32 @!p0 $0x4000, s6;
	s5 =	simm.s32 @!p0 $0x1B8D  }
0xb1: {  	s4 =	sshll.u32 @!p0 s4, $0x11;
	s6 =	sadd.s32 @!p0 $0x11B8D, s6;
	_ =	swait.eq @!p0 [sflag:s5], $0x1  }
0xb2: {  	s4 =	sor.u32 @!p0 s4, s6;
	[sflag:s5] =	ssyncadd.s32 @!p0 $0xFFFFFFFF  }
0xb3: {  	s25 =	simm.s32 $0x1B8E;
	s24 =	sld [smem:$0x3FFE];
	[sflag:s4] =	ssyncadd.remote.s32 @!p0 $0x1  }
0xb4: {  	s26 =	simm.s32 $execute0_lowered;
	[smem:$0x3FD2] =	sst s25  }
0xb5: {  	s5 =	sshll.u32 s26, $0x1;
	_ =	strace $0x80000049;
	[dreg:$0x1] =	wrdreg $0xFFFFFFFF  }
0xb6: {  	s28 =	simm.s32 $_size_execute0_lowered;
	s3 =	sadd.s32 s3, s5;
	[dreg:$0x0] =	wrdreg $0x0  }
0xb7: {  	s5 =	sshll.u32 s28, $0x1;
	[dreg:$0x2] =	wrdreg s3  }
0xb8: {  	[dreg:$0x3] =	wrdreg s5  }
0xb9: {  	[dreg:$0x4] =	wrdreg $0xC0  }
0xba: {  	_ =	task [dreg:s22], $0x5FFFF  }
0xbb: {  	[dreg:$0x1] =	wrdreg $0xFFFFFFFF  }
0xbc: {  	[dreg:$0x0] =	wrdreg $0x60  }
0xbd: {  	[dreg:$0x2] =	wrdreg s24  }
0xbe: {  	[dreg:$0x3] =	wrdreg $0x2C000  }
0xbf: {  	[dreg:$0x4] =	wrdreg $0x9  }
0xc0: {  	_ =	task.clear_ibuf [dreg:s22], $0x5FFFF;
	_ =	strace $0x90000049  }
0xc1: {  	s29 =	simm.s32 $0x9;
	_ =	strace $0x8000004B  }
0xc2: {  	_ =	swait.ge [sflag:s29], $0x1  }
0xc3: {  	[sflag:s29] =	ssyncadd.s32 $0xFFFFFFFF  }
0xc4: {  	_ =	strace $0x9000004B  }
0xc5: {  	_ =	sfence  }
0xc6: {  	s30 =	sld [smem:$0x0];
	_ =	sdelay $0x2  }
0xc7: {  	s31 =	sshll.u32 s1, $0xD;
	s1 =	sshrl.u32 s1, $0x2  }
0xc8: {  	s4 =	sand.u32 $0x4000, s31;
	s1 =	sadd.s32 s1, s30  }
0xc9: {  	s0 =	sor.u32 s4, s0;
	s1 =	sshll.u32 s1, $0x11  }
0xca: {  	s0 =	sor.u32 s1, s0  }
0xcb: {  	s0 =	sadd.s32 $0x8F2B, s0  }
0xcc: {  	[sflag:s0] =	ssyncadd.remote.s32 $0x1  }
0xcd: {  	_ =	sfence.sel $0xFFFF  }
0xce: {  	[dreg:$0x0] =	wrdreg $0xFFFFFFFF;
	(pc) =	sbr.abs _section_cstart, $3  }
0xcf: {  	[dreg:$0x1] =	wrdreg $0xFFFFFFFF  }
0xd0: {  	_ =	task.clear_ibuf [dreg:s22], $0x2FFFF;
	_ =	strace $0x9FFFFFFF  }
0xd1: {  	(tm) =	ssettm $0x7FFFFFFF  }
tec
execute0_lowered:
.L_overlay_start_1:
0x0: {  	(tag) =	ssettag $0x1  }
0x1: {  	s6 =	rddreg [dreg:$0x0]  }
0x2: {  	s0 =	srdreg.scid;
	s2 =	rddreg [dreg:$0x1];
	s3 =	simm.s32 $0x0  }
0x3: {  	s13 =	simm.s32 $0x80;
	s5 =	sand.u32 $0x1, s0;
	s0 =	stileid.u32  }
0x4: {  	s14 =	simm.s32 $0x0;
	[smem:$0x7FF] =	sst s3;
	s7 =	smul.u32 $0x1800, s0  }
0x5: {  	s1 =	sshll.u32 s5, $0x4;
	s8 =	smul.u32 $0x18000, s5;
	s10 =	ssub.s32 $0x2, s5  }
0x6: {  	s5 =	sadd.s32 $0xC6800, s6;
	s11 =	sshll.u32 s0, $0x6;
	s1 =	sor.u32 s0, s1  }
0x7: {  	s31 =	sshrl.u32 s10, $0x1;
	s11 =	sor.u32 $0x1C01, s11;
	s4 =	smul.u32 $0x500, s1  }
0x8: {  	s1 =	rddreg [dreg:$0x2];
	_ =	strace $0x8000004A;
	s8 =	sadd.s32 s7, s8  }
0x9: {  	s10 =	ssub.s32 s10, s31;
	s12 =	sadd.s32 s7, s2;
	s8 =	sshrl.u32 s8, $0x3  }
0xa: {  	s12 =	sshrl.u32 s12, $0x3;
	s9 =	sadd.s32 s4, s6;
	s8 =	sadd.s32 s8, s6  }
0xb: {  	s4 =	sadd.s32 $0xC6400, s6;
	s6 =	sadd.s32 $0x62C00, s9;
	s7 =	sadd.s32 $0xC6A00, s8  }
0xc: {  	s8 =	smax.u32 s10, $0x1;
	s9 =	simm.s32 $0x1;
	s10 =	simm.s32 $0x2800  }
.LBB2_1:
0xd: {  	[tilespmem:s3], [sflag:$0x1] =	stream.linear.gather [hbm4b:s6+s3], $0x2800, $0x38;
	[tilespmem:$0x4400] =	vst v63  }
0xe: {  	_ =	swait.ge [sflag:s9], $0x2800  }
0xf: {  	[sflag:s9] =	ssyncset.done $0x0  }
0x10: {  	[sflag:s9] =	ssyncadd.s32 $0xFFFFD800  }
0x11: {  	[tilespmem:s10], [sflag:$0x1] =	stream.linear.gather [hbm4b:s5+s3], $0x400, $0x38;
	[tilespmem:$0x4400] =	vst v63  }
0x12: {  	_ =	swait.ge [sflag:s9], $0x400  }
0x13: {  	[sflag:s9] =	ssyncset.done $0x0  }
0x14: {  	[sflag:s9] =	ssyncadd.s32 $0xFFFFFC00  }
0x15: {  	[spmem:s12], [sflag:s11] =	dma.local [hbm:s4], $0x300  }
0x16: {  	_ =	swait.ge [sflag:s9], $0x300  }
0x17: {  	[sflag:s9] =	ssyncset.done $0x0  }
0x18: {  	[sflag:s9] =	ssyncadd.s32 $0xFFFFFD00  }
0x19: {  	s15 =	simm.s32 $0x0;
	[bflag:$0x0] =	sbarrier.arrive $0xFFFF  }
0x1a: {  	[spmem:s2] =	stream.indirect.scatter.add.f32 [tilespmem:s10], [sflag:$0x1], $0x8, s15, s13, $0xb8;
	[tilespmem:$0x4400] =	vst v63  }
0x1b: {  	_ =	swait.ge [sflag:s9], $0x400  }
0x1c: {  	s15 =	simm.s32 $0x200;
	[sflag:s9] =	ssyncset.done $0x0  }
.LBB2_2:
0x1d: {  	s16 =	sshra.s32 s15, $0x2;
	[sflag:s9] =	ssyncadd.s32 $0xFFFFFC00;
	p0 =	sne.s32 s15, $0x9E00  }
0x1e: {  	[spmem:s2] =	stream.indirect.scatter.add.f32 [tilespmem:s10], [sflag:$0x1], $0x8, s16, s13, $0xb8;
	[tilespmem:$0x4400] =	vst v63  }
.Ltmp0:
0x1f: {  	_ = 	snop;
	(pc) =	sbr.rel @p0 .LBB2_2-.Ltmp0, $4  }
0x20: {  	_ = 	snop  }
0x21: {  	s15 =	sadd.s32 $0x200, s15  }
0x22: {  	_ =	swait.ge [sflag:s9], $0x400  }
0x23: {  	[sflag:s9] =	ssyncset.done $0x0  }
0x24: {  	s14 =	sadd.s32 $0x1, s14  }
0x25: {  	[sflag:s9] =	ssyncadd.s32 $0xFFFFFC00;
	p0 =	sne.s32 s14, s8  }
.Ltmp1:
0x26: {  	[bflag:$0x0] =	sbarrier.arrive $0xFFFF;
	(pc) =	sbr.rel @p0 .LBB2_1-.Ltmp1, $4  }
0x27: {  	[hbm:s7], [sflag:s11] =	dma.local [spmem:s12], $0x300  }
0x28: {  	_ =	swait.ge [sflag:s9], $0x300  }
0x29: {  	[sflag:s9] =	ssyncset.done $0x0  }
0x2a: {  	[sflag:s9] =	ssyncadd.s32 $0xFFFFFD00  }
0x2b: {  	_ =	sfence.sel $0x180000  }
0x2c: {  	[bflag:$0x0] =	sbarrier.arrive $0xFFFF  }
0x2d: {  	p0 =	sne.s32 s0, $0x0;
	_ =	strace $0x9000004A  }
0x2e: {  	s0 =	sadd.s32 @!p0 $0x100000, s1;
	[bflag:$0x2] =	sbarrier.arrive $0xFFFF  }
0x2f: {  	[sflag:s0] =	ssyncadd.tile.s32 @!p0 $0x1;
	_ =	shalt  }
.Lfunc_end2:
_tile_overlayer_lowered:
.L_overlay_start_2:
0x30: {  	(tag) =	ssettag $0x2  }
0x31: {  	s0 =	rddreg [dreg:$0x0];
	s2 =	stileid.u32  }
0x32: {  	s1 =	rddreg [dreg:$0x1];
	p0 =	sne.s32 s2, $0x0  }
0x33: {  	s3 =	rddreg [dreg:$0x2];
	[bflag:$0x3] =	sbarrier.arrive $0xFFFF;
	s2 =	simm.s32 @!p0 $0x1C01  }
0x34: {  	[timem:s3], [sflag:s2] =	dma.local @!p0 [hbm:s0], s1  }
0x35: {  	s0 =	simm.s32 @!p0 $0x1  }
0x36: {  	_ =	swait.ge @!p0 [sflag:s0], s1  }
0x37: {  	s1 =	ssub.s32 @!p0 $0x0, s1;
	[sflag:s0] =	ssyncset.done @!p0 $0x0  }
0x38: {  	[sflag:s0] =	ssyncadd.s32 @!p0 s1  }
0x39: {  	[bflag:$0x3] =	sbarrier.arrive $0xFFFF  }
0x3a: {  	_ =	shalt  }

</sc_bundles>
